<compile_context>
chip_gen: v7x
topology: tpu7x:2x2x1
jax: 0.10.2.dev20260603
libtpu: 0.0.44.dev20260713+nightly
codegen_flags: <defaults>
</compile_context>

<pallas_src>
import functools

import jax
import jax.numpy as jnp
from jax import lax
from jax.experimental import pallas as pl
from jax.experimental.pallas import tpu as pltpu
from jax.experimental.pallas import tpu_sc as plsc

N = 10000
E = 320000
H = 128
L = 3

NW = 32
B = 128
NCH = 79
E2 = NW * NCH * B
N1 = 10240
NPT = N1 // NW
NPS = N1 // 16
RB = 512
GRID = N1 // RB

_MESH = plsc.VectorSubcoreMesh(core_axis_name="c", subcore_axis_name="s")


def _zero_f32(ref, n):
    def body(i, _):
        ref[pl.ds(i * 16, 16)] = jnp.zeros((16,), jnp.float32)
        return 0
    lax.fori_loop(0, n // 16, body, 0)


@functools.partial(
    pl.kernel,
    out_type=(
        jax.ShapeDtypeStruct((N1, H), jnp.float32),
        jax.ShapeDtypeStruct((NW, NCH, B), jnp.int32),
        jax.ShapeDtypeStruct((2, N1), jnp.float32),
    ),
    mesh=_MESH,
    scratch_types=[
        pltpu.VMEM((4, 80), jnp.int32),
        pltpu.VMEM((NPT, H), jnp.float32),
        pltpu.VMEM((NCH, B), jnp.int32),
        pltpu.VMEM((NCH, B), jnp.int32),
        pltpu.VMEM((NCH, B), jnp.int32),
        pltpu.VMEM((B,), jnp.float32),
        pltpu.VMEM((NPS,), jnp.float32),
        pltpu.VMEM_SHARED((N1,), jnp.float32),
        pltpu.SemaphoreType.DMA,
    ],
)
def _sc_setup(x4, embed, row3, col3, z0, colp3, cnt_out,
              xv, zrows, rowv, colv, colpv, onesv, zerov, cnt_sp, sem):
    c = lax.axis_index("c")
    s = lax.axis_index("s")
    w = c * 16 + s

    pltpu.sync_copy(x4.at[w], xv)
    for j in range(4):
        pltpu.async_copy(embed.at[xv.at[j]], zrows.at[pl.ds(j * 80, 80)],
                         sem).wait()
    pltpu.sync_copy(zrows, z0.at[pl.ds(w * NPT, NPT)])

    pltpu.sync_copy(row3.at[w], rowv)
    pltpu.sync_copy(col3.at[w], colv)

    def cbody(j, _):
        for t in range(B // 16):
            r = rowv[j, pl.ds(t * 16, 16)]
            cc = colv[j, pl.ds(t * 16, 16)]
            colpv[j, pl.ds(t * 16, 16)] = jnp.where(
                r == cc, jnp.full((16,), N, jnp.int32), cc)
        return 0
    lax.fori_loop(0, NCH, cbody, 0)
    pltpu.sync_copy(colpv, colp3.at[w])

    _zero_f32(zerov, NPS)
    def obody(i, _):
        onesv[pl.ds(i * 16, 16)] = jnp.ones((16,), jnp.float32)
        return 0
    lax.fori_loop(0, B // 16, obody, 0)
    pltpu.sync_copy(zerov, cnt_sp.at[pl.ds(s * NPS, NPS)])
    plsc.subcore_barrier()

    def sbody(j, _):
        pltpu.sync_copy(onesv, cnt_sp.at[colpv.at[j]], add=True)
        return 0
    lax.fori_loop(0, NCH, sbody, 0)
    plsc.subcore_barrier()

    pltpu.sync_copy(cnt_sp.at[pl.ds(s * NPS, NPS)],
                    cnt_out.at[c, pl.ds(s * NPS, NPS)])


@functools.partial(
    pl.kernel,
    out_type=jax.ShapeDtypeStruct((2, N1, H), jnp.float32),
    mesh=_MESH,
    scratch_types=[
        pltpu.VMEM((NCH, B), jnp.int32),
        pltpu.VMEM((NCH, B), jnp.int32),
        pltpu.VMEM((B, H), jnp.float32),
        pltpu.VMEM_SHARED((N1, H), jnp.float32),
        pltpu.SemaphoreType.DMA,
    ],
)
def _sc_scatter(z, row3, colp3, s_out, rowv, colpv, rbuf, accum, sem):
    c = lax.axis_index("c")
    s = lax.axis_index("s")
    w = c * 16 + s

    pltpu.sync_copy(row3.at[w], rowv)
    pltpu.sync_copy(colp3.at[w], colpv)

    def zbody(i, _):
        for t in range(8):
            rbuf[i, pl.ds(t * 16, 16)] = jnp.zeros((16,), jnp.float32)
        return 0
    lax.fori_loop(0, B, zbody, 0)
    for k in range(NPS // B):
        pltpu.sync_copy(rbuf, accum.at[pl.ds(s * NPS + k * B, B)])
    plsc.subcore_barrier()

    def body(j, _):
        pltpu.async_copy(z.at[rowv.at[j]], rbuf, sem).wait()
        pltpu.sync_copy(rbuf, accum.at[colpv.at[j]], add=True)
        return 0
    lax.fori_loop(0, NCH, body, 0)
    plsc.subcore_barrier()

    for k in range(NPS // B):
        pltpu.sync_copy(accum.at[pl.ds(s * NPS + k * B, B)],
                        s_out.at[c, pl.ds(s * NPS + k * B, B)])


def _dense_body(s0, s1, zb, c0, c1, wout, wroot, bo, zout):
    di = 1.0 / (1.0 + c0[0, 0, :] + c1[0, 0, :])
    agg = (s0[...] + s1[...] + zb[...]) * di[:, None]
    acc = jnp.dot(agg, wout[...], preferred_element_type=jnp.float32)
    acc += jnp.dot(zb[...], wroot[...], preferred_element_type=jnp.float32)
    zout[...] = jnp.maximum(acc + bo[...], 0.0)


def _dense_head_body(s0, s1, zb, c0, c1, wout, wroot, bo,
                     w1, b1, pa, w2, b2, zout, pout):
    di = 1.0 / (1.0 + c0[0, 0, :] + c1[0, 0, :])
    agg = (s0[...] + s1[...] + zb[...]) * di[:, None]
    acc = jnp.dot(agg, wout[...], preferred_element_type=jnp.float32)
    acc += jnp.dot(zb[...], wroot[...], preferred_element_type=jnp.float32)
    zn = jnp.maximum(acc + bo[...], 0.0)
    zout[...] = zn
    h = jnp.dot(zn, w1[...], preferred_element_type=jnp.float32) + b1[...]
    h = jnp.where(h >= 0.0, h, pa[...] * h)
    pout[...] = jnp.dot(h, w2[...], preferred_element_type=jnp.float32) + b2[...]


_ROWS = pl.BlockSpec((RB, H), lambda i: (i, 0))
_CNT = pl.BlockSpec((1, 1, RB), lambda i: (i, 0, 0))
_WMAT = pl.BlockSpec((H, H), lambda i: (0, 0))
_BVEC = pl.BlockSpec((1, H), lambda i: (0, 0))

_dense = pl.pallas_call(
    _dense_body,
    grid=(GRID,),
    in_specs=[_ROWS, _ROWS, _ROWS, _CNT, _CNT, _WMAT, _WMAT, _BVEC],
    out_specs=_ROWS,
    out_shape=jax.ShapeDtypeStruct((N1, H), jnp.float32),
)

_dense_head = pl.pallas_call(
    _dense_head_body,
    grid=(GRID,),
    in_specs=[_ROWS, _ROWS, _ROWS, _CNT, _CNT, _WMAT, _WMAT, _BVEC,
              _WMAT, _BVEC, _BVEC, _WMAT, _BVEC],
    out_specs=(_ROWS, _ROWS),
    out_shape=(jax.ShapeDtypeStruct((N1, H), jnp.float32),
               jax.ShapeDtypeStruct((N1, H), jnp.float32)),
)


def kernel(x, edge_type, edge_index, node_embed, Wout, bout, Wroot,
           W1, b1, prelu_a, W2, b2):
    row = edge_index[0].astype(jnp.int32)
    col = edge_index[1].astype(jnp.int32)
    rowp = jnp.concatenate([row, jnp.zeros((E2 - E,), jnp.int32)])
    colp = jnp.concatenate([col, jnp.full((E2 - E,), N, jnp.int32)])
    row3 = rowp.reshape(NW, NCH, B)
    col3 = colp.reshape(NW, NCH, B)
    x4 = jnp.concatenate([x.astype(jnp.int32),
                          jnp.zeros((N1 - N,), jnp.int32)]).reshape(NW, 4, 80)

    z0, colp3, cnt = _sc_setup(x4, node_embed, row3, col3)
    c0 = cnt[0].reshape(GRID, 1, RB)
    c1 = cnt[1].reshape(GRID, 1, RB)
    pa = jnp.reshape(prelu_a, (1, 1)) * jnp.ones((1, H), jnp.float32)

    z = z0
    for l in range(L):
        S = _sc_scatter(z, row3, colp3)
        wl = Wout[l]
        rl = Wroot[l]
        bl = bout[l].reshape(1, H)
        if l < L - 1:
            z = _dense(S[0], S[1], z, c0, c1, wl, rl, bl)
        else:
            z, proj = _dense_head(S[0], S[1], z, c0, c1, wl, rl, bl,
                                  W1, b1.reshape(1, H), pa,
                                  W2, b2.reshape(1, H))
    return z[:N], proj[:N]

# --- scband reference (transcript-rebuilt; emitter-appended) ---
"""Pipeline reference for scband-custom-conv-84301618085957 (READ-ONLY COPY).

The authoritative reference and input builder live on the scoring server;
editing this copy changes nothing except your own understanding.
"""

import jax, jax.numpy as jnp
import numpy as np

N = 10000
E = 320000
H = 128
P = 128
L = 3


def setup_inputs(seed: int = 0) -> dict:
    key = jax.random.key(seed)
    ks = jax.random.split(key, 10)
    x = jax.random.randint(ks[0], (N,), 0, 6)
    edge_type = jax.random.randint(ks[1], (E,), 0, 6)
    edge_index = jax.random.randint(ks[2], (2, E), 0, N)
    node_embed = jax.random.normal(ks[3], (6, H), dtype=jnp.float32)
    Wout = jax.random.normal(ks[4], (L, H, H), dtype=jnp.float32) / np.sqrt(H)
    bout = jnp.zeros((L, H), dtype=jnp.float32)
    Wroot = jax.random.normal(ks[5], (L, H, H), dtype=jnp.float32) / np.sqrt(H)
    W1 = jax.random.normal(ks[6], (H, P), dtype=jnp.float32) / np.sqrt(H)
    b1 = jnp.zeros((P,), dtype=jnp.float32)
    prelu_a = jnp.array(0.25, dtype=jnp.float32)
    W2 = jax.random.normal(ks[7], (P, P), dtype=jnp.float32) / np.sqrt(P)
    b2 = jnp.zeros((P,), dtype=jnp.float32)
    return {"x": x, "edge_type": edge_type, "edge_index": edge_index,
            "node_embed": node_embed, "Wout": Wout, "bout": bout, "Wroot": Wroot,
            "W1": W1, "b1": b1, "prelu_a": prelu_a, "W2": W2, "b2": b2}


def reference(x, edge_type, edge_index, node_embed, Wout, bout, Wroot, W1, b1, prelu_a, W2, b2):
    n = x.shape[0]
    # ClusterGCNConv preprocessing: remove self loops, add self loops (structure only; eager, non-jit)
    row, col = edge_index[0], edge_index[1]
    mask = row != col
    sl = jnp.arange(n, dtype=row.dtype)
    row = jnp.concatenate([row, sl])
    col = jnp.concatenate([col, sl])
    valid = jnp.concatenate([mask, jnp.ones((n,), dtype=bool)])
    deg = jnp.zeros((n,), dtype=jnp.float32).at[col].add(valid.astype(jnp.float32))
    deg = jnp.clip(deg, 1.0, None)
    deg_inv = 1.0 / deg
    ew = deg_inv[col] * valid.astype(jnp.float32)  # diag_lambda = 0 (PyG default)

    z = jnp.take(node_embed, x, axis=0)  # node_type_embed(batch.x).squeeze()
    ze = jnp.take(node_embed, edge_type, axis=0)  # computed in original forward but unused
    for l in range(L):
        msg = jnp.take(z, row, axis=0) * ew[:, None]
        agg = jnp.zeros((n, z.shape[1]), dtype=z.dtype).at[col].add(msg)
        z = agg @ Wout[l] + bout[l] + z @ Wroot[l]  # lin_out(agg) + lin_root(z)
        z = jax.nn.relu(z)  # activation; dropout p=0.0
    h = z @ W1 + b1
    h = jnp.where(h >= 0, h, prelu_a * h)  # PReLU (single shared parameter)
    proj = h @ W2 + b2
    return (z, proj)

if __name__ == "__main__":
    import jax
    _d = setup_inputs()
    print(jax.jit(kernel)(*tuple(_d.values())))

</pallas_src>

<mosaic_0001>
#map = affine_map<(d0, d1) -> (0, 0)>
#map1 = affine_map<(d0, d1) -> (0, 0, 0)>
module attributes {stable_mosaic.version = 14 : i64} {
  func.func @_sc_scatter(%arg0: i32, %arg1: i32, %arg2: memref<10240x128xf32, #tpu.memory_space<hbm>>, %arg3: memref<32x79x128xi32, #tpu.memory_space<hbm>>, %arg4: memref<32x79x128xi32, #tpu.memory_space<hbm>>, %arg5: memref<2x10240x128xf32, #tpu.memory_space<hbm>>, %arg6: memref<79x128xi32, #tpu.memory_space<vmem>>, %arg7: memref<79x128xi32, #tpu.memory_space<vmem>>, %arg8: memref<128x128xf32, #tpu.memory_space<vmem>>, %arg9: memref<10240x128xf32, #tpu.memory_space<vmem_shared>>, %arg10: memref<!tpu.dma_semaphore, #tpu.memory_space<semaphore_mem>>) attributes {dimension_semantics = [#tpu.dimension_semantics<core_parallel>, #tpu.dimension_semantics<subcore_parallel>], iteration_bounds = array<i64: 2, 16>, scalar_prefetch = 0 : i64, scratch_operands = 5 : i64, tpu.core_type = #tpu.core_type<sc_vector_subcore>, window_params = [{transform_indices = #map}, {transform_indices = #map1}, {transform_indices = #map1}, {transform_indices = #map1}]} {
    %mul3A = arith.constant 16 : i32
    %mul3A_0 = arith.muli %arg0, %mul3A : i32
    %add3A = arith.addi %mul3A_0, %arg1 : i32
    "tpu.region"() ({
      %run_scoped3A = tpu.sem_alloc : memref<!tpu.dma_semaphore, #tpu.memory_space<semaphore_mem>>
      %dma_start3A = arith.constant 0 : i32
      %dma_start3A_75 = arith.constant 0 : i32
      %dma_start3A_76 = tpu.memref_slice %arg3[%add3A, %dma_start3A, %dma_start3A_75] : memref<32x79x128xi32, #tpu.memory_space<hbm>> -> memref<1x79x128xi32, #tpu.memory_space<hbm>>
      %dma_start3A_77 = tpu.memref_squeeze %dma_start3A_76 : memref<1x79x128xi32, #tpu.memory_space<hbm>> -> memref<79x128xi32, #tpu.memory_space<hbm>>
      %dma_start3A_78 = arith.constant 0 : i32
      %dma_start3A_79 = arith.constant 0 : i32
      %dma_start3A_80 = tpu.memref_slice %arg3[%add3A, %dma_start3A_78, %dma_start3A_79] : memref<32x79x128xi32, #tpu.memory_space<hbm>> -> memref<1x79x128xi32, #tpu.memory_space<hbm>>
      %dma_start3A_81 = tpu.memref_squeeze %dma_start3A_80 : memref<1x79x128xi32, #tpu.memory_space<hbm>> -> memref<79x128xi32, #tpu.memory_space<hbm>>
      tpu.enqueue_dma source(%dma_start3A_81 : memref<79x128xi32, #tpu.memory_space<hbm>>) target(%arg6 : memref<79x128xi32, #tpu.memory_space<vmem>>) target_semaphore(%run_scoped3A : memref<!tpu.dma_semaphore, #tpu.memory_space<semaphore_mem>>)
      %dma_wait3A = arith.constant 0 : i32
      %dma_wait3A_82 = arith.constant 0 : i32
      %dma_wait3A_83 = tpu.memref_slice %arg3[%add3A, %dma_wait3A, %dma_wait3A_82] : memref<32x79x128xi32, #tpu.memory_space<hbm>> -> memref<1x79x128xi32, #tpu.memory_space<hbm>>
      %dma_wait3A_84 = tpu.memref_squeeze %dma_wait3A_83 : memref<1x79x128xi32, #tpu.memory_space<hbm>> -> memref<79x128xi32, #tpu.memory_space<hbm>>
      %dma_wait3A_85 = arith.constant 0 : i32
      %dma_wait3A_86 = arith.constant 0 : i32
      %dma_wait3A_87 = tpu.memref_slice %arg3[%add3A, %dma_wait3A_85, %dma_wait3A_86] : memref<32x79x128xi32, #tpu.memory_space<hbm>> -> memref<1x79x128xi32, #tpu.memory_space<hbm>>
      %dma_wait3A_88 = tpu.memref_squeeze %dma_wait3A_87 : memref<1x79x128xi32, #tpu.memory_space<hbm>> -> memref<79x128xi32, #tpu.memory_space<hbm>>
      tpu.wait_dma2 semaphore(%run_scoped3A : memref<!tpu.dma_semaphore, #tpu.memory_space<semaphore_mem>>) src(%dma_wait3A_88 : memref<79x128xi32, #tpu.memory_space<hbm>>) dst(%arg6 : memref<79x128xi32, #tpu.memory_space<vmem>>)
      tpu.yield
    }) : () -> ()
    "tpu.region"() ({
      %run_scoped3A = tpu.sem_alloc : memref<!tpu.dma_semaphore, #tpu.memory_space<semaphore_mem>>
      %dma_start3A = arith.constant 0 : i32
      %dma_start3A_75 = arith.constant 0 : i32
      %dma_start3A_76 = tpu.memref_slice %arg4[%add3A, %dma_start3A, %dma_start3A_75] : memref<32x79x128xi32, #tpu.memory_space<hbm>> -> memref<1x79x128xi32, #tpu.memory_space<hbm>>
      %dma_start3A_77 = tpu.memref_squeeze %dma_start3A_76 : memref<1x79x128xi32, #tpu.memory_space<hbm>> -> memref<79x128xi32, #tpu.memory_space<hbm>>
      %dma_start3A_78 = arith.constant 0 : i32
      %dma_start3A_79 = arith.constant 0 : i32
      %dma_start3A_80 = tpu.memref_slice %arg4[%add3A, %dma_start3A_78, %dma_start3A_79] : memref<32x79x128xi32, #tpu.memory_space<hbm>> -> memref<1x79x128xi32, #tpu.memory_space<hbm>>
      %dma_start3A_81 = tpu.memref_squeeze %dma_start3A_80 : memref<1x79x128xi32, #tpu.memory_space<hbm>> -> memref<79x128xi32, #tpu.memory_space<hbm>>
      tpu.enqueue_dma source(%dma_start3A_81 : memref<79x128xi32, #tpu.memory_space<hbm>>) target(%arg7 : memref<79x128xi32, #tpu.memory_space<vmem>>) target_semaphore(%run_scoped3A : memref<!tpu.dma_semaphore, #tpu.memory_space<semaphore_mem>>)
      %dma_wait3A = arith.constant 0 : i32
      %dma_wait3A_82 = arith.constant 0 : i32
      %dma_wait3A_83 = tpu.memref_slice %arg4[%add3A, %dma_wait3A, %dma_wait3A_82] : memref<32x79x128xi32, #tpu.memory_space<hbm>> -> memref<1x79x128xi32, #tpu.memory_space<hbm>>
      %dma_wait3A_84 = tpu.memref_squeeze %dma_wait3A_83 : memref<1x79x128xi32, #tpu.memory_space<hbm>> -> memref<79x128xi32, #tpu.memory_space<hbm>>
      %dma_wait3A_85 = arith.constant 0 : i32
      %dma_wait3A_86 = arith.constant 0 : i32
      %dma_wait3A_87 = tpu.memref_slice %arg4[%add3A, %dma_wait3A_85, %dma_wait3A_86] : memref<32x79x128xi32, #tpu.memory_space<hbm>> -> memref<1x79x128xi32, #tpu.memory_space<hbm>>
      %dma_wait3A_88 = tpu.memref_squeeze %dma_wait3A_87 : memref<1x79x128xi32, #tpu.memory_space<hbm>> -> memref<79x128xi32, #tpu.memory_space<hbm>>
      tpu.wait_dma2 semaphore(%run_scoped3A : memref<!tpu.dma_semaphore, #tpu.memory_space<semaphore_mem>>) src(%dma_wait3A_88 : memref<79x128xi32, #tpu.memory_space<hbm>>) dst(%arg7 : memref<79x128xi32, #tpu.memory_space<vmem>>)
      tpu.yield
    }) : () -> ()
    %scan3A = arith.constant 0 : i32
    %scan3A_1 = arith.constant 0 : i32
    %scan3A_2 = arith.constant 128 : i32
    %scan3A_3 = arith.addi %scan3A_1, %scan3A_2 : i32
    %scan3A_4 = arith.constant 1 : i32
    %scan3A_5 = scf.for %scan3A_75 = %scan3A_1 to %scan3A_3 step %scan3A_4 iter_args(%scan3A_76 = %scan3A) -> (i32)  : i32 {
      %broadcast_in_dim3A = arith.constant 0.000000e+00 : f32
      %broadcast_in_dim3A_77 = vector.broadcast %broadcast_in_dim3A : f32 to vector<16xf32>
      %swap3A = arith.index_cast %scan3A_75 : i32 to index
      %swap3A_78 = arith.constant 0 : index
      %swap3A_79 = tpu.vector_load %arg8[%swap3A, %swap3A_78] {strides = array<i32>} : memref<128x128xf32, #tpu.memory_space<vmem>>, vector<1x16xf32>,
      %swap3A_80 = vector.shape_cast %swap3A_79 : vector<1x16xf32> to vector<16xf32>
      %swap3A_81 = vector.shape_cast %broadcast_in_dim3A_77 : vector<16xf32> to vector<1x16xf32>
      tpu.vector_store %arg8[%swap3A, %swap3A_78], %swap3A_81 {strides = array<i32>} : memref<128x128xf32, #tpu.memory_space<vmem>>, vector<1x16xf32>,
      %broadcast_in_dim3A_82 = arith.constant 0.000000e+00 : f32
      %broadcast_in_dim3A_83 = vector.broadcast %broadcast_in_dim3A_82 : f32 to vector<16xf32>
      %swap3A_84 = arith.index_cast %scan3A_75 : i32 to index
      %swap3A_85 = arith.constant 16 : index
      %swap3A_86 = tpu.vector_load %arg8[%swap3A_84, %swap3A_85] {strides = array<i32>} : memref<128x128xf32, #tpu.memory_space<vmem>>, vector<1x16xf32>,
      %swap3A_87 = vector.shape_cast %swap3A_86 : vector<1x16xf32> to vector<16xf32>
      %swap3A_88 = vector.shape_cast %broadcast_in_dim3A_83 : vector<16xf32> to vector<1x16xf32>
      tpu.vector_store %arg8[%swap3A_84, %swap3A_85], %swap3A_88 {strides = array<i32>} : memref<128x128xf32, #tpu.memory_space<vmem>>, vector<1x16xf32>,
      %broadcast_in_dim3A_89 = arith.constant 0.000000e+00 : f32
      %broadcast_in_dim3A_90 = vector.broadcast %broadcast_in_dim3A_89 : f32 to vector<16xf32>
      %swap3A_91 = arith.index_cast %scan3A_75 : i32 to index
      %swap3A_92 = arith.constant 32 : index
      %swap3A_93 = tpu.vector_load %arg8[%swap3A_91, %swap3A_92] {strides = array<i32>} : memref<128x128xf32, #tpu.memory_space<vmem>>, vector<1x16xf32>,
      %swap3A_94 = vector.shape_cast %swap3A_93 : vector<1x16xf32> to vector<16xf32>
      %swap3A_95 = vector.shape_cast %broadcast_in_dim3A_90 : vector<16xf32> to vector<1x16xf32>
      tpu.vector_store %arg8[%swap3A_91, %swap3A_92], %swap3A_95 {strides = array<i32>} : memref<128x128xf32, #tpu.memory_space<vmem>>, vector<1x16xf32>,
      %broadcast_in_dim3A_96 = arith.constant 0.000000e+00 : f32
      %broadcast_in_dim3A_97 = vector.broadcast %broadcast_in_dim3A_96 : f32 to vector<16xf32>
      %swap3A_98 = arith.index_cast %scan3A_75 : i32 to index
      %swap3A_99 = arith.constant 48 : index
      %swap3A_100 = tpu.vector_load %arg8[%swap3A_98, %swap3A_99] {strides = array<i32>} : memref<128x128xf32, #tpu.memory_space<vmem>>, vector<1x16xf32>,
      %swap3A_101 = vector.shape_cast %swap3A_100 : vector<1x16xf32> to vector<16xf32>
      %swap3A_102 = vector.shape_cast %broadcast_in_dim3A_97 : vector<16xf32> to vector<1x16xf32>
      tpu.vector_store %arg8[%swap3A_98, %swap3A_99], %swap3A_102 {strides = array<i32>} : memref<128x128xf32, #tpu.memory_space<vmem>>, vector<1x16xf32>,
      %broadcast_in_dim3A_103 = arith.constant 0.000000e+00 : f32
      %broadcast_in_dim3A_104 = vector.broadcast %broadcast_in_dim3A_103 : f32 to vector<16xf32>
      %swap3A_105 = arith.index_cast %scan3A_75 : i32 to index
      %swap3A_106 = arith.constant 64 : index
      %swap3A_107 = tpu.vector_load %arg8[%swap3A_105, %swap3A_106] {strides = array<i32>} : memref<128x128xf32, #tpu.memory_space<vmem>>, vector<1x16xf32>,
      %swap3A_108 = vector.shape_cast %swap3A_107 : vector<1x16xf32> to vector<16xf32>
      %swap3A_109 = vector.shape_cast %broadcast_in_dim3A_104 : vector<16xf32> to vector<1x16xf32>
      tpu.vector_store %arg8[%swap3A_105, %swap3A_106], %swap3A_109 {strides = array<i32>} : memref<128x128xf32, #tpu.memory_space<vmem>>, vector<1x16xf32>,
      %broadcast_in_dim3A_110 = arith.constant 0.000000e+00 : f32
      %broadcast_in_dim3A_111 = vector.broadcast %broadcast_in_dim3A_110 : f32 to vector<16xf32>
      %swap3A_112 = arith.index_cast %scan3A_75 : i32 to index
      %swap3A_113 = arith.constant 80 : index
      %swap3A_114 = tpu.vector_load %arg8[%swap3A_112, %swap3A_113] {strides = array<i32>} : memref<128x128xf32, #tpu.memory_space<vmem>>, vector<1x16xf32>,
      %swap3A_115 = vector.shape_cast %swap3A_114 : vector<1x16xf32> to vector<16xf32>
      %swap3A_116 = vector.shape_cast %broadcast_in_dim3A_111 : vector<16xf32> to vector<1x16xf32>
      tpu.vector_store %arg8[%swap3A_112, %swap3A_113], %swap3A_116 {strides = array<i32>} : memref<128x128xf32, #tpu.memory_space<vmem>>, vector<1x16xf32>,
      %broadcast_in_dim3A_117 = arith.constant 0.000000e+00 : f32
      %broadcast_in_dim3A_118 = vector.broadcast %broadcast_in_dim3A_117 : f32 to vector<16xf32>
      %swap3A_119 = arith.index_cast %scan3A_75 : i32 to index
      %swap3A_120 = arith.constant 96 : index
      %swap3A_121 = tpu.vector_load %arg8[%swap3A_119, %swap3A_120] {strides = array<i32>} : memref<128x128xf32, #tpu.memory_space<vmem>>, vector<1x16xf32>,
      %swap3A_122 = vector.shape_cast %swap3A_121 : vector<1x16xf32> to vector<16xf32>
      %swap3A_123 = vector.shape_cast %broadcast_in_dim3A_118 : vector<16xf32> to vector<1x16xf32>
      tpu.vector_store %arg8[%swap3A_119, %swap3A_120], %swap3A_123 {strides = array<i32>} : memref<128x128xf32, #tpu.memory_space<vmem>>, vector<1x16xf32>,
      %broadcast_in_dim3A_124 = arith.constant 0.000000e+00 : f32
      %broadcast_in_dim3A_125 = vector.broadcast %broadcast_in_dim3A_124 : f32 to vector<16xf32>
      %swap3A_126 = arith.index_cast %scan3A_75 : i32 to index
      %swap3A_127 = arith.constant 112 : index
      %swap3A_128 = tpu.vector_load %arg8[%swap3A_126, %swap3A_127] {strides = array<i32>} : memref<128x128xf32, #tpu.memory_space<vmem>>, vector<1x16xf32>,
      %swap3A_129 = vector.shape_cast %swap3A_128 : vector<1x16xf32> to vector<16xf32>
      %swap3A_130 = vector.shape_cast %broadcast_in_dim3A_125 : vector<16xf32> to vector<1x16xf32>
      tpu.vector_store %arg8[%swap3A_126, %swap3A_127], %swap3A_130 {strides = array<i32>} : memref<128x128xf32, #tpu.memory_space<vmem>>, vector<1x16xf32>,
      %scan3A_131 = arith.constant 0 : i32
      scf.yield %scan3A_131 : i32
    }
    %scan3A_6 = arith.constant 128 : i32
    %mul3A_7 = arith.constant 640 : i32
    %mul3A_8 = arith.muli %arg1, %mul3A_7 : i32
    %add3A_9 = arith.constant 0 : i32
    %add3A_10 = arith.addi %mul3A_8, %add3A_9 : i32
    "tpu.region"() ({
      %run_scoped3A = tpu.sem_alloc : memref<!tpu.dma_semaphore, #tpu.memory_space<semaphore_mem>>
      %dma_start3A = arith.constant 0 : i32
      %dma_start3A_75 = tpu.memref_slice %arg9[%add3A_10, %dma_start3A] : memref<10240x128xf32, #tpu.memory_space<vmem_shared>> -> memref<128x128xf32, #tpu.memory_space<vmem_shared>>
      %dma_start3A_76 = arith.constant 0 : i32
      %dma_start3A_77 = tpu.memref_slice %arg9[%add3A_10, %dma_start3A_76] : memref<10240x128xf32, #tpu.memory_space<vmem_shared>> -> memref<128x128xf32, #tpu.memory_space<vmem_shared>>
      tpu.enqueue_dma source(%arg8 : memref<128x128xf32, #tpu.memory_space<vmem>>) target(%dma_start3A_77 : memref<128x128xf32, #tpu.memory_space<vmem_shared>>) target_semaphore(%run_scoped3A : memref<!tpu.dma_semaphore, #tpu.memory_space<semaphore_mem>>)
      %dma_wait3A = arith.constant 0 : i32
      %dma_wait3A_78 = tpu.memref_slice %arg9[%add3A_10, %dma_wait3A] : memref<10240x128xf32, #tpu.memory_space<vmem_shared>> -> memref<128x128xf32, #tpu.memory_space<vmem_shared>>
      %dma_wait3A_79 = arith.constant 0 : i32
      %dma_wait3A_80 = tpu.memref_slice %arg9[%add3A_10, %dma_wait3A_79] : memref<10240x128xf32, #tpu.memory_space<vmem_shared>> -> memref<128x128xf32, #tpu.memory_space<vmem_shared>>
      tpu.wait_dma2 semaphore(%run_scoped3A : memref<!tpu.dma_semaphore, #tpu.memory_space<semaphore_mem>>) src(%arg8 : memref<128x128xf32, #tpu.memory_space<vmem>>) dst(%dma_wait3A_80 : memref<128x128xf32, #tpu.memory_space<vmem_shared>>)
      tpu.yield
    }) : () -> ()
    %mul3A_11 = arith.constant 640 : i32
    %mul3A_12 = arith.muli %arg1, %mul3A_11 : i32
    %add3A_13 = arith.constant 128 : i32
    %add3A_14 = arith.addi %mul3A_12, %add3A_13 : i32
    "tpu.region"() ({
      %run_scoped3A = tpu.sem_alloc : memref<!tpu.dma_semaphore, #tpu.memory_space<semaphore_mem>>
      %dma_start3A = arith.constant 0 : i32
      %dma_start3A_75 = tpu.memref_slice %arg9[%add3A_14, %dma_start3A] : memref<10240x128xf32, #tpu.memory_space<vmem_shared>> -> memref<128x128xf32, #tpu.memory_space<vmem_shared>>
      %dma_start3A_76 = arith.constant 0 : i32
      %dma_start3A_77 = tpu.memref_slice %arg9[%add3A_14, %dma_start3A_76] : memref<10240x128xf32, #tpu.memory_space<vmem_shared>> -> memref<128x128xf32, #tpu.memory_space<vmem_shared>>
      tpu.enqueue_dma source(%arg8 : memref<128x128xf32, #tpu.memory_space<vmem>>) target(%dma_start3A_77 : memref<128x128xf32, #tpu.memory_space<vmem_shared>>) target_semaphore(%run_scoped3A : memref<!tpu.dma_semaphore, #tpu.memory_space<semaphore_mem>>)
      %dma_wait3A = arith.constant 0 : i32
      %dma_wait3A_78 = tpu.memref_slice %arg9[%add3A_14, %dma_wait3A] : memref<10240x128xf32, #tpu.memory_space<vmem_shared>> -> memref<128x128xf32, #tpu.memory_space<vmem_shared>>
      %dma_wait3A_79 = arith.constant 0 : i32
      %dma_wait3A_80 = tpu.memref_slice %arg9[%add3A_14, %dma_wait3A_79] : memref<10240x128xf32, #tpu.memory_space<vmem_shared>> -> memref<128x128xf32, #tpu.memory_space<vmem_shared>>
      tpu.wait_dma2 semaphore(%run_scoped3A : memref<!tpu.dma_semaphore, #tpu.memory_space<semaphore_mem>>) src(%arg8 : memref<128x128xf32, #tpu.memory_space<vmem>>) dst(%dma_wait3A_80 : memref<128x128xf32, #tpu.memory_space<vmem_shared>>)
      tpu.yield
    }) : () -> ()
    %mul3A_15 = arith.constant 640 : i32
    %mul3A_16 = arith.muli %arg1, %mul3A_15 : i32
    %add3A_17 = arith.constant 256 : i32
    %add3A_18 = arith.addi %mul3A_16, %add3A_17 : i32
    "tpu.region"() ({
      %run_scoped3A = tpu.sem_alloc : memref<!tpu.dma_semaphore, #tpu.memory_space<semaphore_mem>>
      %dma_start3A = arith.constant 0 : i32
      %dma_start3A_75 = tpu.memref_slice %arg9[%add3A_18, %dma_start3A] : memref<10240x128xf32, #tpu.memory_space<vmem_shared>> -> memref<128x128xf32, #tpu.memory_space<vmem_shared>>
      %dma_start3A_76 = arith.constant 0 : i32
      %dma_start3A_77 = tpu.memref_slice %arg9[%add3A_18, %dma_start3A_76] : memref<10240x128xf32, #tpu.memory_space<vmem_shared>> -> memref<128x128xf32, #tpu.memory_space<vmem_shared>>
      tpu.enqueue_dma source(%arg8 : memref<128x128xf32, #tpu.memory_space<vmem>>) target(%dma_start3A_77 : memref<128x128xf32, #tpu.memory_space<vmem_shared>>) target_semaphore(%run_scoped3A : memref<!tpu.dma_semaphore, #tpu.memory_space<semaphore_mem>>)
      %dma_wait3A = arith.constant 0 : i32
      %dma_wait3A_78 = tpu.memref_slice %arg9[%add3A_18, %dma_wait3A] : memref<10240x128xf32, #tpu.memory_space<vmem_shared>> -> memref<128x128xf32, #tpu.memory_space<vmem_shared>>
      %dma_wait3A_79 = arith.constant 0 : i32
      %dma_wait3A_80 = tpu.memref_slice %arg9[%add3A_18, %dma_wait3A_79] : memref<10240x128xf32, #tpu.memory_space<vmem_shared>> -> memref<128x128xf32, #tpu.memory_space<vmem_shared>>
      tpu.wait_dma2 semaphore(%run_scoped3A : memref<!tpu.dma_semaphore, #tpu.memory_space<semaphore_mem>>) src(%arg8 : memref<128x128xf32, #tpu.memory_space<vmem>>) dst(%dma_wait3A_80 : memref<128x128xf32, #tpu.memory_space<vmem_shared>>)
      tpu.yield
    }) : () -> ()
    %mul3A_19 = arith.constant 640 : i32
    %mul3A_20 = arith.muli %arg1, %mul3A_19 : i32
    %add3A_21 = arith.constant 384 : i32
    %add3A_22 = arith.addi %mul3A_20, %add3A_21 : i32
    "tpu.region"() ({
      %run_scoped3A = tpu.sem_alloc : memref<!tpu.dma_semaphore, #tpu.memory_space<semaphore_mem>>
      %dma_start3A = arith.constant 0 : i32
      %dma_start3A_75 = tpu.memref_slice %arg9[%add3A_22, %dma_start3A] : memref<10240x128xf32, #tpu.memory_space<vmem_shared>> -> memref<128x128xf32, #tpu.memory_space<vmem_shared>>
      %dma_start3A_76 = arith.constant 0 : i32
      %dma_start3A_77 = tpu.memref_slice %arg9[%add3A_22, %dma_start3A_76] : memref<10240x128xf32, #tpu.memory_space<vmem_shared>> -> memref<128x128xf32, #tpu.memory_space<vmem_shared>>
      tpu.enqueue_dma source(%arg8 : memref<128x128xf32, #tpu.memory_space<vmem>>) target(%dma_start3A_77 : memref<128x128xf32, #tpu.memory_space<vmem_shared>>) target_semaphore(%run_scoped3A : memref<!tpu.dma_semaphore, #tpu.memory_space<semaphore_mem>>)
      %dma_wait3A = arith.constant 0 : i32
      %dma_wait3A_78 = tpu.memref_slice %arg9[%add3A_22, %dma_wait3A] : memref<10240x128xf32, #tpu.memory_space<vmem_shared>> -> memref<128x128xf32, #tpu.memory_space<vmem_shared>>
      %dma_wait3A_79 = arith.constant 0 : i32
      %dma_wait3A_80 = tpu.memref_slice %arg9[%add3A_22, %dma_wait3A_79] : memref<10240x128xf32, #tpu.memory_space<vmem_shared>> -> memref<128x128xf32, #tpu.memory_space<vmem_shared>>
      tpu.wait_dma2 semaphore(%run_scoped3A : memref<!tpu.dma_semaphore, #tpu.memory_space<semaphore_mem>>) src(%arg8 : memref<128x128xf32, #tpu.memory_space<vmem>>) dst(%dma_wait3A_80 : memref<128x128xf32, #tpu.memory_space<vmem_shared>>)
      tpu.yield
    }) : () -> ()
    %mul3A_23 = arith.constant 640 : i32
    %mul3A_24 = arith.muli %arg1, %mul3A_23 : i32
    %add3A_25 = arith.constant 512 : i32
    %add3A_26 = arith.addi %mul3A_24, %add3A_25 : i32
    "tpu.region"() ({
      %run_scoped3A = tpu.sem_alloc : memref<!tpu.dma_semaphore, #tpu.memory_space<semaphore_mem>>
      %dma_start3A = arith.constant 0 : i32
      %dma_start3A_75 = tpu.memref_slice %arg9[%add3A_26, %dma_start3A] : memref<10240x128xf32, #tpu.memory_space<vmem_shared>> -> memref<128x128xf32, #tpu.memory_space<vmem_shared>>
      %dma_start3A_76 = arith.constant 0 : i32
      %dma_start3A_77 = tpu.memref_slice %arg9[%add3A_26, %dma_start3A_76] : memref<10240x128xf32, #tpu.memory_space<vmem_shared>> -> memref<128x128xf32, #tpu.memory_space<vmem_shared>>
      tpu.enqueue_dma source(%arg8 : memref<128x128xf32, #tpu.memory_space<vmem>>) target(%dma_start3A_77 : memref<128x128xf32, #tpu.memory_space<vmem_shared>>) target_semaphore(%run_scoped3A : memref<!tpu.dma_semaphore, #tpu.memory_space<semaphore_mem>>)
      %dma_wait3A = arith.constant 0 : i32
      %dma_wait3A_78 = tpu.memref_slice %arg9[%add3A_26, %dma_wait3A] : memref<10240x128xf32, #tpu.memory_space<vmem_shared>> -> memref<128x128xf32, #tpu.memory_space<vmem_shared>>
      %dma_wait3A_79 = arith.constant 0 : i32
      %dma_wait3A_80 = tpu.memref_slice %arg9[%add3A_26, %dma_wait3A_79] : memref<10240x128xf32, #tpu.memory_space<vmem_shared>> -> memref<128x128xf32, #tpu.memory_space<vmem_shared>>
      tpu.wait_dma2 semaphore(%run_scoped3A : memref<!tpu.dma_semaphore, #tpu.memory_space<semaphore_mem>>) src(%arg8 : memref<128x128xf32, #tpu.memory_space<vmem>>) dst(%dma_wait3A_80 : memref<128x128xf32, #tpu.memory_space<vmem_shared>>)
      tpu.yield
    }) : () -> ()
    %barrier3A = arith.constant 0 : index
    tpu.barrier barrier_id(%barrier3A)
    %scan3A_27 = arith.constant 0 : i32
    %scan3A_28 = arith.constant 0 : i32
    %scan3A_29 = arith.constant 79 : i32
    %scan3A_30 = arith.addi %scan3A_28, %scan3A_29 : i32
    %scan3A_31 = arith.constant 1 : i32
    %scan3A_32 = scf.for %scan3A_75 = %scan3A_28 to %scan3A_30 step %scan3A_31 iter_args(%scan3A_76 = %scan3A_27) -> (i32)  : i32 {
      %dma_start3A = arith.constant 0 : i32
      %dma_start3A_77 = tpu.memref_slice %arg6[%scan3A_75, %dma_start3A] : memref<79x128xi32, #tpu.memory_space<vmem>> -> memref<1x128xi32, #tpu.memory_space<vmem>>
      %dma_start3A_78 = tpu.memref_squeeze %dma_start3A_77 : memref<1x128xi32, #tpu.memory_space<vmem>> -> memref<128xi32, #tpu.memory_space<vmem>>
      %dma_start3A_79 = arith.constant 0 : i32
      %dma_start3A_80 = arith.constant 0 : i32
      %dma_start3A_81 = tpu.memref_slice %arg2[%dma_start3A_79, %dma_start3A_80] : memref<10240x128xf32, #tpu.memory_space<hbm>> -> memref<10240x128xf32, #tpu.memory_space<hbm>>
      tpu.enqueue_indirect_dma source(%dma_start3A_81 : memref<10240x128xf32, #tpu.memory_space<hbm>>) target(%arg8 : memref<128x128xf32, #tpu.memory_space<vmem>>) offsets(%dma_start3A_78 : memref<128xi32, #tpu.memory_space<vmem>>) semaphore(%arg10 : memref<!tpu.dma_semaphore, #tpu.memory_space<semaphore_mem>>)
      %dma_wait3A = arith.constant 0 : i32
      %dma_wait3A_82 = tpu.memref_slice %arg6[%scan3A_75, %dma_wait3A] : memref<79x128xi32, #tpu.memory_space<vmem>> -> memref<1x128xi32, #tpu.memory_space<vmem>>
      %dma_wait3A_83 = tpu.memref_squeeze %dma_wait3A_82 : memref<1x128xi32, #tpu.memory_space<vmem>> -> memref<128xi32, #tpu.memory_space<vmem>>
      %dma_wait3A_84 = arith.constant 0 : i32
      %dma_wait3A_85 = arith.constant 0 : i32
      %dma_wait3A_86 = tpu.memref_slice %arg2[%dma_wait3A_84, %dma_wait3A_85] : memref<10240x128xf32, #tpu.memory_space<hbm>> -> memref<10240x128xf32, #tpu.memory_space<hbm>>
      tpu.wait_indirect_dma semaphore(%arg10 : memref<!tpu.dma_semaphore, #tpu.memory_space<semaphore_mem>>) src(%dma_wait3A_86 : memref<10240x128xf32, #tpu.memory_space<hbm>>) dst(%arg8 : memref<128x128xf32, #tpu.memory_space<vmem>>)
      "tpu.region"() ({
        %run_scoped3A = tpu.sem_alloc : memref<!tpu.dma_semaphore, #tpu.memory_space<semaphore_mem>>
        %dma_start3A_88 = arith.constant 0 : i32
        %dma_start3A_89 = tpu.memref_slice %arg7[%scan3A_75, %dma_start3A_88] : memref<79x128xi32, #tpu.memory_space<vmem>> -> memref<1x128xi32, #tpu.memory_space<vmem>>
        %dma_start3A_90 = tpu.memref_squeeze %dma_start3A_89 : memref<1x128xi32, #tpu.memory_space<vmem>> -> memref<128xi32, #tpu.memory_space<vmem>>
        %dma_start3A_91 = arith.constant 0 : i32
        %dma_start3A_92 = arith.constant 0 : i32
        %dma_start3A_93 = tpu.memref_slice %arg9[%dma_start3A_91, %dma_start3A_92] : memref<10240x128xf32, #tpu.memory_space<vmem_shared>> -> memref<10240x128xf32, #tpu.memory_space<vmem_shared>>
        tpu.enqueue_indirect_dma source(%arg8 : memref<128x128xf32, #tpu.memory_space<vmem>>) target(%dma_start3A_93 : memref<10240x128xf32, #tpu.memory_space<vmem_shared>>) offsets(%dma_start3A_90 : memref<128xi32, #tpu.memory_space<vmem>>) semaphore(%run_scoped3A : memref<!tpu.dma_semaphore, #tpu.memory_space<semaphore_mem>>) {add = true}
        %dma_wait3A_94 = arith.constant 0 : i32
        %dma_wait3A_95 = tpu.memref_slice %arg7[%scan3A_75, %dma_wait3A_94] : memref<79x128xi32, #tpu.memory_space<vmem>> -> memref<1x128xi32, #tpu.memory_space<vmem>>
        %dma_wait3A_96 = tpu.memref_squeeze %dma_wait3A_95 : memref<1x128xi32, #tpu.memory_space<vmem>> -> memref<128xi32, #tpu.memory_space<vmem>>
        %dma_wait3A_97 = arith.constant 0 : i32
        %dma_wait3A_98 = arith.constant 0 : i32
        %dma_wait3A_99 = tpu.memref_slice %arg9[%dma_wait3A_97, %dma_wait3A_98] : memref<10240x128xf32, #tpu.memory_space<vmem_shared>> -> memref<10240x128xf32, #tpu.memory_space<vmem_shared>>
        tpu.wait_indirect_dma semaphore(%run_scoped3A : memref<!tpu.dma_semaphore, #tpu.memory_space<semaphore_mem>>) src(%arg8 : memref<128x128xf32, #tpu.memory_space<vmem>>) dst(%dma_wait3A_99 : memref<10240x128xf32, #tpu.memory_space<vmem_shared>>)
        tpu.yield
      }) : () -> ()
      %scan3A_87 = arith.constant 0 : i32
      scf.yield %scan3A_87 : i32
    }
    %scan3A_33 = arith.constant 79 : i32
    %barrier3A_34 = arith.constant 0 : index
    tpu.barrier barrier_id(%barrier3A_34)
    %mul3A_35 = arith.constant 640 : i32
    %mul3A_36 = arith.muli %arg1, %mul3A_35 : i32
    %add3A_37 = arith.constant 0 : i32
    %add3A_38 = arith.addi %mul3A_36, %add3A_37 : i32
    %mul3A_39 = arith.constant 640 : i32
    %mul3A_40 = arith.muli %arg1, %mul3A_39 : i32
    %add3A_41 = arith.constant 0 : i32
    %add3A_42 = arith.addi %mul3A_40, %add3A_41 : i32
    "tpu.region"() ({
      %run_scoped3A = tpu.sem_alloc : memref<!tpu.dma_semaphore, #tpu.memory_space<semaphore_mem>>
      %dma_start3A = arith.constant 0 : i32
      %dma_start3A_75 = tpu.memref_slice %arg5[%arg0, %add3A_42, %dma_start3A] : memref<2x10240x128xf32, #tpu.memory_space<hbm>> -> memref<1x128x128xf32, #tpu.memory_space<hbm>>
      %dma_start3A_76 = tpu.memref_squeeze %dma_start3A_75 : memref<1x128x128xf32, #tpu.memory_space<hbm>> -> memref<128x128xf32, #tpu.memory_space<hbm>>
      %dma_start3A_77 = arith.constant 0 : i32
      %dma_start3A_78 = tpu.memref_slice %arg9[%add3A_38, %dma_start3A_77] : memref<10240x128xf32, #tpu.memory_space<vmem_shared>> -> memref<128x128xf32, #tpu.memory_space<vmem_shared>>
      tpu.enqueue_dma source(%dma_start3A_78 : memref<128x128xf32, #tpu.memory_space<vmem_shared>>) target(%dma_start3A_76 : memref<128x128xf32, #tpu.memory_space<hbm>>) target_semaphore(%run_scoped3A : memref<!tpu.dma_semaphore, #tpu.memory_space<semaphore_mem>>)
      %dma_wait3A = arith.constant 0 : i32
      %dma_wait3A_79 = tpu.memref_slice %arg5[%arg0, %add3A_42, %dma_wait3A] : memref<2x10240x128xf32, #tpu.memory_space<hbm>> -> memref<1x128x128xf32, #tpu.memory_space<hbm>>
      %dma_wait3A_80 = tpu.memref_squeeze %dma_wait3A_79 : memref<1x128x128xf32, #tpu.memory_space<hbm>> -> memref<128x128xf32, #tpu.memory_space<hbm>>
      %dma_wait3A_81 = arith.constant 0 : i32
      %dma_wait3A_82 = tpu.memref_slice %arg9[%add3A_38, %dma_wait3A_81] : memref<10240x128xf32, #tpu.memory_space<vmem_shared>> -> memref<128x128xf32, #tpu.memory_space<vmem_shared>>
      tpu.wait_dma2 semaphore(%run_scoped3A : memref<!tpu.dma_semaphore, #tpu.memory_space<semaphore_mem>>) src(%dma_wait3A_82 : memref<128x128xf32, #tpu.memory_space<vmem_shared>>) dst(%dma_wait3A_80 : memref<128x128xf32, #tpu.memory_space<hbm>>)
      tpu.yield
    }) : () -> ()
    %mul3A_43 = arith.constant 640 : i32
    %mul3A_44 = arith.muli %arg1, %mul3A_43 : i32
    %add3A_45 = arith.constant 128 : i32
    %add3A_46 = arith.addi %mul3A_44, %add3A_45 : i32
    %mul3A_47 = arith.constant 640 : i32
    %mul3A_48 = arith.muli %arg1, %mul3A_47 : i32
    %add3A_49 = arith.constant 128 : i32
    %add3A_50 = arith.addi %mul3A_48, %add3A_49 : i32
    "tpu.region"() ({
      %run_scoped3A = tpu.sem_alloc : memref<!tpu.dma_semaphore, #tpu.memory_space<semaphore_mem>>
      %dma_start3A = arith.constant 0 : i32
      %dma_start3A_75 = tpu.memref_slice %arg5[%arg0, %add3A_50, %dma_start3A] : memref<2x10240x128xf32, #tpu.memory_space<hbm>> -> memref<1x128x128xf32, #tpu.memory_space<hbm>>
      %dma_start3A_76 = tpu.memref_squeeze %dma_start3A_75 : memref<1x128x128xf32, #tpu.memory_space<hbm>> -> memref<128x128xf32, #tpu.memory_space<hbm>>
      %dma_start3A_77 = arith.constant 0 : i32
      %dma_start3A_78 = tpu.memref_slice %arg9[%add3A_46, %dma_start3A_77] : memref<10240x128xf32, #tpu.memory_space<vmem_shared>> -> memref<128x128xf32, #tpu.memory_space<vmem_shared>>
      tpu.enqueue_dma source(%dma_start3A_78 : memref<128x128xf32, #tpu.memory_space<vmem_shared>>) target(%dma_start3A_76 : memref<128x128xf32, #tpu.memory_space<hbm>>) target_semaphore(%run_scoped3A : memref<!tpu.dma_semaphore, #tpu.memory_space<semaphore_mem>>)
      %dma_wait3A = arith.constant 0 : i32
      %dma_wait3A_79 = tpu.memref_slice %arg5[%arg0, %add3A_50, %dma_wait3A] : memref<2x10240x128xf32, #tpu.memory_space<hbm>> -> memref<1x128x128xf32, #tpu.memory_space<hbm>>
      %dma_wait3A_80 = tpu.memref_squeeze %dma_wait3A_79 : memref<1x128x128xf32, #tpu.memory_space<hbm>> -> memref<128x128xf32, #tpu.memory_space<hbm>>
      %dma_wait3A_81 = arith.constant 0 : i32
      %dma_wait3A_82 = tpu.memref_slice %arg9[%add3A_46, %dma_wait3A_81] : memref<10240x128xf32, #tpu.memory_space<vmem_shared>> -> memref<128x128xf32, #tpu.memory_space<vmem_shared>>
      tpu.wait_dma2 semaphore(%run_scoped3A : memref<!tpu.dma_semaphore, #tpu.memory_space<semaphore_mem>>) src(%dma_wait3A_82 : memref<128x128xf32, #tpu.memory_space<vmem_shared>>) dst(%dma_wait3A_80 : memref<128x128xf32, #tpu.memory_space<hbm>>)
      tpu.yield
    }) : () -> ()
    %mul3A_51 = arith.constant 640 : i32
    %mul3A_52 = arith.muli %arg1, %mul3A_51 : i32
    %add3A_53 = arith.constant 256 : i32
    %add3A_54 = arith.addi %mul3A_52, %add3A_53 : i32
    %mul3A_55 = arith.constant 640 : i32
    %mul3A_56 = arith.muli %arg1, %mul3A_55 : i32
    %add3A_57 = arith.constant 256 : i32
    %add3A_58 = arith.addi %mul3A_56, %add3A_57 : i32
    "tpu.region"() ({
      %run_scoped3A = tpu.sem_alloc : memref<!tpu.dma_semaphore, #tpu.memory_space<semaphore_mem>>
      %dma_start3A = arith.constant 0 : i32
      %dma_start3A_75 = tpu.memref_slice %arg5[%arg0, %add3A_58, %dma_start3A] : memref<2x10240x128xf32, #tpu.memory_space<hbm>> -> memref<1x128x128xf32, #tpu.memory_space<hbm>>
      %dma_start3A_76 = tpu.memref_squeeze %dma_start3A_75 : memref<1x128x128xf32, #tpu.memory_space<hbm>> -> memref<128x128xf32, #tpu.memory_space<hbm>>
      %dma_start3A_77 = arith.constant 0 : i32
      %dma_start3A_78 = tpu.memref_slice %arg9[%add3A_54, %dma_start3A_77] : memref<10240x128xf32, #tpu.memory_space<vmem_shared>> -> memref<128x128xf32, #tpu.memory_space<vmem_shared>>
      tpu.enqueue_dma source(%dma_start3A_78 : memref<128x128xf32, #tpu.memory_space<vmem_shared>>) target(%dma_start3A_76 : memref<128x128xf32, #tpu.memory_space<hbm>>) target_semaphore(%run_scoped3A : memref<!tpu.dma_semaphore, #tpu.memory_space<semaphore_mem>>)
      %dma_wait3A = arith.constant 0 : i32
      %dma_wait3A_79 = tpu.memref_slice %arg5[%arg0, %add3A_58, %dma_wait3A] : memref<2x10240x128xf32, #tpu.memory_space<hbm>> -> memref<1x128x128xf32, #tpu.memory_space<hbm>>
      %dma_wait3A_80 = tpu.memref_squeeze %dma_wait3A_79 : memref<1x128x128xf32, #tpu.memory_space<hbm>> -> memref<128x128xf32, #tpu.memory_space<hbm>>
      %dma_wait3A_81 = arith.constant 0 : i32
      %dma_wait3A_82 = tpu.memref_slice %arg9[%add3A_54, %dma_wait3A_81] : memref<10240x128xf32, #tpu.memory_space<vmem_shared>> -> memref<128x128xf32, #tpu.memory_space<vmem_shared>>
      tpu.wait_dma2 semaphore(%run_scoped3A : memref<!tpu.dma_semaphore, #tpu.memory_space<semaphore_mem>>) src(%dma_wait3A_82 : memref<128x128xf32, #tpu.memory_space<vmem_shared>>) dst(%dma_wait3A_80 : memref<128x128xf32, #tpu.memory_space<hbm>>)
      tpu.yield
    }) : () -> ()
    %mul3A_59 = arith.constant 640 : i32
    %mul3A_60 = arith.muli %arg1, %mul3A_59 : i32
    %add3A_61 = arith.constant 384 : i32
    %add3A_62 = arith.addi %mul3A_60, %add3A_61 : i32
    %mul3A_63 = arith.constant 640 : i32
    %mul3A_64 = arith.muli %arg1, %mul3A_63 : i32
    %add3A_65 = arith.constant 384 : i32
    %add3A_66 = arith.addi %mul3A_64, %add3A_65 : i32
    "tpu.region"() ({
      %run_scoped3A = tpu.sem_alloc : memref<!tpu.dma_semaphore, #tpu.memory_space<semaphore_mem>>
      %dma_start3A = arith.constant 0 : i32
      %dma_start3A_75 = tpu.memref_slice %arg5[%arg0, %add3A_66, %dma_start3A] : memref<2x10240x128xf32, #tpu.memory_space<hbm>> -> memref<1x128x128xf32, #tpu.memory_space<hbm>>
      %dma_start3A_76 = tpu.memref_squeeze %dma_start3A_75 : memref<1x128x128xf32, #tpu.memory_space<hbm>> -> memref<128x128xf32, #tpu.memory_space<hbm>>
      %dma_start3A_77 = arith.constant 0 : i32
      %dma_start3A_78 = tpu.memref_slice %arg9[%add3A_62, %dma_start3A_77] : memref<10240x128xf32, #tpu.memory_space<vmem_shared>> -> memref<128x128xf32, #tpu.memory_space<vmem_shared>>
      tpu.enqueue_dma source(%dma_start3A_78 : memref<128x128xf32, #tpu.memory_space<vmem_shared>>) target(%dma_start3A_76 : memref<128x128xf32, #tpu.memory_space<hbm>>) target_semaphore(%run_scoped3A : memref<!tpu.dma_semaphore, #tpu.memory_space<semaphore_mem>>)
      %dma_wait3A = arith.constant 0 : i32
      %dma_wait3A_79 = tpu.memref_slice %arg5[%arg0, %add3A_66, %dma_wait3A] : memref<2x10240x128xf32, #tpu.memory_space<hbm>> -> memref<1x128x128xf32, #tpu.memory_space<hbm>>
      %dma_wait3A_80 = tpu.memref_squeeze %dma_wait3A_79 : memref<1x128x128xf32, #tpu.memory_space<hbm>> -> memref<128x128xf32, #tpu.memory_space<hbm>>
      %dma_wait3A_81 = arith.constant 0 : i32
      %dma_wait3A_82 = tpu.memref_slice %arg9[%add3A_62, %dma_wait3A_81] : memref<10240x128xf32, #tpu.memory_space<vmem_shared>> -> memref<128x128xf32, #tpu.memory_space<vmem_shared>>
      tpu.wait_dma2 semaphore(%run_scoped3A : memref<!tpu.dma_semaphore, #tpu.memory_space<semaphore_mem>>) src(%dma_wait3A_82 : memref<128x128xf32, #tpu.memory_space<vmem_shared>>) dst(%dma_wait3A_80 : memref<128x128xf32, #tpu.memory_space<hbm>>)
      tpu.yield
    }) : () -> ()
    %mul3A_67 = arith.constant 640 : i32
    %mul3A_68 = arith.muli %arg1, %mul3A_67 : i32
    %add3A_69 = arith.constant 512 : i32
    %add3A_70 = arith.addi %mul3A_68, %add3A_69 : i32
    %mul3A_71 = arith.constant 640 : i32
    %mul3A_72 = arith.muli %arg1, %mul3A_71 : i32
    %add3A_73 = arith.constant 512 : i32
    %add3A_74 = arith.addi %mul3A_72, %add3A_73 : i32
    "tpu.region"() ({
      %run_scoped3A = tpu.sem_alloc : memref<!tpu.dma_semaphore, #tpu.memory_space<semaphore_mem>>
      %dma_start3A = arith.constant 0 : i32
      %dma_start3A_75 = tpu.memref_slice %arg5[%arg0, %add3A_74, %dma_start3A] : memref<2x10240x128xf32, #tpu.memory_space<hbm>> -> memref<1x128x128xf32, #tpu.memory_space<hbm>>
      %dma_start3A_76 = tpu.memref_squeeze %dma_start3A_75 : memref<1x128x128xf32, #tpu.memory_space<hbm>> -> memref<128x128xf32, #tpu.memory_space<hbm>>
      %dma_start3A_77 = arith.constant 0 : i32
      %dma_start3A_78 = tpu.memref_slice %arg9[%add3A_70, %dma_start3A_77] : memref<10240x128xf32, #tpu.memory_space<vmem_shared>> -> memref<128x128xf32, #tpu.memory_space<vmem_shared>>
      tpu.enqueue_dma source(%dma_start3A_78 : memref<128x128xf32, #tpu.memory_space<vmem_shared>>) target(%dma_start3A_76 : memref<128x128xf32, #tpu.memory_space<hbm>>) target_semaphore(%run_scoped3A : memref<!tpu.dma_semaphore, #tpu.memory_space<semaphore_mem>>)
      %dma_wait3A = arith.constant 0 : i32
      %dma_wait3A_79 = tpu.memref_slice %arg5[%arg0, %add3A_74, %dma_wait3A] : memref<2x10240x128xf32, #tpu.memory_space<hbm>> -> memref<1x128x128xf32, #tpu.memory_space<hbm>>
      %dma_wait3A_80 = tpu.memref_squeeze %dma_wait3A_79 : memref<1x128x128xf32, #tpu.memory_space<hbm>> -> memref<128x128xf32, #tpu.memory_space<hbm>>
      %dma_wait3A_81 = arith.constant 0 : i32
      %dma_wait3A_82 = tpu.memref_slice %arg9[%add3A_70, %dma_wait3A_81] : memref<10240x128xf32, #tpu.memory_space<vmem_shared>> -> memref<128x128xf32, #tpu.memory_space<vmem_shared>>
      tpu.wait_dma2 semaphore(%run_scoped3A : memref<!tpu.dma_semaphore, #tpu.memory_space<semaphore_mem>>) src(%dma_wait3A_82 : memref<128x128xf32, #tpu.memory_space<vmem_shared>>) dst(%dma_wait3A_80 : memref<128x128xf32, #tpu.memory_space<hbm>>)
      tpu.yield
    }) : () -> ()
    return
  }
}

#map = affine_map<(d0, d1) -> (0, 0)>
#map1 = affine_map<(d0, d1) -> (0, 0, 0)>
module attributes {stable_mosaic.version = 14 : i64} {
  func.func @_sc_scatter(%arg0: i32, %arg1: i32, %arg2: memref<10240x128xf32, #tpu.memory_space<hbm>>, %arg3: memref<32x79x128xi32, #tpu.memory_space<hbm>>, %arg4: memref<32x79x128xi32, #tpu.memory_space<hbm>>, %arg5: memref<2x10240x128xf32, #tpu.memory_space<hbm>>, %arg6: memref<79x128xi32, #tpu.memory_space<vmem>>, %arg7: memref<79x128xi32, #tpu.memory_space<vmem>>, %arg8: memref<128x128xf32, #tpu.memory_space<vmem>>, %arg9: memref<10240x128xf32, #tpu.memory_space<vmem_shared>>, %arg10: memref<!tpu.dma_semaphore, #tpu.memory_space<semaphore_mem>>) attributes {dimension_semantics = [#tpu.dimension_semantics<core_parallel>, #tpu.dimension_semantics<subcore_parallel>], iteration_bounds = array<i64: 2, 16>, scalar_prefetch = 0 : i64, scratch_operands = 5 : i64, tpu.core_type = #tpu.core_type<sc_vector_subcore>, window_params = [{transform_indices = #map}, {transform_indices = #map1}, {transform_indices = #map1}, {transform_indices = #map1}]} {
    %mul3A = arith.constant 16 : i32
    %mul3A_0 = arith.muli %arg0, %mul3A : i32
    %add3A = arith.addi %mul3A_0, %arg1 : i32
    "tpu.region"() ({
      %run_scoped3A = tpu.sem_alloc : memref<!tpu.dma_semaphore, #tpu.memory_space<semaphore_mem>>
      %dma_start3A = arith.constant 0 : i32
      %dma_start3A_75 = arith.constant 0 : i32
      %dma_start3A_76 = tpu.memref_slice %arg3[%add3A, %dma_start3A, %dma_start3A_75] : memref<32x79x128xi32, #tpu.memory_space<hbm>> -> memref<1x79x128xi32, #tpu.memory_space<hbm>>
      %dma_start3A_77 = tpu.memref_squeeze %dma_start3A_76 : memref<1x79x128xi32, #tpu.memory_space<hbm>> -> memref<79x128xi32, #tpu.memory_space<hbm>>
      %dma_start3A_78 = arith.constant 0 : i32
      %dma_start3A_79 = arith.constant 0 : i32
      %dma_start3A_80 = tpu.memref_slice %arg3[%add3A, %dma_start3A_78, %dma_start3A_79] : memref<32x79x128xi32, #tpu.memory_space<hbm>> -> memref<1x79x128xi32, #tpu.memory_space<hbm>>
      %dma_start3A_81 = tpu.memref_squeeze %dma_start3A_80 : memref<1x79x128xi32, #tpu.memory_space<hbm>> -> memref<79x128xi32, #tpu.memory_space<hbm>>
      tpu.enqueue_dma source(%dma_start3A_81 : memref<79x128xi32, #tpu.memory_space<hbm>>) target(%arg6 : memref<79x128xi32, #tpu.memory_space<vmem>>) target_semaphore(%run_scoped3A : memref<!tpu.dma_semaphore, #tpu.memory_space<semaphore_mem>>)
      %dma_wait3A = arith.constant 0 : i32
      %dma_wait3A_82 = arith.constant 0 : i32
      %dma_wait3A_83 = tpu.memref_slice %arg3[%add3A, %dma_wait3A, %dma_wait3A_82] : memref<32x79x128xi32, #tpu.memory_space<hbm>> -> memref<1x79x128xi32, #tpu.memory_space<hbm>>
      %dma_wait3A_84 = tpu.memref_squeeze %dma_wait3A_83 : memref<1x79x128xi32, #tpu.memory_space<hbm>> -> memref<79x128xi32, #tpu.memory_space<hbm>>
      %dma_wait3A_85 = arith.constant 0 : i32
      %dma_wait3A_86 = arith.constant 0 : i32
      %dma_wait3A_87 = tpu.memref_slice %arg3[%add3A, %dma_wait3A_85, %dma_wait3A_86] : memref<32x79x128xi32, #tpu.memory_space<hbm>> -> memref<1x79x128xi32, #tpu.memory_space<hbm>>
      %dma_wait3A_88 = tpu.memref_squeeze %dma_wait3A_87 : memref<1x79x128xi32, #tpu.memory_space<hbm>> -> memref<79x128xi32, #tpu.memory_space<hbm>>
      tpu.wait_dma2 semaphore(%run_scoped3A : memref<!tpu.dma_semaphore, #tpu.memory_space<semaphore_mem>>) src(%dma_wait3A_88 : memref<79x128xi32, #tpu.memory_space<hbm>>) dst(%arg6 : memref<79x128xi32, #tpu.memory_space<vmem>>)
      tpu.yield
    }) : () -> ()
    "tpu.region"() ({
      %run_scoped3A = tpu.sem_alloc : memref<!tpu.dma_semaphore, #tpu.memory_space<semaphore_mem>>
      %dma_start3A = arith.constant 0 : i32
      %dma_start3A_75 = arith.constant 0 : i32
      %dma_start3A_76 = tpu.memref_slice %arg4[%add3A, %dma_start3A, %dma_start3A_75] : memref<32x79x128xi32, #tpu.memory_space<hbm>> -> memref<1x79x128xi32, #tpu.memory_space<hbm>>
      %dma_start3A_77 = tpu.memref_squeeze %dma_start3A_76 : memref<1x79x128xi32, #tpu.memory_space<hbm>> -> memref<79x128xi32, #tpu.memory_space<hbm>>
      %dma_start3A_78 = arith.constant 0 : i32
      %dma_start3A_79 = arith.constant 0 : i32
      %dma_start3A_80 = tpu.memref_slice %arg4[%add3A, %dma_start3A_78, %dma_start3A_79] : memref<32x79x128xi32, #tpu.memory_space<hbm>> -> memref<1x79x128xi32, #tpu.memory_space<hbm>>
      %dma_start3A_81 = tpu.memref_squeeze %dma_start3A_80 : memref<1x79x128xi32, #tpu.memory_space<hbm>> -> memref<79x128xi32, #tpu.memory_space<hbm>>
      tpu.enqueue_dma source(%dma_start3A_81 : memref<79x128xi32, #tpu.memory_space<hbm>>) target(%arg7 : memref<79x128xi32, #tpu.memory_space<vmem>>) target_semaphore(%run_scoped3A : memref<!tpu.dma_semaphore, #tpu.memory_space<semaphore_mem>>)
      %dma_wait3A = arith.constant 0 : i32
      %dma_wait3A_82 = arith.constant 0 : i32
      %dma_wait3A_83 = tpu.memref_slice %arg4[%add3A, %dma_wait3A, %dma_wait3A_82] : memref<32x79x128xi32, #tpu.memory_space<hbm>> -> memref<1x79x128xi32, #tpu.memory_space<hbm>>
      %dma_wait3A_84 = tpu.memref_squeeze %dma_wait3A_83 : memref<1x79x128xi32, #tpu.memory_space<hbm>> -> memref<79x128xi32, #tpu.memory_space<hbm>>
      %dma_wait3A_85 = arith.constant 0 : i32
      %dma_wait3A_86 = arith.constant 0 : i32
      %dma_wait3A_87 = tpu.memref_slice %arg4[%add3A, %dma_wait3A_85, %dma_wait3A_86] : memref<32x79x128xi32, #tpu.memory_space<hbm>> -> memref<1x79x128xi32, #tpu.memory_space<hbm>>
      %dma_wait3A_88 = tpu.memref_squeeze %dma_wait3A_87 : memref<1x79x128xi32, #tpu.memory_space<hbm>> -> memref<79x128xi32, #tpu.memory_space<hbm>>
      tpu.wait_dma2 semaphore(%run_scoped3A : memref<!tpu.dma_semaphore, #tpu.memory_space<semaphore_mem>>) src(%dma_wait3A_88 : memref<79x128xi32, #tpu.memory_space<hbm>>) dst(%arg7 : memref<79x128xi32, #tpu.memory_space<vmem>>)
      tpu.yield
    }) : () -> ()
    %scan3A = arith.constant 0 : i32
    %scan3A_1 = arith.constant 0 : i32
    %scan3A_2 = arith.constant 128 : i32
    %scan3A_3 = arith.addi %scan3A_1, %scan3A_2 : i32
    %scan3A_4 = arith.constant 1 : i32
    %scan3A_5 = scf.for %scan3A_75 = %scan3A_1 to %scan3A_3 step %scan3A_4 iter_args(%scan3A_76 = %scan3A) -> (i32)  : i32 {
      %broadcast_in_dim3A = arith.constant 0.000000e+00 : f32
      %broadcast_in_dim3A_77 = vector.broadcast %broadcast_in_dim3A : f32 to vector<16xf32>
      %swap3A = arith.index_cast %scan3A_75 : i32 to index
      %swap3A_78 = arith.constant 0 : index
      %swap3A_79 = tpu.vector_load %arg8[%swap3A, %swap3A_78] {strides = array<i32>} : memref<128x128xf32, #tpu.memory_space<vmem>>, vector<1x16xf32>,
      %swap3A_80 = vector.shape_cast %swap3A_79 : vector<1x16xf32> to vector<16xf32>
      %swap3A_81 = vector.shape_cast %broadcast_in_dim3A_77 : vector<16xf32> to vector<1x16xf32>
      tpu.vector_store %arg8[%swap3A, %swap3A_78], %swap3A_81 {strides = array<i32>} : memref<128x128xf32, #tpu.memory_space<vmem>>, vector<1x16xf32>,
      %broadcast_in_dim3A_82 = arith.constant 0.000000e+00 : f32
      %broadcast_in_dim3A_83 = vector.broadcast %broadcast_in_dim3A_82 : f32 to vector<16xf32>
      %swap3A_84 = arith.index_cast %scan3A_75 : i32 to index
      %swap3A_85 = arith.constant 16 : index
      %swap3A_86 = tpu.vector_load %arg8[%swap3A_84, %swap3A_85] {strides = array<i32>} : memref<128x128xf32, #tpu.memory_space<vmem>>, vector<1x16xf32>,
      %swap3A_87 = vector.shape_cast %swap3A_86 : vector<1x16xf32> to vector<16xf32>
      %swap3A_88 = vector.shape_cast %broadcast_in_dim3A_83 : vector<16xf32> to vector<1x16xf32>
      tpu.vector_store %arg8[%swap3A_84, %swap3A_85], %swap3A_88 {strides = array<i32>} : memref<128x128xf32, #tpu.memory_space<vmem>>, vector<1x16xf32>,
      %broadcast_in_dim3A_89 = arith.constant 0.000000e+00 : f32
      %broadcast_in_dim3A_90 = vector.broadcast %broadcast_in_dim3A_89 : f32 to vector<16xf32>
      %swap3A_91 = arith.index_cast %scan3A_75 : i32 to index
      %swap3A_92 = arith.constant 32 : index
      %swap3A_93 = tpu.vector_load %arg8[%swap3A_91, %swap3A_92] {strides = array<i32>} : memref<128x128xf32, #tpu.memory_space<vmem>>, vector<1x16xf32>,
      %swap3A_94 = vector.shape_cast %swap3A_93 : vector<1x16xf32> to vector<16xf32>
      %swap3A_95 = vector.shape_cast %broadcast_in_dim3A_90 : vector<16xf32> to vector<1x16xf32>
      tpu.vector_store %arg8[%swap3A_91, %swap3A_92], %swap3A_95 {strides = array<i32>} : memref<128x128xf32, #tpu.memory_space<vmem>>, vector<1x16xf32>,
      %broadcast_in_dim3A_96 = arith.constant 0.000000e+00 : f32
      %broadcast_in_dim3A_97 = vector.broadcast %broadcast_in_dim3A_96 : f32 to vector<16xf32>
      %swap3A_98 = arith.index_cast %scan3A_75 : i32 to index
      %swap3A_99 = arith.constant 48 : index
      %swap3A_100 = tpu.vector_load %arg8[%swap3A_98, %swap3A_99] {strides = array<i32>} : memref<128x128xf32, #tpu.memory_space<vmem>>, vector<1x16xf32>,
      %swap3A_101 = vector.shape_cast %swap3A_100 : vector<1x16xf32> to vector<16xf32>
      %swap3A_102 = vector.shape_cast %broadcast_in_dim3A_97 : vector<16xf32> to vector<1x16xf32>
      tpu.vector_store %arg8[%swap3A_98, %swap3A_99], %swap3A_102 {strides = array<i32>} : memref<128x128xf32, #tpu.memory_space<vmem>>, vector<1x16xf32>,
      %broadcast_in_dim3A_103 = arith.constant 0.000000e+00 : f32
      %broadcast_in_dim3A_104 = vector.broadcast %broadcast_in_dim3A_103 : f32 to vector<16xf32>
      %swap3A_105 = arith.index_cast %scan3A_75 : i32 to index
      %swap3A_106 = arith.constant 64 : index
      %swap3A_107 = tpu.vector_load %arg8[%swap3A_105, %swap3A_106] {strides = array<i32>} : memref<128x128xf32, #tpu.memory_space<vmem>>, vector<1x16xf32>,
      %swap3A_108 = vector.shape_cast %swap3A_107 : vector<1x16xf32> to vector<16xf32>
      %swap3A_109 = vector.shape_cast %broadcast_in_dim3A_104 : vector<16xf32> to vector<1x16xf32>
      tpu.vector_store %arg8[%swap3A_105, %swap3A_106], %swap3A_109 {strides = array<i32>} : memref<128x128xf32, #tpu.memory_space<vmem>>, vector<1x16xf32>,
      %broadcast_in_dim3A_110 = arith.constant 0.000000e+00 : f32
      %broadcast_in_dim3A_111 = vector.broadcast %broadcast_in_dim3A_110 : f32 to vector<16xf32>
      %swap3A_112 = arith.index_cast %scan3A_75 : i32 to index
      %swap3A_113 = arith.constant 80 : index
      %swap3A_114 = tpu.vector_load %arg8[%swap3A_112, %swap3A_113] {strides = array<i32>} : memref<128x128xf32, #tpu.memory_space<vmem>>, vector<1x16xf32>,
      %swap3A_115 = vector.shape_cast %swap3A_114 : vector<1x16xf32> to vector<16xf32>
      %swap3A_116 = vector.shape_cast %broadcast_in_dim3A_111 : vector<16xf32> to vector<1x16xf32>
      tpu.vector_store %arg8[%swap3A_112, %swap3A_113], %swap3A_116 {strides = array<i32>} : memref<128x128xf32, #tpu.memory_space<vmem>>, vector<1x16xf32>,
      %broadcast_in_dim3A_117 = arith.constant 0.000000e+00 : f32
      %broadcast_in_dim3A_118 = vector.broadcast %broadcast_in_dim3A_117 : f32 to vector<16xf32>
      %swap3A_119 = arith.index_cast %scan3A_75 : i32 to index
      %swap3A_120 = arith.constant 96 : index
      %swap3A_121 = tpu.vector_load %arg8[%swap3A_119, %swap3A_120] {strides = array<i32>} : memref<128x128xf32, #tpu.memory_space<vmem>>, vector<1x16xf32>,
      %swap3A_122 = vector.shape_cast %swap3A_121 : vector<1x16xf32> to vector<16xf32>
      %swap3A_123 = vector.shape_cast %broadcast_in_dim3A_118 : vector<16xf32> to vector<1x16xf32>
      tpu.vector_store %arg8[%swap3A_119, %swap3A_120], %swap3A_123 {strides = array<i32>} : memref<128x128xf32, #tpu.memory_space<vmem>>, vector<1x16xf32>,
      %broadcast_in_dim3A_124 = arith.constant 0.000000e+00 : f32
      %broadcast_in_dim3A_125 = vector.broadcast %broadcast_in_dim3A_124 : f32 to vector<16xf32>
      %swap3A_126 = arith.index_cast %scan3A_75 : i32 to index
      %swap3A_127 = arith.constant 112 : index
      %swap3A_128 = tpu.vector_load %arg8[%swap3A_126, %swap3A_127] {strides = array<i32>} : memref<128x128xf32, #tpu.memory_space<vmem>>, vector<1x16xf32>,
      %swap3A_129 = vector.shape_cast %swap3A_128 : vector<1x16xf32> to vector<16xf32>
      %swap3A_130 = vector.shape_cast %broadcast_in_dim3A_125 : vector<16xf32> to vector<1x16xf32>
      tpu.vector_store %arg8[%swap3A_126, %swap3A_127], %swap3A_130 {strides = array<i32>} : memref<128x128xf32, #tpu.memory_space<vmem>>, vector<1x16xf32>,
      %scan3A_131 = arith.constant 0 : i32
      scf.yield %scan3A_131 : i32
    }
    %scan3A_6 = arith.constant 128 : i32
    %mul3A_7 = arith.constant 640 : i32
    %mul3A_8 = arith.muli %arg1, %mul3A_7 : i32
    %add3A_9 = arith.constant 0 : i32
    %add3A_10 = arith.addi %mul3A_8, %add3A_9 : i32
    "tpu.region"() ({
      %run_scoped3A = tpu.sem_alloc : memref<!tpu.dma_semaphore, #tpu.memory_space<semaphore_mem>>
      %dma_start3A = arith.constant 0 : i32
      %dma_start3A_75 = tpu.memref_slice %arg9[%add3A_10, %dma_start3A] : memref<10240x128xf32, #tpu.memory_space<vmem_shared>> -> memref<128x128xf32, #tpu.memory_space<vmem_shared>>
      %dma_start3A_76 = arith.constant 0 : i32
      %dma_start3A_77 = tpu.memref_slice %arg9[%add3A_10, %dma_start3A_76] : memref<10240x128xf32, #tpu.memory_space<vmem_shared>> -> memref<128x128xf32, #tpu.memory_space<vmem_shared>>
      tpu.enqueue_dma source(%arg8 : memref<128x128xf32, #tpu.memory_space<vmem>>) target(%dma_start3A_77 : memref<128x128xf32, #tpu.memory_space<vmem_shared>>) target_semaphore(%run_scoped3A : memref<!tpu.dma_semaphore, #tpu.memory_space<semaphore_mem>>)
      %dma_wait3A = arith.constant 0 : i32
      %dma_wait3A_78 = tpu.memref_slice %arg9[%add3A_10, %dma_wait3A] : memref<10240x128xf32, #tpu.memory_space<vmem_shared>> -> memref<128x128xf32, #tpu.memory_space<vmem_shared>>
      %dma_wait3A_79 = arith.constant 0 : i32
      %dma_wait3A_80 = tpu.memref_slice %arg9[%add3A_10, %dma_wait3A_79] : memref<10240x128xf32, #tpu.memory_space<vmem_shared>> -> memref<128x128xf32, #tpu.memory_space<vmem_shared>>
      tpu.wait_dma2 semaphore(%run_scoped3A : memref<!tpu.dma_semaphore, #tpu.memory_space<semaphore_mem>>) src(%arg8 : memref<128x128xf32, #tpu.memory_space<vmem>>) dst(%dma_wait3A_80 : memref<128x128xf32, #tpu.memory_space<vmem_shared>>)
      tpu.yield
    }) : () -> ()
    %mul3A_11 = arith.constant 640 : i32
    %mul3A_12 = arith.muli %arg1, %mul3A_11 : i32
    %add3A_13 = arith.constant 128 : i32
    %add3A_14 = arith.addi %mul3A_12, %add3A_13 : i32
    "tpu.region"() ({
      %run_scoped3A = tpu.sem_alloc : memref<!tpu.dma_semaphore, #tpu.memory_space<semaphore_mem>>
      %dma_start3A = arith.constant 0 : i32
      %dma_start3A_75 = tpu.memref_slice %arg9[%add3A_14, %dma_start3A] : memref<10240x128xf32, #tpu.memory_space<vmem_shared>> -> memref<128x128xf32, #tpu.memory_space<vmem_shared>>
      %dma_start3A_76 = arith.constant 0 : i32
      %dma_start3A_77 = tpu.memref_slice %arg9[%add3A_14, %dma_start3A_76] : memref<10240x128xf32, #tpu.memory_space<vmem_shared>> -> memref<128x128xf32, #tpu.memory_space<vmem_shared>>
      tpu.enqueue_dma source(%arg8 : memref<128x128xf32, #tpu.memory_space<vmem>>) target(%dma_start3A_77 : memref<128x128xf32, #tpu.memory_space<vmem_shared>>) target_semaphore(%run_scoped3A : memref<!tpu.dma_semaphore, #tpu.memory_space<semaphore_mem>>)
      %dma_wait3A = arith.constant 0 : i32
      %dma_wait3A_78 = tpu.memref_slice %arg9[%add3A_14, %dma_wait3A] : memref<10240x128xf32, #tpu.memory_space<vmem_shared>> -> memref<128x128xf32, #tpu.memory_space<vmem_shared>>
      %dma_wait3A_79 = arith.constant 0 : i32
      %dma_wait3A_80 = tpu.memref_slice %arg9[%add3A_14, %dma_wait3A_79] : memref<10240x128xf32, #tpu.memory_space<vmem_shared>> -> memref<128x128xf32, #tpu.memory_space<vmem_shared>>
      tpu.wait_dma2 semaphore(%run_scoped3A : memref<!tpu.dma_semaphore, #tpu.memory_space<semaphore_mem>>) src(%arg8 : memref<128x128xf32, #tpu.memory_space<vmem>>) dst(%dma_wait3A_80 : memref<128x128xf32, #tpu.memory_space<vmem_shared>>)
      tpu.yield
    }) : () -> ()
    %mul3A_15 = arith.constant 640 : i32
    %mul3A_16 = arith.muli %arg1, %mul3A_15 : i32
    %add3A_17 = arith.constant 256 : i32
    %add3A_18 = arith.addi %mul3A_16, %add3A_17 : i32
    "tpu.region"() ({
      %run_scoped3A = tpu.sem_alloc : memref<!tpu.dma_semaphore, #tpu.memory_space<semaphore_mem>>
      %dma_start3A = arith.constant 0 : i32
      %dma_start3A_75 = tpu.memref_slice %arg9[%add3A_18, %dma_start3A] : memref<10240x128xf32, #tpu.memory_space<vmem_shared>> -> memref<128x128xf32, #tpu.memory_space<vmem_shared>>
      %dma_start3A_76 = arith.constant 0 : i32
      %dma_start3A_77 = tpu.memref_slice %arg9[%add3A_18, %dma_start3A_76] : memref<10240x128xf32, #tpu.memory_space<vmem_shared>> -> memref<128x128xf32, #tpu.memory_space<vmem_shared>>
      tpu.enqueue_dma source(%arg8 : memref<128x128xf32, #tpu.memory_space<vmem>>) target(%dma_start3A_77 : memref<128x128xf32, #tpu.memory_space<vmem_shared>>) target_semaphore(%run_scoped3A : memref<!tpu.dma_semaphore, #tpu.memory_space<semaphore_mem>>)
      %dma_wait3A = arith.constant 0 : i32
      %dma_wait3A_78 = tpu.memref_slice %arg9[%add3A_18, %dma_wait3A] : memref<10240x128xf32, #tpu.memory_space<vmem_shared>> -> memref<128x128xf32, #tpu.memory_space<vmem_shared>>
      %dma_wait3A_79 = arith.constant 0 : i32
      %dma_wait3A_80 = tpu.memref_slice %arg9[%add3A_18, %dma_wait3A_79] : memref<10240x128xf32, #tpu.memory_space<vmem_shared>> -> memref<128x128xf32, #tpu.memory_space<vmem_shared>>
      tpu.wait_dma2 semaphore(%run_scoped3A : memref<!tpu.dma_semaphore, #tpu.memory_space<semaphore_mem>>) src(%arg8 : memref<128x128xf32, #tpu.memory_space<vmem>>) dst(%dma_wait3A_80 : memref<128x128xf32, #tpu.memory_space<vmem_shared>>)
      tpu.yield
    }) : () -> ()
    %mul3A_19 = arith.constant 640 : i32
    %mul3A_20 = arith.muli %arg1, %mul3A_19 : i32
    %add3A_21 = arith.constant 384 : i32
    %add3A_22 = arith.addi %mul3A_20, %add3A_21 : i32
    "tpu.region"() ({
      %run_scoped3A = tpu.sem_alloc : memref<!tpu.dma_semaphore, #tpu.memory_space<semaphore_mem>>
      %dma_start3A = arith.constant 0 : i32
      %dma_start3A_75 = tpu.memref_slice %arg9[%add3A_22, %dma_start3A] : memref<10240x128xf32, #tpu.memory_space<vmem_shared>> -> memref<128x128xf32, #tpu.memory_space<vmem_shared>>
      %dma_start3A_76 = arith.constant 0 : i32
      %dma_start3A_77 = tpu.memref_slice %arg9[%add3A_22, %dma_start3A_76] : memref<10240x128xf32, #tpu.memory_space<vmem_shared>> -> memref<128x128xf32, #tpu.memory_space<vmem_shared>>
      tpu.enqueue_dma source(%arg8 : memref<128x128xf32, #tpu.memory_space<vmem>>) target(%dma_start3A_77 : memref<128x128xf32, #tpu.memory_space<vmem_shared>>) target_semaphore(%run_scoped3A : memref<!tpu.dma_semaphore, #tpu.memory_space<semaphore_mem>>)
      %dma_wait3A = arith.constant 0 : i32
      %dma_wait3A_78 = tpu.memref_slice %arg9[%add3A_22, %dma_wait3A] : memref<10240x128xf32, #tpu.memory_space<vmem_shared>> -> memref<128x128xf32, #tpu.memory_space<vmem_shared>>
      %dma_wait3A_79 = arith.constant 0 : i32
      %dma_wait3A_80 = tpu.memref_slice %arg9[%add3A_22, %dma_wait3A_79] : memref<10240x128xf32, #tpu.memory_space<vmem_shared>> -> memref<128x128xf32, #tpu.memory_space<vmem_shared>>
      tpu.wait_dma2 semaphore(%run_scoped3A : memref<!tpu.dma_semaphore, #tpu.memory_space<semaphore_mem>>) src(%arg8 : memref<128x128xf32, #tpu.memory_space<vmem>>) dst(%dma_wait3A_80 : memref<128x128xf32, #tpu.memory_space<vmem_shared>>)
      tpu.yield
    }) : () -> ()
    %mul3A_23 = arith.constant 640 : i32
    %mul3A_24 = arith.muli %arg1, %mul3A_23 : i32
    %add3A_25 = arith.constant 512 : i32
    %add3A_26 = arith.addi %mul3A_24, %add3A_25 : i32
    "tpu.region"() ({
      %run_scoped3A = tpu.sem_alloc : memref<!tpu.dma_semaphore, #tpu.memory_space<semaphore_mem>>
      %dma_start3A = arith.constant 0 : i32
      %dma_start3A_75 = tpu.memref_slice %arg9[%add3A_26, %dma_start3A] : memref<10240x128xf32, #tpu.memory_space<vmem_shared>> -> memref<128x128xf32, #tpu.memory_space<vmem_shared>>
      %dma_start3A_76 = arith.constant 0 : i32
      %dma_start3A_77 = tpu.memref_slice %arg9[%add3A_26, %dma_start3A_76] : memref<10240x128xf32, #tpu.memory_space<vmem_shared>> -> memref<128x128xf32, #tpu.memory_space<vmem_shared>>
      tpu.enqueue_dma source(%arg8 : memref<128x128xf32, #tpu.memory_space<vmem>>) target(%dma_start3A_77 : memref<128x128xf32, #tpu.memory_space<vmem_shared>>) target_semaphore(%run_scoped3A : memref<!tpu.dma_semaphore, #tpu.memory_space<semaphore_mem>>)
      %dma_wait3A = arith.constant 0 : i32
      %dma_wait3A_78 = tpu.memref_slice %arg9[%add3A_26, %dma_wait3A] : memref<10240x128xf32, #tpu.memory_space<vmem_shared>> -> memref<128x128xf32, #tpu.memory_space<vmem_shared>>
      %dma_wait3A_79 = arith.constant 0 : i32
      %dma_wait3A_80 = tpu.memref_slice %arg9[%add3A_26, %dma_wait3A_79] : memref<10240x128xf32, #tpu.memory_space<vmem_shared>> -> memref<128x128xf32, #tpu.memory_space<vmem_shared>>
      tpu.wait_dma2 semaphore(%run_scoped3A : memref<!tpu.dma_semaphore, #tpu.memory_space<semaphore_mem>>) src(%arg8 : memref<128x128xf32, #tpu.memory_space<vmem>>) dst(%dma_wait3A_80 : memref<128x128xf32, #tpu.memory_space<vmem_shared>>)
      tpu.yield
    }) : () -> ()
    %barrier3A = arith.constant 0 : index
    tpu.barrier barrier_id(%barrier3A)
    %scan3A_27 = arith.constant 0 : i32
    %scan3A_28 = arith.constant 0 : i32
    %scan3A_29 = arith.constant 79 : i32
    %scan3A_30 = arith.addi %scan3A_28, %scan3A_29 : i32
    %scan3A_31 = arith.constant 1 : i32
    %scan3A_32 = scf.for %scan3A_75 = %scan3A_28 to %scan3A_30 step %scan3A_31 iter_args(%scan3A_76 = %scan3A_27) -> (i32)  : i32 {
      %dma_start3A = arith.constant 0 : i32
      %dma_start3A_77 = tpu.memref_slice %arg6[%scan3A_75, %dma_start3A] : memref<79x128xi32, #tpu.memory_space<vmem>> -> memref<1x128xi32, #tpu.memory_space<vmem>>
      %dma_start3A_78 = tpu.memref_squeeze %dma_start3A_77 : memref<1x128xi32, #tpu.memory_space<vmem>> -> memref<128xi32, #tpu.memory_space<vmem>>
      %dma_start3A_79 = arith.constant 0 : i32
      %dma_start3A_80 = arith.constant 0 : i32
      %dma_start3A_81 = tpu.memref_slice %arg2[%dma_start3A_79, %dma_start3A_80] : memref<10240x128xf32, #tpu.memory_space<hbm>> -> memref<10240x128xf32, #tpu.memory_space<hbm>>
      tpu.enqueue_indirect_dma source(%dma_start3A_81 : memref<10240x128xf32, #tpu.memory_space<hbm>>) target(%arg8 : memref<128x128xf32, #tpu.memory_space<vmem>>) offsets(%dma_start3A_78 : memref<128xi32, #tpu.memory_space<vmem>>) semaphore(%arg10 : memref<!tpu.dma_semaphore, #tpu.memory_space<semaphore_mem>>)
      %dma_wait3A = arith.constant 0 : i32
      %dma_wait3A_82 = tpu.memref_slice %arg6[%scan3A_75, %dma_wait3A] : memref<79x128xi32, #tpu.memory_space<vmem>> -> memref<1x128xi32, #tpu.memory_space<vmem>>
      %dma_wait3A_83 = tpu.memref_squeeze %dma_wait3A_82 : memref<1x128xi32, #tpu.memory_space<vmem>> -> memref<128xi32, #tpu.memory_space<vmem>>
      %dma_wait3A_84 = arith.constant 0 : i32
      %dma_wait3A_85 = arith.constant 0 : i32
      %dma_wait3A_86 = tpu.memref_slice %arg2[%dma_wait3A_84, %dma_wait3A_85] : memref<10240x128xf32, #tpu.memory_space<hbm>> -> memref<10240x128xf32, #tpu.memory_space<hbm>>
      tpu.wait_indirect_dma semaphore(%arg10 : memref<!tpu.dma_semaphore, #tpu.memory_space<semaphore_mem>>) src(%dma_wait3A_86 : memref<10240x128xf32, #tpu.memory_space<hbm>>) dst(%arg8 : memref<128x128xf32, #tpu.memory_space<vmem>>)
      "tpu.region"() ({
        %run_scoped3A = tpu.sem_alloc : memref<!tpu.dma_semaphore, #tpu.memory_space<semaphore_mem>>
        %dma_start3A_88 = arith.constant 0 : i32
        %dma_start3A_89 = tpu.memref_slice %arg7[%scan3A_75, %dma_start3A_88] : memref<79x128xi32, #tpu.memory_space<vmem>> -> memref<1x128xi32, #tpu.memory_space<vmem>>
        %dma_start3A_90 = tpu.memref_squeeze %dma_start3A_89 : memref<1x128xi32, #tpu.memory_space<vmem>> -> memref<128xi32, #tpu.memory_space<vmem>>
        %dma_start3A_91 = arith.constant 0 : i32
        %dma_start3A_92 = arith.constant 0 : i32
        %dma_start3A_93 = tpu.memref_slice %arg9[%dma_start3A_91, %dma_start3A_92] : memref<10240x128xf32, #tpu.memory_space<vmem_shared>> -> memref<10240x128xf32, #tpu.memory_space<vmem_shared>>
        tpu.enqueue_indirect_dma source(%arg8 : memref<128x128xf32, #tpu.memory_space<vmem>>) target(%dma_start3A_93 : memref<10240x128xf32, #tpu.memory_space<vmem_shared>>) offsets(%dma_start3A_90 : memref<128xi32, #tpu.memory_space<vmem>>) semaphore(%run_scoped3A : memref<!tpu.dma_semaphore, #tpu.memory_space<semaphore_mem>>) {add = true}
        %dma_wait3A_94 = arith.constant 0 : i32
        %dma_wait3A_95 = tpu.memref_slice %arg7[%scan3A_75, %dma_wait3A_94] : memref<79x128xi32, #tpu.memory_space<vmem>> -> memref<1x128xi32, #tpu.memory_space<vmem>>
        %dma_wait3A_96 = tpu.memref_squeeze %dma_wait3A_95 : memref<1x128xi32, #tpu.memory_space<vmem>> -> memref<128xi32, #tpu.memory_space<vmem>>
        %dma_wait3A_97 = arith.constant 0 : i32
        %dma_wait3A_98 = arith.constant 0 : i32
        %dma_wait3A_99 = tpu.memref_slice %arg9[%dma_wait3A_97, %dma_wait3A_98] : memref<10240x128xf32, #tpu.memory_space<vmem_shared>> -> memref<10240x128xf32, #tpu.memory_space<vmem_shared>>
        tpu.wait_indirect_dma semaphore(%run_scoped3A : memref<!tpu.dma_semaphore, #tpu.memory_space<semaphore_mem>>) src(%arg8 : memref<128x128xf32, #tpu.memory_space<vmem>>) dst(%dma_wait3A_99 : memref<10240x128xf32, #tpu.memory_space<vmem_shared>>)
        tpu.yield
      }) : () -> ()
      %scan3A_87 = arith.constant 0 : i32
      scf.yield %scan3A_87 : i32
    }
    %scan3A_33 = arith.constant 79 : i32
    %barrier3A_34 = arith.constant 0 : index
    tpu.barrier barrier_id(%barrier3A_34)
    %mul3A_35 = arith.constant 640 : i32
    %mul3A_36 = arith.muli %arg1, %mul3A_35 : i32
    %add3A_37 = arith.constant 0 : i32
    %add3A_38 = arith.addi %mul3A_36, %add3A_37 : i32
    %mul3A_39 = arith.constant 640 : i32
    %mul3A_40 = arith.muli %arg1, %mul3A_39 : i32
    %add3A_41 = arith.constant 0 : i32
    %add3A_42 = arith.addi %mul3A_40, %add3A_41 : i32
    "tpu.region"() ({
      %run_scoped3A = tpu.sem_alloc : memref<!tpu.dma_semaphore, #tpu.memory_space<semaphore_mem>>
      %dma_start3A = arith.constant 0 : i32
      %dma_start3A_75 = tpu.memref_slice %arg5[%arg0, %add3A_42, %dma_start3A] : memref<2x10240x128xf32, #tpu.memory_space<hbm>> -> memref<1x128x128xf32, #tpu.memory_space<hbm>>
      %dma_start3A_76 = tpu.memref_squeeze %dma_start3A_75 : memref<1x128x128xf32, #tpu.memory_space<hbm>> -> memref<128x128xf32, #tpu.memory_space<hbm>>
      %dma_start3A_77 = arith.constant 0 : i32
      %dma_start3A_78 = tpu.memref_slice %arg9[%add3A_38, %dma_start3A_77] : memref<10240x128xf32, #tpu.memory_space<vmem_shared>> -> memref<128x128xf32, #tpu.memory_space<vmem_shared>>
      tpu.enqueue_dma source(%dma_start3A_78 : memref<128x128xf32, #tpu.memory_space<vmem_shared>>) target(%dma_start3A_76 : memref<128x128xf32, #tpu.memory_space<hbm>>) target_semaphore(%run_scoped3A : memref<!tpu.dma_semaphore, #tpu.memory_space<semaphore_mem>>)
      %dma_wait3A = arith.constant 0 : i32
      %dma_wait3A_79 = tpu.memref_slice %arg5[%arg0, %add3A_42, %dma_wait3A] : memref<2x10240x128xf32, #tpu.memory_space<hbm>> -> memref<1x128x128xf32, #tpu.memory_space<hbm>>
      %dma_wait3A_80 = tpu.memref_squeeze %dma_wait3A_79 : memref<1x128x128xf32, #tpu.memory_space<hbm>> -> memref<128x128xf32, #tpu.memory_space<hbm>>
      %dma_wait3A_81 = arith.constant 0 : i32
      %dma_wait3A_82 = tpu.memref_slice %arg9[%add3A_38, %dma_wait3A_81] : memref<10240x128xf32, #tpu.memory_space<vmem_shared>> -> memref<128x128xf32, #tpu.memory_space<vmem_shared>>
      tpu.wait_dma2 semaphore(%run_scoped3A : memref<!tpu.dma_semaphore, #tpu.memory_space<semaphore_mem>>) src(%dma_wait3A_82 : memref<128x128xf32, #tpu.memory_space<vmem_shared>>) dst(%dma_wait3A_80 : memref<128x128xf32, #tpu.memory_space<hbm>>)
      tpu.yield
    }) : () -> ()
    %mul3A_43 = arith.constant 640 : i32
    %mul3A_44 = arith.muli %arg1, %mul3A_43 : i32
    %add3A_45 = arith.constant 128 : i32
    %add3A_46 = arith.addi %mul3A_44, %add3A_45 : i32
    %mul3A_47 = arith.constant 640 : i32
    %mul3A_48 = arith.muli %arg1, %mul3A_47 : i32
    %add3A_49 = arith.constant 128 : i32
    %add3A_50 = arith.addi %mul3A_48, %add3A_49 : i32
    "tpu.region"() ({
      %run_scoped3A = tpu.sem_alloc : memref<!tpu.dma_semaphore, #tpu.memory_space<semaphore_mem>>
      %dma_start3A = arith.constant 0 : i32
      %dma_start3A_75 = tpu.memref_slice %arg5[%arg0, %add3A_50, %dma_start3A] : memref<2x10240x128xf32, #tpu.memory_space<hbm>> -> memref<1x128x128xf32, #tpu.memory_space<hbm>>
      %dma_start3A_76 = tpu.memref_squeeze %dma_start3A_75 : memref<1x128x128xf32, #tpu.memory_space<hbm>> -> memref<128x128xf32, #tpu.memory_space<hbm>>
      %dma_start3A_77 = arith.constant 0 : i32
      %dma_start3A_78 = tpu.memref_slice %arg9[%add3A_46, %dma_start3A_77] : memref<10240x128xf32, #tpu.memory_space<vmem_shared>> -> memref<128x128xf32, #tpu.memory_space<vmem_shared>>
      tpu.enqueue_dma source(%dma_start3A_78 : memref<128x128xf32, #tpu.memory_space<vmem_shared>>) target(%dma_start3A_76 : memref<128x128xf32, #tpu.memory_space<hbm>>) target_semaphore(%run_scoped3A : memref<!tpu.dma_semaphore, #tpu.memory_space<semaphore_mem>>)
      %dma_wait3A = arith.constant 0 : i32
      %dma_wait3A_79 = tpu.memref_slice %arg5[%arg0, %add3A_50, %dma_wait3A] : memref<2x10240x128xf32, #tpu.memory_space<hbm>> -> memref<1x128x128xf32, #tpu.memory_space<hbm>>
      %dma_wait3A_80 = tpu.memref_squeeze %dma_wait3A_79 : memref<1x128x128xf32, #tpu.memory_space<hbm>> -> memref<128x128xf32, #tpu.memory_space<hbm>>
      %dma_wait3A_81 = arith.constant 0 : i32
      %dma_wait3A_82 = tpu.memref_slice %arg9[%add3A_46, %dma_wait3A_81] : memref<10240x128xf32, #tpu.memory_space<vmem_shared>> -> memref<128x128xf32, #tpu.memory_space<vmem_shared>>
      tpu.wait_dma2 semaphore(%run_scoped3A : memref<!tpu.dma_semaphore, #tpu.memory_space<semaphore_mem>>) src(%dma_wait3A_82 : memref<128x128xf32, #tpu.memory_space<vmem_shared>>) dst(%dma_wait3A_80 : memref<128x128xf32, #tpu.memory_space<hbm>>)
      tpu.yield
    }) : () -> ()
    %mul3A_51 = arith.constant 640 : i32
    %mul3A_52 = arith.muli %arg1, %mul3A_51 : i32
    %add3A_53 = arith.constant 256 : i32
    %add3A_54 = arith.addi %mul3A_52, %add3A_53 : i32
    %mul3A_55 = arith.constant 640 : i32
    %mul3A_56 = arith.muli %arg1, %mul3A_55 : i32
    %add3A_57 = arith.constant 256 : i32
    %add3A_58 = arith.addi %mul3A_56, %add3A_57 : i32
    "tpu.region"() ({
      %run_scoped3A = tpu.sem_alloc : memref<!tpu.dma_semaphore, #tpu.memory_space<semaphore_mem>>
      %dma_start3A = arith.constant 0 : i32
      %dma_start3A_75 = tpu.memref_slice %arg5[%arg0, %add3A_58, %dma_start3A] : memref<2x10240x128xf32, #tpu.memory_space<hbm>> -> memref<1x128x128xf32, #tpu.memory_space<hbm>>
      %dma_start3A_76 = tpu.memref_squeeze %dma_start3A_75 : memref<1x128x128xf32, #tpu.memory_space<hbm>> -> memref<128x128xf32, #tpu.memory_space<hbm>>
      %dma_start3A_77 = arith.constant 0 : i32
      %dma_start3A_78 = tpu.memref_slice %arg9[%add3A_54, %dma_start3A_77] : memref<10240x128xf32, #tpu.memory_space<vmem_shared>> -> memref<128x128xf32, #tpu.memory_space<vmem_shared>>
      tpu.enqueue_dma source(%dma_start3A_78 : memref<128x128xf32, #tpu.memory_space<vmem_shared>>) target(%dma_start3A_76 : memref<128x128xf32, #tpu.memory_space<hbm>>) target_semaphore(%run_scoped3A : memref<!tpu.dma_semaphore, #tpu.memory_space<semaphore_mem>>)
      %dma_wait3A = arith.constant 0 : i32
      %dma_wait3A_79 = tpu.memref_slice %arg5[%arg0, %add3A_58, %dma_wait3A] : memref<2x10240x128xf32, #tpu.memory_space<hbm>> -> memref<1x128x128xf32, #tpu.memory_space<hbm>>
      %dma_wait3A_80 = tpu.memref_squeeze %dma_wait3A_79 : memref<1x128x128xf32, #tpu.memory_space<hbm>> -> memref<128x128xf32, #tpu.memory_space<hbm>>
      %dma_wait3A_81 = arith.constant 0 : i32
      %dma_wait3A_82 = tpu.memref_slice %arg9[%add3A_54, %dma_wait3A_81] : memref<10240x128xf32, #tpu.memory_space<vmem_shared>> -> memref<128x128xf32, #tpu.memory_space<vmem_shared>>
      tpu.wait_dma2 semaphore(%run_scoped3A : memref<!tpu.dma_semaphore, #tpu.memory_space<semaphore_mem>>) src(%dma_wait3A_82 : memref<128x128xf32, #tpu.memory_space<vmem_shared>>) dst(%dma_wait3A_80 : memref<128x128xf32, #tpu.memory_space<hbm>>)
      tpu.yield
    }) : () -> ()
    %mul3A_59 = arith.constant 640 : i32
    %mul3A_60 = arith.muli %arg1, %mul3A_59 : i32
    %add3A_61 = arith.constant 384 : i32
    %add3A_62 = arith.addi %mul3A_60, %add3A_61 : i32
    %mul3A_63 = arith.constant 640 : i32
    %mul3A_64 = arith.muli %arg1, %mul3A_63 : i32
    %add3A_65 = arith.constant 384 : i32
    %add3A_66 = arith.addi %mul3A_64, %add3A_65 : i32
    "tpu.region"() ({
      %run_scoped3A = tpu.sem_alloc : memref<!tpu.dma_semaphore, #tpu.memory_space<semaphore_mem>>
      %dma_start3A = arith.constant 0 : i32
      %dma_start3A_75 = tpu.memref_slice %arg5[%arg0, %add3A_66, %dma_start3A] : memref<2x10240x128xf32, #tpu.memory_space<hbm>> -> memref<1x128x128xf32, #tpu.memory_space<hbm>>
      %dma_start3A_76 = tpu.memref_squeeze %dma_start3A_75 : memref<1x128x128xf32, #tpu.memory_space<hbm>> -> memref<128x128xf32, #tpu.memory_space<hbm>>
      %dma_start3A_77 = arith.constant 0 : i32
      %dma_start3A_78 = tpu.memref_slice %arg9[%add3A_62, %dma_start3A_77] : memref<10240x128xf32, #tpu.memory_space<vmem_shared>> -> memref<128x128xf32, #tpu.memory_space<vmem_shared>>
      tpu.enqueue_dma source(%dma_start3A_78 : memref<128x128xf32, #tpu.memory_space<vmem_shared>>) target(%dma_start3A_76 : memref<128x128xf32, #tpu.memory_space<hbm>>) target_semaphore(%run_scoped3A : memref<!tpu.dma_semaphore, #tpu.memory_space<semaphore_mem>>)
      %dma_wait3A = arith.constant 0 : i32
      %dma_wait3A_79 = tpu.memref_slice %arg5[%arg0, %add3A_66, %dma_wait3A] : memref<2x10240x128xf32, #tpu.memory_space<hbm>> -> memref<1x128x128xf32, #tpu.memory_space<hbm>>
      %dma_wait3A_80 = tpu.memref_squeeze %dma_wait3A_79 : memref<1x128x128xf32, #tpu.memory_space<hbm>> -> memref<128x128xf32, #tpu.memory_space<hbm>>
      %dma_wait3A_81 = arith.constant 0 : i32
      %dma_wait3A_82 = tpu.memref_slice %arg9[%add3A_62, %dma_wait3A_81] : memref<10240x128xf32, #tpu.memory_space<vmem_shared>> -> memref<128x128xf32, #tpu.memory_space<vmem_shared>>
      tpu.wait_dma2 semaphore(%run_scoped3A : memref<!tpu.dma_semaphore, #tpu.memory_space<semaphore_mem>>) src(%dma_wait3A_82 : memref<128x128xf32, #tpu.memory_space<vmem_shared>>) dst(%dma_wait3A_80 : memref<128x128xf32, #tpu.memory_space<hbm>>)
      tpu.yield
    }) : () -> ()
    %mul3A_67 = arith.constant 640 : i32
    %mul3A_68 = arith.muli %arg1, %mul3A_67 : i32
    %add3A_69 = arith.constant 512 : i32
    %add3A_70 = arith.addi %mul3A_68, %add3A_69 : i32
    %mul3A_71 = arith.constant 640 : i32
    %mul3A_72 = arith.muli %arg1, %mul3A_71 : i32
    %add3A_73 = arith.constant 512 : i32
    %add3A_74 = arith.addi %mul3A_72, %add3A_73 : i32
    "tpu.region"() ({
      %run_scoped3A = tpu.sem_alloc : memref<!tpu.dma_semaphore, #tpu.memory_space<semaphore_mem>>
      %dma_start3A = arith.constant 0 : i32
      %dma_start3A_75 = tpu.memref_slice %arg5[%arg0, %add3A_74, %dma_start3A] : memref<2x10240x128xf32, #tpu.memory_space<hbm>> -> memref<1x128x128xf32, #tpu.memory_space<hbm>>
      %dma_start3A_76 = tpu.memref_squeeze %dma_start3A_75 : memref<1x128x128xf32, #tpu.memory_space<hbm>> -> memref<128x128xf32, #tpu.memory_space<hbm>>
      %dma_start3A_77 = arith.constant 0 : i32
      %dma_start3A_78 = tpu.memref_slice %arg9[%add3A_70, %dma_start3A_77] : memref<10240x128xf32, #tpu.memory_space<vmem_shared>> -> memref<128x128xf32, #tpu.memory_space<vmem_shared>>
      tpu.enqueue_dma source(%dma_start3A_78 : memref<128x128xf32, #tpu.memory_space<vmem_shared>>) target(%dma_start3A_76 : memref<128x128xf32, #tpu.memory_space<hbm>>) target_semaphore(%run_scoped3A : memref<!tpu.dma_semaphore, #tpu.memory_space<semaphore_mem>>)
      %dma_wait3A = arith.constant 0 : i32
      %dma_wait3A_79 = tpu.memref_slice %arg5[%arg0, %add3A_74, %dma_wait3A] : memref<2x10240x128xf32, #tpu.memory_space<hbm>> -> memref<1x128x128xf32, #tpu.memory_space<hbm>>
      %dma_wait3A_80 = tpu.memref_squeeze %dma_wait3A_79 : memref<1x128x128xf32, #tpu.memory_space<hbm>> -> memref<128x128xf32, #tpu.memory_space<hbm>>
      %dma_wait3A_81 = arith.constant 0 : i32
      %dma_wait3A_82 = tpu.memref_slice %arg9[%add3A_70, %dma_wait3A_81] : memref<10240x128xf32, #tpu.memory_space<vmem_shared>> -> memref<128x128xf32, #tpu.memory_space<vmem_shared>>
      tpu.wait_dma2 semaphore(%run_scoped3A : memref<!tpu.dma_semaphore, #tpu.memory_space<semaphore_mem>>) src(%dma_wait3A_82 : memref<128x128xf32, #tpu.memory_space<vmem_shared>>) dst(%dma_wait3A_80 : memref<128x128xf32, #tpu.memory_space<hbm>>)
      tpu.yield
    }) : () -> ()
    return
  }
}

#map = affine_map<(d0, d1) -> (0, 0)>
#map1 = affine_map<(d0, d1) -> (0, 0, 0)>
module attributes {stable_mosaic.version = 14 : i64} {
  func.func @_sc_scatter(%arg0: i32, %arg1: i32, %arg2: memref<10240x128xf32, #tpu.memory_space<hbm>>, %arg3: memref<32x79x128xi32, #tpu.memory_space<hbm>>, %arg4: memref<32x79x128xi32, #tpu.memory_space<hbm>>, %arg5: memref<2x10240x128xf32, #tpu.memory_space<hbm>>, %arg6: memref<79x128xi32, #tpu.memory_space<vmem>>, %arg7: memref<79x128xi32, #tpu.memory_space<vmem>>, %arg8: memref<128x128xf32, #tpu.memory_space<vmem>>, %arg9: memref<10240x128xf32, #tpu.memory_space<vmem_shared>>, %arg10: memref<!tpu.dma_semaphore, #tpu.memory_space<semaphore_mem>>) attributes {dimension_semantics = [#tpu.dimension_semantics<core_parallel>, #tpu.dimension_semantics<subcore_parallel>], iteration_bounds = array<i64: 2, 16>, scalar_prefetch = 0 : i64, scratch_operands = 5 : i64, tpu.core_type = #tpu.core_type<sc_vector_subcore>, window_params = [{transform_indices = #map}, {transform_indices = #map1}, {transform_indices = #map1}, {transform_indices = #map1}]} {
    %mul3A = arith.constant 16 : i32
    %mul3A_0 = arith.muli %arg0, %mul3A : i32
    %add3A = arith.addi %mul3A_0, %arg1 : i32
    "tpu.region"() ({
      %run_scoped3A = tpu.sem_alloc : memref<!tpu.dma_semaphore, #tpu.memory_space<semaphore_mem>>
      %dma_start3A = arith.constant 0 : i32
      %dma_start3A_75 = arith.constant 0 : i32
      %dma_start3A_76 = tpu.memref_slice %arg3[%add3A, %dma_start3A, %dma_start3A_75] : memref<32x79x128xi32, #tpu.memory_space<hbm>> -> memref<1x79x128xi32, #tpu.memory_space<hbm>>
      %dma_start3A_77 = tpu.memref_squeeze %dma_start3A_76 : memref<1x79x128xi32, #tpu.memory_space<hbm>> -> memref<79x128xi32, #tpu.memory_space<hbm>>
      %dma_start3A_78 = arith.constant 0 : i32
      %dma_start3A_79 = arith.constant 0 : i32
      %dma_start3A_80 = tpu.memref_slice %arg3[%add3A, %dma_start3A_78, %dma_start3A_79] : memref<32x79x128xi32, #tpu.memory_space<hbm>> -> memref<1x79x128xi32, #tpu.memory_space<hbm>>
      %dma_start3A_81 = tpu.memref_squeeze %dma_start3A_80 : memref<1x79x128xi32, #tpu.memory_space<hbm>> -> memref<79x128xi32, #tpu.memory_space<hbm>>
      tpu.enqueue_dma source(%dma_start3A_81 : memref<79x128xi32, #tpu.memory_space<hbm>>) target(%arg6 : memref<79x128xi32, #tpu.memory_space<vmem>>) target_semaphore(%run_scoped3A : memref<!tpu.dma_semaphore, #tpu.memory_space<semaphore_mem>>)
      %dma_wait3A = arith.constant 0 : i32
      %dma_wait3A_82 = arith.constant 0 : i32
      %dma_wait3A_83 = tpu.memref_slice %arg3[%add3A, %dma_wait3A, %dma_wait3A_82] : memref<32x79x128xi32, #tpu.memory_space<hbm>> -> memref<1x79x128xi32, #tpu.memory_space<hbm>>
      %dma_wait3A_84 = tpu.memref_squeeze %dma_wait3A_83 : memref<1x79x128xi32, #tpu.memory_space<hbm>> -> memref<79x128xi32, #tpu.memory_space<hbm>>
      %dma_wait3A_85 = arith.constant 0 : i32
      %dma_wait3A_86 = arith.constant 0 : i32
      %dma_wait3A_87 = tpu.memref_slice %arg3[%add3A, %dma_wait3A_85, %dma_wait3A_86] : memref<32x79x128xi32, #tpu.memory_space<hbm>> -> memref<1x79x128xi32, #tpu.memory_space<hbm>>
      %dma_wait3A_88 = tpu.memref_squeeze %dma_wait3A_87 : memref<1x79x128xi32, #tpu.memory_space<hbm>> -> memref<79x128xi32, #tpu.memory_space<hbm>>
      tpu.wait_dma2 semaphore(%run_scoped3A : memref<!tpu.dma_semaphore, #tpu.memory_space<semaphore_mem>>) src(%dma_wait3A_88 : memref<79x128xi32, #tpu.memory_space<hbm>>) dst(%arg6 : memref<79x128xi32, #tpu.memory_space<vmem>>)
      tpu.yield
    }) : () -> ()
    "tpu.region"() ({
      %run_scoped3A = tpu.sem_alloc : memref<!tpu.dma_semaphore, #tpu.memory_space<semaphore_mem>>
      %dma_start3A = arith.constant 0 : i32
      %dma_start3A_75 = arith.constant 0 : i32
      %dma_start3A_76 = tpu.memref_slice %arg4[%add3A, %dma_start3A, %dma_start3A_75] : memref<32x79x128xi32, #tpu.memory_space<hbm>> -> memref<1x79x128xi32, #tpu.memory_space<hbm>>
      %dma_start3A_77 = tpu.memref_squeeze %dma_start3A_76 : memref<1x79x128xi32, #tpu.memory_space<hbm>> -> memref<79x128xi32, #tpu.memory_space<hbm>>
      %dma_start3A_78 = arith.constant 0 : i32
      %dma_start3A_79 = arith.constant 0 : i32
      %dma_start3A_80 = tpu.memref_slice %arg4[%add3A, %dma_start3A_78, %dma_start3A_79] : memref<32x79x128xi32, #tpu.memory_space<hbm>> -> memref<1x79x128xi32, #tpu.memory_space<hbm>>
      %dma_start3A_81 = tpu.memref_squeeze %dma_start3A_80 : memref<1x79x128xi32, #tpu.memory_space<hbm>> -> memref<79x128xi32, #tpu.memory_space<hbm>>
      tpu.enqueue_dma source(%dma_start3A_81 : memref<79x128xi32, #tpu.memory_space<hbm>>) target(%arg7 : memref<79x128xi32, #tpu.memory_space<vmem>>) target_semaphore(%run_scoped3A : memref<!tpu.dma_semaphore, #tpu.memory_space<semaphore_mem>>)
      %dma_wait3A = arith.constant 0 : i32
      %dma_wait3A_82 = arith.constant 0 : i32
      %dma_wait3A_83 = tpu.memref_slice %arg4[%add3A, %dma_wait3A, %dma_wait3A_82] : memref<32x79x128xi32, #tpu.memory_space<hbm>> -> memref<1x79x128xi32, #tpu.memory_space<hbm>>
      %dma_wait3A_84 = tpu.memref_squeeze %dma_wait3A_83 : memref<1x79x128xi32, #tpu.memory_space<hbm>> -> memref<79x128xi32, #tpu.memory_space<hbm>>
      %dma_wait3A_85 = arith.constant 0 : i32
      %dma_wait3A_86 = arith.constant 0 : i32
      %dma_wait3A_87 = tpu.memref_slice %arg4[%add3A, %dma_wait3A_85, %dma_wait3A_86] : memref<32x79x128xi32, #tpu.memory_space<hbm>> -> memref<1x79x128xi32, #tpu.memory_space<hbm>>
      %dma_wait3A_88 = tpu.memref_squeeze %dma_wait3A_87 : memref<1x79x128xi32, #tpu.memory_space<hbm>> -> memref<79x128xi32, #tpu.memory_space<hbm>>
      tpu.wait_dma2 semaphore(%run_scoped3A : memref<!tpu.dma_semaphore, #tpu.memory_space<semaphore_mem>>) src(%dma_wait3A_88 : memref<79x128xi32, #tpu.memory_space<hbm>>) dst(%arg7 : memref<79x128xi32, #tpu.memory_space<vmem>>)
      tpu.yield
    }) : () -> ()
    %scan3A = arith.constant 0 : i32
    %scan3A_1 = arith.constant 0 : i32
    %scan3A_2 = arith.constant 128 : i32
    %scan3A_3 = arith.addi %scan3A_1, %scan3A_2 : i32
    %scan3A_4 = arith.constant 1 : i32
    %scan3A_5 = scf.for %scan3A_75 = %scan3A_1 to %scan3A_3 step %scan3A_4 iter_args(%scan3A_76 = %scan3A) -> (i32)  : i32 {
      %broadcast_in_dim3A = arith.constant 0.000000e+00 : f32
      %broadcast_in_dim3A_77 = vector.broadcast %broadcast_in_dim3A : f32 to vector<16xf32>
      %swap3A = arith.index_cast %scan3A_75 : i32 to index
      %swap3A_78 = arith.constant 0 : index
      %swap3A_79 = tpu.vector_load %arg8[%swap3A, %swap3A_78] {strides = array<i32>} : memref<128x128xf32, #tpu.memory_space<vmem>>, vector<1x16xf32>,
      %swap3A_80 = vector.shape_cast %swap3A_79 : vector<1x16xf32> to vector<16xf32>
      %swap3A_81 = vector.shape_cast %broadcast_in_dim3A_77 : vector<16xf32> to vector<1x16xf32>
      tpu.vector_store %arg8[%swap3A, %swap3A_78], %swap3A_81 {strides = array<i32>} : memref<128x128xf32, #tpu.memory_space<vmem>>, vector<1x16xf32>,
      %broadcast_in_dim3A_82 = arith.constant 0.000000e+00 : f32
      %broadcast_in_dim3A_83 = vector.broadcast %broadcast_in_dim3A_82 : f32 to vector<16xf32>
      %swap3A_84 = arith.index_cast %scan3A_75 : i32 to index
      %swap3A_85 = arith.constant 16 : index
      %swap3A_86 = tpu.vector_load %arg8[%swap3A_84, %swap3A_85] {strides = array<i32>} : memref<128x128xf32, #tpu.memory_space<vmem>>, vector<1x16xf32>,
      %swap3A_87 = vector.shape_cast %swap3A_86 : vector<1x16xf32> to vector<16xf32>
      %swap3A_88 = vector.shape_cast %broadcast_in_dim3A_83 : vector<16xf32> to vector<1x16xf32>
      tpu.vector_store %arg8[%swap3A_84, %swap3A_85], %swap3A_88 {strides = array<i32>} : memref<128x128xf32, #tpu.memory_space<vmem>>, vector<1x16xf32>,
      %broadcast_in_dim3A_89 = arith.constant 0.000000e+00 : f32
      %broadcast_in_dim3A_90 = vector.broadcast %broadcast_in_dim3A_89 : f32 to vector<16xf32>
      %swap3A_91 = arith.index_cast %scan3A_75 : i32 to index
      %swap3A_92 = arith.constant 32 : index
      %swap3A_93 = tpu.vector_load %arg8[%swap3A_91, %swap3A_92] {strides = array<i32>} : memref<128x128xf32, #tpu.memory_space<vmem>>, vector<1x16xf32>,
      %swap3A_94 = vector.shape_cast %swap3A_93 : vector<1x16xf32> to vector<16xf32>
      %swap3A_95 = vector.shape_cast %broadcast_in_dim3A_90 : vector<16xf32> to vector<1x16xf32>
      tpu.vector_store %arg8[%swap3A_91, %swap3A_92], %swap3A_95 {strides = array<i32>} : memref<128x128xf32, #tpu.memory_space<vmem>>, vector<1x16xf32>,
      %broadcast_in_dim3A_96 = arith.constant 0.000000e+00 : f32
      %broadcast_in_dim3A_97 = vector.broadcast %broadcast_in_dim3A_96 : f32 to vector<16xf32>
      %swap3A_98 = arith.index_cast %scan3A_75 : i32 to index
      %swap3A_99 = arith.constant 48 : index
      %swap3A_100 = tpu.vector_load %arg8[%swap3A_98, %swap3A_99] {strides = array<i32>} : memref<128x128xf32, #tpu.memory_space<vmem>>, vector<1x16xf32>,
      %swap3A_101 = vector.shape_cast %swap3A_100 : vector<1x16xf32> to vector<16xf32>
      %swap3A_102 = vector.shape_cast %broadcast_in_dim3A_97 : vector<16xf32> to vector<1x16xf32>
      tpu.vector_store %arg8[%swap3A_98, %swap3A_99], %swap3A_102 {strides = array<i32>} : memref<128x128xf32, #tpu.memory_space<vmem>>, vector<1x16xf32>,
      %broadcast_in_dim3A_103 = arith.constant 0.000000e+00 : f32
      %broadcast_in_dim3A_104 = vector.broadcast %broadcast_in_dim3A_103 : f32 to vector<16xf32>
      %swap3A_105 = arith.index_cast %scan3A_75 : i32 to index
      %swap3A_106 = arith.constant 64 : index
      %swap3A_107 = tpu.vector_load %arg8[%swap3A_105, %swap3A_106] {strides = array<i32>} : memref<128x128xf32, #tpu.memory_space<vmem>>, vector<1x16xf32>,
      %swap3A_108 = vector.shape_cast %swap3A_107 : vector<1x16xf32> to vector<16xf32>
      %swap3A_109 = vector.shape_cast %broadcast_in_dim3A_104 : vector<16xf32> to vector<1x16xf32>
      tpu.vector_store %arg8[%swap3A_105, %swap3A_106], %swap3A_109 {strides = array<i32>} : memref<128x128xf32, #tpu.memory_space<vmem>>, vector<1x16xf32>,
      %broadcast_in_dim3A_110 = arith.constant 0.000000e+00 : f32
      %broadcast_in_dim3A_111 = vector.broadcast %broadcast_in_dim3A_110 : f32 to vector<16xf32>
      %swap3A_112 = arith.index_cast %scan3A_75 : i32 to index
      %swap3A_113 = arith.constant 80 : index
      %swap3A_114 = tpu.vector_load %arg8[%swap3A_112, %swap3A_113] {strides = array<i32>} : memref<128x128xf32, #tpu.memory_space<vmem>>, vector<1x16xf32>,
      %swap3A_115 = vector.shape_cast %swap3A_114 : vector<1x16xf32> to vector<16xf32>
      %swap3A_116 = vector.shape_cast %broadcast_in_dim3A_111 : vector<16xf32> to vector<1x16xf32>
      tpu.vector_store %arg8[%swap3A_112, %swap3A_113], %swap3A_116 {strides = array<i32>} : memref<128x128xf32, #tpu.memory_space<vmem>>, vector<1x16xf32>,
      %broadcast_in_dim3A_117 = arith.constant 0.000000e+00 : f32
      %broadcast_in_dim3A_118 = vector.broadcast %broadcast_in_dim3A_117 : f32 to vector<16xf32>
      %swap3A_119 = arith.index_cast %scan3A_75 : i32 to index
      %swap3A_120 = arith.constant 96 : index
      %swap3A_121 = tpu.vector_load %arg8[%swap3A_119, %swap3A_120] {strides = array<i32>} : memref<128x128xf32, #tpu.memory_space<vmem>>, vector<1x16xf32>,
      %swap3A_122 = vector.shape_cast %swap3A_121 : vector<1x16xf32> to vector<16xf32>
      %swap3A_123 = vector.shape_cast %broadcast_in_dim3A_118 : vector<16xf32> to vector<1x16xf32>
      tpu.vector_store %arg8[%swap3A_119, %swap3A_120], %swap3A_123 {strides = array<i32>} : memref<128x128xf32, #tpu.memory_space<vmem>>, vector<1x16xf32>,
      %broadcast_in_dim3A_124 = arith.constant 0.000000e+00 : f32
      %broadcast_in_dim3A_125 = vector.broadcast %broadcast_in_dim3A_124 : f32 to vector<16xf32>
      %swap3A_126 = arith.index_cast %scan3A_75 : i32 to index
      %swap3A_127 = arith.constant 112 : index
      %swap3A_128 = tpu.vector_load %arg8[%swap3A_126, %swap3A_127] {strides = array<i32>} : memref<128x128xf32, #tpu.memory_space<vmem>>, vector<1x16xf32>,
      %swap3A_129 = vector.shape_cast %swap3A_128 : vector<1x16xf32> to vector<16xf32>
      %swap3A_130 = vector.shape_cast %broadcast_in_dim3A_125 : vector<16xf32> to vector<1x16xf32>
      tpu.vector_store %arg8[%swap3A_126, %swap3A_127], %swap3A_130 {strides = array<i32>} : memref<128x128xf32, #tpu.memory_space<vmem>>, vector<1x16xf32>,
      %scan3A_131 = arith.constant 0 : i32
      scf.yield %scan3A_131 : i32
    }
    %scan3A_6 = arith.constant 128 : i32
    %mul3A_7 = arith.constant 640 : i32
    %mul3A_8 = arith.muli %arg1, %mul3A_7 : i32
    %add3A_9 = arith.constant 0 : i32
    %add3A_10 = arith.addi %mul3A_8, %add3A_9 : i32
    "tpu.region"() ({
      %run_scoped3A = tpu.sem_alloc : memref<!tpu.dma_semaphore, #tpu.memory_space<semaphore_mem>>
      %dma_start3A = arith.constant 0 : i32
      %dma_start3A_75 = tpu.memref_slice %arg9[%add3A_10, %dma_start3A] : memref<10240x128xf32, #tpu.memory_space<vmem_shared>> -> memref<128x128xf32, #tpu.memory_space<vmem_shared>>
      %dma_start3A_76 = arith.constant 0 : i32
      %dma_start3A_77 = tpu.memref_slice %arg9[%add3A_10, %dma_start3A_76] : memref<10240x128xf32, #tpu.memory_space<vmem_shared>> -> memref<128x128xf32, #tpu.memory_space<vmem_shared>>
      tpu.enqueue_dma source(%arg8 : memref<128x128xf32, #tpu.memory_space<vmem>>) target(%dma_start3A_77 : memref<128x128xf32, #tpu.memory_space<vmem_shared>>) target_semaphore(%run_scoped3A : memref<!tpu.dma_semaphore, #tpu.memory_space<semaphore_mem>>)
      %dma_wait3A = arith.constant 0 : i32
      %dma_wait3A_78 = tpu.memref_slice %arg9[%add3A_10, %dma_wait3A] : memref<10240x128xf32, #tpu.memory_space<vmem_shared>> -> memref<128x128xf32, #tpu.memory_space<vmem_shared>>
      %dma_wait3A_79 = arith.constant 0 : i32
      %dma_wait3A_80 = tpu.memref_slice %arg9[%add3A_10, %dma_wait3A_79] : memref<10240x128xf32, #tpu.memory_space<vmem_shared>> -> memref<128x128xf32, #tpu.memory_space<vmem_shared>>
      tpu.wait_dma2 semaphore(%run_scoped3A : memref<!tpu.dma_semaphore, #tpu.memory_space<semaphore_mem>>) src(%arg8 : memref<128x128xf32, #tpu.memory_space<vmem>>) dst(%dma_wait3A_80 : memref<128x128xf32, #tpu.memory_space<vmem_shared>>)
      tpu.yield
    }) : () -> ()
    %mul3A_11 = arith.constant 640 : i32
    %mul3A_12 = arith.muli %arg1, %mul3A_11 : i32
    %add3A_13 = arith.constant 128 : i32
    %add3A_14 = arith.addi %mul3A_12, %add3A_13 : i32
    "tpu.region"() ({
      %run_scoped3A = tpu.sem_alloc : memref<!tpu.dma_semaphore, #tpu.memory_space<semaphore_mem>>
      %dma_start3A = arith.constant 0 : i32
      %dma_start3A_75 = tpu.memref_slice %arg9[%add3A_14, %dma_start3A] : memref<10240x128xf32, #tpu.memory_space<vmem_shared>> -> memref<128x128xf32, #tpu.memory_space<vmem_shared>>
      %dma_start3A_76 = arith.constant 0 : i32
      %dma_start3A_77 = tpu.memref_slice %arg9[%add3A_14, %dma_start3A_76] : memref<10240x128xf32, #tpu.memory_space<vmem_shared>> -> memref<128x128xf32, #tpu.memory_space<vmem_shared>>
      tpu.enqueue_dma source(%arg8 : memref<128x128xf32, #tpu.memory_space<vmem>>) target(%dma_start3A_77 : memref<128x128xf32, #tpu.memory_space<vmem_shared>>) target_semaphore(%run_scoped3A : memref<!tpu.dma_semaphore, #tpu.memory_space<semaphore_mem>>)
      %dma_wait3A = arith.constant 0 : i32
      %dma_wait3A_78 = tpu.memref_slice %arg9[%add3A_14, %dma_wait3A] : memref<10240x128xf32, #tpu.memory_space<vmem_shared>> -> memref<128x128xf32, #tpu.memory_space<vmem_shared>>
      %dma_wait3A_79 = arith.constant 0 : i32
      %dma_wait3A_80 = tpu.memref_slice %arg9[%add3A_14, %dma_wait3A_79] : memref<10240x128xf32, #tpu.memory_space<vmem_shared>> -> memref<128x128xf32, #tpu.memory_space<vmem_shared>>
      tpu.wait_dma2 semaphore(%run_scoped3A : memref<!tpu.dma_semaphore, #tpu.memory_space<semaphore_mem>>) src(%arg8 : memref<128x128xf32, #tpu.memory_space<vmem>>) dst(%dma_wait3A_80 : memref<128x128xf32, #tpu.memory_space<vmem_shared>>)
      tpu.yield
    }) : () -> ()
    %mul3A_15 = arith.constant 640 : i32
    %mul3A_16 = arith.muli %arg1, %mul3A_15 : i32
    %add3A_17 = arith.constant 256 : i32
    %add3A_18 = arith.addi %mul3A_16, %add3A_17 : i32
    "tpu.region"() ({
      %run_scoped3A = tpu.sem_alloc : memref<!tpu.dma_semaphore, #tpu.memory_space<semaphore_mem>>
      %dma_start3A = arith.constant 0 : i32
      %dma_start3A_75 = tpu.memref_slice %arg9[%add3A_18, %dma_start3A] : memref<10240x128xf32, #tpu.memory_space<vmem_shared>> -> memref<128x128xf32, #tpu.memory_space<vmem_shared>>
      %dma_start3A_76 = arith.constant 0 : i32
      %dma_start3A_77 = tpu.memref_slice %arg9[%add3A_18, %dma_start3A_76] : memref<10240x128xf32, #tpu.memory_space<vmem_shared>> -> memref<128x128xf32, #tpu.memory_space<vmem_shared>>
      tpu.enqueue_dma source(%arg8 : memref<128x128xf32, #tpu.memory_space<vmem>>) target(%dma_start3A_77 : memref<128x128xf32, #tpu.memory_space<vmem_shared>>) target_semaphore(%run_scoped3A : memref<!tpu.dma_semaphore, #tpu.memory_space<semaphore_mem>>)
      %dma_wait3A = arith.constant 0 : i32
      %dma_wait3A_78 = tpu.memref_slice %arg9[%add3A_18, %dma_wait3A] : memref<10240x128xf32, #tpu.memory_space<vmem_shared>> -> memref<128x128xf32, #tpu.memory_space<vmem_shared>>
      %dma_wait3A_79 = arith.constant 0 : i32
      %dma_wait3A_80 = tpu.memref_slice %arg9[%add3A_18, %dma_wait3A_79] : memref<10240x128xf32, #tpu.memory_space<vmem_shared>> -> memref<128x128xf32, #tpu.memory_space<vmem_shared>>
      tpu.wait_dma2 semaphore(%run_scoped3A : memref<!tpu.dma_semaphore, #tpu.memory_space<semaphore_mem>>) src(%arg8 : memref<128x128xf32, #tpu.memory_space<vmem>>) dst(%dma_wait3A_80 : memref<128x128xf32, #tpu.memory_space<vmem_shared>>)
      tpu.yield
    }) : () -> ()
    %mul3A_19 = arith.constant 640 : i32
    %mul3A_20 = arith.muli %arg1, %mul3A_19 : i32
    %add3A_21 = arith.constant 384 : i32
    %add3A_22 = arith.addi %mul3A_20, %add3A_21 : i32
    "tpu.region"() ({
      %run_scoped3A = tpu.sem_alloc : memref<!tpu.dma_semaphore, #tpu.memory_space<semaphore_mem>>
      %dma_start3A = arith.constant 0 : i32
      %dma_start3A_75 = tpu.memref_slice %arg9[%add3A_22, %dma_start3A] : memref<10240x128xf32, #tpu.memory_space<vmem_shared>> -> memref<128x128xf32, #tpu.memory_space<vmem_shared>>
      %dma_start3A_76 = arith.constant 0 : i32
      %dma_start3A_77 = tpu.memref_slice %arg9[%add3A_22, %dma_start3A_76] : memref<10240x128xf32, #tpu.memory_space<vmem_shared>> -> memref<128x128xf32, #tpu.memory_space<vmem_shared>>
      tpu.enqueue_dma source(%arg8 : memref<128x128xf32, #tpu.memory_space<vmem>>) target(%dma_start3A_77 : memref<128x128xf32, #tpu.memory_space<vmem_shared>>) target_semaphore(%run_scoped3A : memref<!tpu.dma_semaphore, #tpu.memory_space<semaphore_mem>>)
      %dma_wait3A = arith.constant 0 : i32
      %dma_wait3A_78 = tpu.memref_slice %arg9[%add3A_22, %dma_wait3A] : memref<10240x128xf32, #tpu.memory_space<vmem_shared>> -> memref<128x128xf32, #tpu.memory_space<vmem_shared>>
      %dma_wait3A_79 = arith.constant 0 : i32
      %dma_wait3A_80 = tpu.memref_slice %arg9[%add3A_22, %dma_wait3A_79] : memref<10240x128xf32, #tpu.memory_space<vmem_shared>> -> memref<128x128xf32, #tpu.memory_space<vmem_shared>>
      tpu.wait_dma2 semaphore(%run_scoped3A : memref<!tpu.dma_semaphore, #tpu.memory_space<semaphore_mem>>) src(%arg8 : memref<128x128xf32, #tpu.memory_space<vmem>>) dst(%dma_wait3A_80 : memref<128x128xf32, #tpu.memory_space<vmem_shared>>)
      tpu.yield
    }) : () -> ()
    %mul3A_23 = arith.constant 640 : i32
    %mul3A_24 = arith.muli %arg1, %mul3A_23 : i32
    %add3A_25 = arith.constant 512 : i32
    %add3A_26 = arith.addi %mul3A_24, %add3A_25 : i32
    "tpu.region"() ({
      %run_scoped3A = tpu.sem_alloc : memref<!tpu.dma_semaphore, #tpu.memory_space<semaphore_mem>>
      %dma_start3A = arith.constant 0 : i32
      %dma_start3A_75 = tpu.memref_slice %arg9[%add3A_26, %dma_start3A] : memref<10240x128xf32, #tpu.memory_space<vmem_shared>> -> memref<128x128xf32, #tpu.memory_space<vmem_shared>>
      %dma_start3A_76 = arith.constant 0 : i32
      %dma_start3A_77 = tpu.memref_slice %arg9[%add3A_26, %dma_start3A_76] : memref<10240x128xf32, #tpu.memory_space<vmem_shared>> -> memref<128x128xf32, #tpu.memory_space<vmem_shared>>
      tpu.enqueue_dma source(%arg8 : memref<128x128xf32, #tpu.memory_space<vmem>>) target(%dma_start3A_77 : memref<128x128xf32, #tpu.memory_space<vmem_shared>>) target_semaphore(%run_scoped3A : memref<!tpu.dma_semaphore, #tpu.memory_space<semaphore_mem>>)
      %dma_wait3A = arith.constant 0 : i32
      %dma_wait3A_78 = tpu.memref_slice %arg9[%add3A_26, %dma_wait3A] : memref<10240x128xf32, #tpu.memory_space<vmem_shared>> -> memref<128x128xf32, #tpu.memory_space<vmem_shared>>
      %dma_wait3A_79 = arith.constant 0 : i32
      %dma_wait3A_80 = tpu.memref_slice %arg9[%add3A_26, %dma_wait3A_79] : memref<10240x128xf32, #tpu.memory_space<vmem_shared>> -> memref<128x128xf32, #tpu.memory_space<vmem_shared>>
      tpu.wait_dma2 semaphore(%run_scoped3A : memref<!tpu.dma_semaphore, #tpu.memory_space<semaphore_mem>>) src(%arg8 : memref<128x128xf32, #tpu.memory_space<vmem>>) dst(%dma_wait3A_80 : memref<128x128xf32, #tpu.memory_space<vmem_shared>>)
      tpu.yield
    }) : () -> ()
    %barrier3A = arith.constant 0 : index
    tpu.barrier barrier_id(%barrier3A)
    %scan3A_27 = arith.constant 0 : i32
    %scan3A_28 = arith.constant 0 : i32
    %scan3A_29 = arith.constant 79 : i32
    %scan3A_30 = arith.addi %scan3A_28, %scan3A_29 : i32
    %scan3A_31 = arith.constant 1 : i32
    %scan3A_32 = scf.for %scan3A_75 = %scan3A_28 to %scan3A_30 step %scan3A_31 iter_args(%scan3A_76 = %scan3A_27) -> (i32)  : i32 {
      %dma_start3A = arith.constant 0 : i32
      %dma_start3A_77 = tpu.memref_slice %arg6[%scan3A_75, %dma_start3A] : memref<79x128xi32, #tpu.memory_space<vmem>> -> memref<1x128xi32, #tpu.memory_space<vmem>>
      %dma_start3A_78 = tpu.memref_squeeze %dma_start3A_77 : memref<1x128xi32, #tpu.memory_space<vmem>> -> memref<128xi32, #tpu.memory_space<vmem>>
      %dma_start3A_79 = arith.constant 0 : i32
      %dma_start3A_80 = arith.constant 0 : i32
      %dma_start3A_81 = tpu.memref_slice %arg2[%dma_start3A_79, %dma_start3A_80] : memref<10240x128xf32, #tpu.memory_space<hbm>> -> memref<10240x128xf32, #tpu.memory_space<hbm>>
      tpu.enqueue_indirect_dma source(%dma_start3A_81 : memref<10240x128xf32, #tpu.memory_space<hbm>>) target(%arg8 : memref<128x128xf32, #tpu.memory_space<vmem>>) offsets(%dma_start3A_78 : memref<128xi32, #tpu.memory_space<vmem>>) semaphore(%arg10 : memref<!tpu.dma_semaphore, #tpu.memory_space<semaphore_mem>>)
      %dma_wait3A = arith.constant 0 : i32
      %dma_wait3A_82 = tpu.memref_slice %arg6[%scan3A_75, %dma_wait3A] : memref<79x128xi32, #tpu.memory_space<vmem>> -> memref<1x128xi32, #tpu.memory_space<vmem>>
      %dma_wait3A_83 = tpu.memref_squeeze %dma_wait3A_82 : memref<1x128xi32, #tpu.memory_space<vmem>> -> memref<128xi32, #tpu.memory_space<vmem>>
      %dma_wait3A_84 = arith.constant 0 : i32
      %dma_wait3A_85 = arith.constant 0 : i32
      %dma_wait3A_86 = tpu.memref_slice %arg2[%dma_wait3A_84, %dma_wait3A_85] : memref<10240x128xf32, #tpu.memory_space<hbm>> -> memref<10240x128xf32, #tpu.memory_space<hbm>>
      tpu.wait_indirect_dma semaphore(%arg10 : memref<!tpu.dma_semaphore, #tpu.memory_space<semaphore_mem>>) src(%dma_wait3A_86 : memref<10240x128xf32, #tpu.memory_space<hbm>>) dst(%arg8 : memref<128x128xf32, #tpu.memory_space<vmem>>)
      "tpu.region"() ({
        %run_scoped3A = tpu.sem_alloc : memref<!tpu.dma_semaphore, #tpu.memory_space<semaphore_mem>>
        %dma_start3A_88 = arith.constant 0 : i32
        %dma_start3A_89 = tpu.memref_slice %arg7[%scan3A_75, %dma_start3A_88] : memref<79x128xi32, #tpu.memory_space<vmem>> -> memref<1x128xi32, #tpu.memory_space<vmem>>
        %dma_start3A_90 = tpu.memref_squeeze %dma_start3A_89 : memref<1x128xi32, #tpu.memory_space<vmem>> -> memref<128xi32, #tpu.memory_space<vmem>>
        %dma_start3A_91 = arith.constant 0 : i32
        %dma_start3A_92 = arith.constant 0 : i32
        %dma_start3A_93 = tpu.memref_slice %arg9[%dma_start3A_91, %dma_start3A_92] : memref<10240x128xf32, #tpu.memory_space<vmem_shared>> -> memref<10240x128xf32, #tpu.memory_space<vmem_shared>>
        tpu.enqueue_indirect_dma source(%arg8 : memref<128x128xf32, #tpu.memory_space<vmem>>) target(%dma_start3A_93 : memref<10240x128xf32, #tpu.memory_space<vmem_shared>>) offsets(%dma_start3A_90 : memref<128xi32, #tpu.memory_space<vmem>>) semaphore(%run_scoped3A : memref<!tpu.dma_semaphore, #tpu.memory_space<semaphore_mem>>) {add = true}
        %dma_wait3A_94 = arith.constant 0 : i32
        %dma_wait3A_95 = tpu.memref_slice %arg7[%scan3A_75, %dma_wait3A_94] : memref<79x128xi32, #tpu.memory_space<vmem>> -> memref<1x128xi32, #tpu.memory_space<vmem>>
        %dma_wait3A_96 = tpu.memref_squeeze %dma_wait3A_95 : memref<1x128xi32, #tpu.memory_space<vmem>> -> memref<128xi32, #tpu.memory_space<vmem>>
        %dma_wait3A_97 = arith.constant 0 : i32
        %dma_wait3A_98 = arith.constant 0 : i32
        %dma_wait3A_99 = tpu.memref_slice %arg9[%dma_wait3A_97, %dma_wait3A_98] : memref<10240x128xf32, #tpu.memory_space<vmem_shared>> -> memref<10240x128xf32, #tpu.memory_space<vmem_shared>>
        tpu.wait_indirect_dma semaphore(%run_scoped3A : memref<!tpu.dma_semaphore, #tpu.memory_space<semaphore_mem>>) src(%arg8 : memref<128x128xf32, #tpu.memory_space<vmem>>) dst(%dma_wait3A_99 : memref<10240x128xf32, #tpu.memory_space<vmem_shared>>)
        tpu.yield
      }) : () -> ()
      %scan3A_87 = arith.constant 0 : i32
      scf.yield %scan3A_87 : i32
    }
    %scan3A_33 = arith.constant 79 : i32
    %barrier3A_34 = arith.constant 0 : index
    tpu.barrier barrier_id(%barrier3A_34)
    %mul3A_35 = arith.constant 640 : i32
    %mul3A_36 = arith.muli %arg1, %mul3A_35 : i32
    %add3A_37 = arith.constant 0 : i32
    %add3A_38 = arith.addi %mul3A_36, %add3A_37 : i32
    %mul3A_39 = arith.constant 640 : i32
    %mul3A_40 = arith.muli %arg1, %mul3A_39 : i32
    %add3A_41 = arith.constant 0 : i32
    %add3A_42 = arith.addi %mul3A_40, %add3A_41 : i32
    "tpu.region"() ({
      %run_scoped3A = tpu.sem_alloc : memref<!tpu.dma_semaphore, #tpu.memory_space<semaphore_mem>>
      %dma_start3A = arith.constant 0 : i32
      %dma_start3A_75 = tpu.memref_slice %arg5[%arg0, %add3A_42, %dma_start3A] : memref<2x10240x128xf32, #tpu.memory_space<hbm>> -> memref<1x128x128xf32, #tpu.memory_space<hbm>>
      %dma_start3A_76 = tpu.memref_squeeze %dma_start3A_75 : memref<1x128x128xf32, #tpu.memory_space<hbm>> -> memref<128x128xf32, #tpu.memory_space<hbm>>
      %dma_start3A_77 = arith.constant 0 : i32
      %dma_start3A_78 = tpu.memref_slice %arg9[%add3A_38, %dma_start3A_77] : memref<10240x128xf32, #tpu.memory_space<vmem_shared>> -> memref<128x128xf32, #tpu.memory_space<vmem_shared>>
      tpu.enqueue_dma source(%dma_start3A_78 : memref<128x128xf32, #tpu.memory_space<vmem_shared>>) target(%dma_start3A_76 : memref<128x128xf32, #tpu.memory_space<hbm>>) target_semaphore(%run_scoped3A : memref<!tpu.dma_semaphore, #tpu.memory_space<semaphore_mem>>)
      %dma_wait3A = arith.constant 0 : i32
      %dma_wait3A_79 = tpu.memref_slice %arg5[%arg0, %add3A_42, %dma_wait3A] : memref<2x10240x128xf32, #tpu.memory_space<hbm>> -> memref<1x128x128xf32, #tpu.memory_space<hbm>>
      %dma_wait3A_80 = tpu.memref_squeeze %dma_wait3A_79 : memref<1x128x128xf32, #tpu.memory_space<hbm>> -> memref<128x128xf32, #tpu.memory_space<hbm>>
      %dma_wait3A_81 = arith.constant 0 : i32
      %dma_wait3A_82 = tpu.memref_slice %arg9[%add3A_38, %dma_wait3A_81] : memref<10240x128xf32, #tpu.memory_space<vmem_shared>> -> memref<128x128xf32, #tpu.memory_space<vmem_shared>>
      tpu.wait_dma2 semaphore(%run_scoped3A : memref<!tpu.dma_semaphore, #tpu.memory_space<semaphore_mem>>) src(%dma_wait3A_82 : memref<128x128xf32, #tpu.memory_space<vmem_shared>>) dst(%dma_wait3A_80 : memref<128x128xf32, #tpu.memory_space<hbm>>)
      tpu.yield
    }) : () -> ()
    %mul3A_43 = arith.constant 640 : i32
    %mul3A_44 = arith.muli %arg1, %mul3A_43 : i32
    %add3A_45 = arith.constant 128 : i32
    %add3A_46 = arith.addi %mul3A_44, %add3A_45 : i32
    %mul3A_47 = arith.constant 640 : i32
    %mul3A_48 = arith.muli %arg1, %mul3A_47 : i32
    %add3A_49 = arith.constant 128 : i32
    %add3A_50 = arith.addi %mul3A_48, %add3A_49 : i32
    "tpu.region"() ({
      %run_scoped3A = tpu.sem_alloc : memref<!tpu.dma_semaphore, #tpu.memory_space<semaphore_mem>>
      %dma_start3A = arith.constant 0 : i32
      %dma_start3A_75 = tpu.memref_slice %arg5[%arg0, %add3A_50, %dma_start3A] : memref<2x10240x128xf32, #tpu.memory_space<hbm>> -> memref<1x128x128xf32, #tpu.memory_space<hbm>>
      %dma_start3A_76 = tpu.memref_squeeze %dma_start3A_75 : memref<1x128x128xf32, #tpu.memory_space<hbm>> -> memref<128x128xf32, #tpu.memory_space<hbm>>
      %dma_start3A_77 = arith.constant 0 : i32
      %dma_start3A_78 = tpu.memref_slice %arg9[%add3A_46, %dma_start3A_77] : memref<10240x128xf32, #tpu.memory_space<vmem_shared>> -> memref<128x128xf32, #tpu.memory_space<vmem_shared>>
      tpu.enqueue_dma source(%dma_start3A_78 : memref<128x128xf32, #tpu.memory_space<vmem_shared>>) target(%dma_start3A_76 : memref<128x128xf32, #tpu.memory_space<hbm>>) target_semaphore(%run_scoped3A : memref<!tpu.dma_semaphore, #tpu.memory_space<semaphore_mem>>)
      %dma_wait3A = arith.constant 0 : i32
      %dma_wait3A_79 = tpu.memref_slice %arg5[%arg0, %add3A_50, %dma_wait3A] : memref<2x10240x128xf32, #tpu.memory_space<hbm>> -> memref<1x128x128xf32, #tpu.memory_space<hbm>>
      %dma_wait3A_80 = tpu.memref_squeeze %dma_wait3A_79 : memref<1x128x128xf32, #tpu.memory_space<hbm>> -> memref<128x128xf32, #tpu.memory_space<hbm>>
      %dma_wait3A_81 = arith.constant 0 : i32
      %dma_wait3A_82 = tpu.memref_slice %arg9[%add3A_46, %dma_wait3A_81] : memref<10240x128xf32, #tpu.memory_space<vmem_shared>> -> memref<128x128xf32, #tpu.memory_space<vmem_shared>>
      tpu.wait_dma2 semaphore(%run_scoped3A : memref<!tpu.dma_semaphore, #tpu.memory_space<semaphore_mem>>) src(%dma_wait3A_82 : memref<128x128xf32, #tpu.memory_space<vmem_shared>>) dst(%dma_wait3A_80 : memref<128x128xf32, #tpu.memory_space<hbm>>)
      tpu.yield
    }) : () -> ()
    %mul3A_51 = arith.constant 640 : i32
    %mul3A_52 = arith.muli %arg1, %mul3A_51 : i32
    %add3A_53 = arith.constant 256 : i32
    %add3A_54 = arith.addi %mul3A_52, %add3A_53 : i32
    %mul3A_55 = arith.constant 640 : i32
    %mul3A_56 = arith.muli %arg1, %mul3A_55 : i32
    %add3A_57 = arith.constant 256 : i32
    %add3A_58 = arith.addi %mul3A_56, %add3A_57 : i32
    "tpu.region"() ({
      %run_scoped3A = tpu.sem_alloc : memref<!tpu.dma_semaphore, #tpu.memory_space<semaphore_mem>>
      %dma_start3A = arith.constant 0 : i32
      %dma_start3A_75 = tpu.memref_slice %arg5[%arg0, %add3A_58, %dma_start3A] : memref<2x10240x128xf32, #tpu.memory_space<hbm>> -> memref<1x128x128xf32, #tpu.memory_space<hbm>>
      %dma_start3A_76 = tpu.memref_squeeze %dma_start3A_75 : memref<1x128x128xf32, #tpu.memory_space<hbm>> -> memref<128x128xf32, #tpu.memory_space<hbm>>
      %dma_start3A_77 = arith.constant 0 : i32
      %dma_start3A_78 = tpu.memref_slice %arg9[%add3A_54, %dma_start3A_77] : memref<10240x128xf32, #tpu.memory_space<vmem_shared>> -> memref<128x128xf32, #tpu.memory_space<vmem_shared>>
      tpu.enqueue_dma source(%dma_start3A_78 : memref<128x128xf32, #tpu.memory_space<vmem_shared>>) target(%dma_start3A_76 : memref<128x128xf32, #tpu.memory_space<hbm>>) target_semaphore(%run_scoped3A : memref<!tpu.dma_semaphore, #tpu.memory_space<semaphore_mem>>)
      %dma_wait3A = arith.constant 0 : i32
      %dma_wait3A_79 = tpu.memref_slice %arg5[%arg0, %add3A_58, %dma_wait3A] : memref<2x10240x128xf32, #tpu.memory_space<hbm>> -> memref<1x128x128xf32, #tpu.memory_space<hbm>>
      %dma_wait3A_80 = tpu.memref_squeeze %dma_wait3A_79 : memref<1x128x128xf32, #tpu.memory_space<hbm>> -> memref<128x128xf32, #tpu.memory_space<hbm>>
      %dma_wait3A_81 = arith.constant 0 : i32
      %dma_wait3A_82 = tpu.memref_slice %arg9[%add3A_54, %dma_wait3A_81] : memref<10240x128xf32, #tpu.memory_space<vmem_shared>> -> memref<128x128xf32, #tpu.memory_space<vmem_shared>>
      tpu.wait_dma2 semaphore(%run_scoped3A : memref<!tpu.dma_semaphore, #tpu.memory_space<semaphore_mem>>) src(%dma_wait3A_82 : memref<128x128xf32, #tpu.memory_space<vmem_shared>>) dst(%dma_wait3A_80 : memref<128x128xf32, #tpu.memory_space<hbm>>)
      tpu.yield
    }) : () -> ()
    %mul3A_59 = arith.constant 640 : i32
    %mul3A_60 = arith.muli %arg1, %mul3A_59 : i32
    %add3A_61 = arith.constant 384 : i32
    %add3A_62 = arith.addi %mul3A_60, %add3A_61 : i32
    %mul3A_63 = arith.constant 640 : i32
    %mul3A_64 = arith.muli %arg1, %mul3A_63 : i32
    %add3A_65 = arith.constant 384 : i32
    %add3A_66 = arith.addi %mul3A_64, %add3A_65 : i32
    "tpu.region"() ({
      %run_scoped3A = tpu.sem_alloc : memref<!tpu.dma_semaphore, #tpu.memory_space<semaphore_mem>>
      %dma_start3A = arith.constant 0 : i32
      %dma_start3A_75 = tpu.memref_slice %arg5[%arg0, %add3A_66, %dma_start3A] : memref<2x10240x128xf32, #tpu.memory_space<hbm>> -> memref<1x128x128xf32, #tpu.memory_space<hbm>>
      %dma_start3A_76 = tpu.memref_squeeze %dma_start3A_75 : memref<1x128x128xf32, #tpu.memory_space<hbm>> -> memref<128x128xf32, #tpu.memory_space<hbm>>
      %dma_start3A_77 = arith.constant 0 : i32
      %dma_start3A_78 = tpu.memref_slice %arg9[%add3A_62, %dma_start3A_77] : memref<10240x128xf32, #tpu.memory_space<vmem_shared>> -> memref<128x128xf32, #tpu.memory_space<vmem_shared>>
      tpu.enqueue_dma source(%dma_start3A_78 : memref<128x128xf32, #tpu.memory_space<vmem_shared>>) target(%dma_start3A_76 : memref<128x128xf32, #tpu.memory_space<hbm>>) target_semaphore(%run_scoped3A : memref<!tpu.dma_semaphore, #tpu.memory_space<semaphore_mem>>)
      %dma_wait3A = arith.constant 0 : i32
      %dma_wait3A_79 = tpu.memref_slice %arg5[%arg0, %add3A_66, %dma_wait3A] : memref<2x10240x128xf32, #tpu.memory_space<hbm>> -> memref<1x128x128xf32, #tpu.memory_space<hbm>>
      %dma_wait3A_80 = tpu.memref_squeeze %dma_wait3A_79 : memref<1x128x128xf32, #tpu.memory_space<hbm>> -> memref<128x128xf32, #tpu.memory_space<hbm>>
      %dma_wait3A_81 = arith.constant 0 : i32
      %dma_wait3A_82 = tpu.memref_slice %arg9[%add3A_62, %dma_wait3A_81] : memref<10240x128xf32, #tpu.memory_space<vmem_shared>> -> memref<128x128xf32, #tpu.memory_space<vmem_shared>>
      tpu.wait_dma2 semaphore(%run_scoped3A : memref<!tpu.dma_semaphore, #tpu.memory_space<semaphore_mem>>) src(%dma_wait3A_82 : memref<128x128xf32, #tpu.memory_space<vmem_shared>>) dst(%dma_wait3A_80 : memref<128x128xf32, #tpu.memory_space<hbm>>)
      tpu.yield
    }) : () -> ()
    %mul3A_67 = arith.constant 640 : i32
    %mul3A_68 = arith.muli %arg1, %mul3A_67 : i32
    %add3A_69 = arith.constant 512 : i32
    %add3A_70 = arith.addi %mul3A_68, %add3A_69 : i32
    %mul3A_71 = arith.constant 640 : i32
    %mul3A_72 = arith.muli %arg1, %mul3A_71 : i32
    %add3A_73 = arith.constant 512 : i32
    %add3A_74 = arith.addi %mul3A_72, %add3A_73 : i32
    "tpu.region"() ({
      %run_scoped3A = tpu.sem_alloc : memref<!tpu.dma_semaphore, #tpu.memory_space<semaphore_mem>>
      %dma_start3A = arith.constant 0 : i32
      %dma_start3A_75 = tpu.memref_slice %arg5[%arg0, %add3A_74, %dma_start3A] : memref<2x10240x128xf32, #tpu.memory_space<hbm>> -> memref<1x128x128xf32, #tpu.memory_space<hbm>>
      %dma_start3A_76 = tpu.memref_squeeze %dma_start3A_75 : memref<1x128x128xf32, #tpu.memory_space<hbm>> -> memref<128x128xf32, #tpu.memory_space<hbm>>
      %dma_start3A_77 = arith.constant 0 : i32
      %dma_start3A_78 = tpu.memref_slice %arg9[%add3A_70, %dma_start3A_77] : memref<10240x128xf32, #tpu.memory_space<vmem_shared>> -> memref<128x128xf32, #tpu.memory_space<vmem_shared>>
      tpu.enqueue_dma source(%dma_start3A_78 : memref<128x128xf32, #tpu.memory_space<vmem_shared>>) target(%dma_start3A_76 : memref<128x128xf32, #tpu.memory_space<hbm>>) target_semaphore(%run_scoped3A : memref<!tpu.dma_semaphore, #tpu.memory_space<semaphore_mem>>)
      %dma_wait3A = arith.constant 0 : i32
      %dma_wait3A_79 = tpu.memref_slice %arg5[%arg0, %add3A_74, %dma_wait3A] : memref<2x10240x128xf32, #tpu.memory_space<hbm>> -> memref<1x128x128xf32, #tpu.memory_space<hbm>>
      %dma_wait3A_80 = tpu.memref_squeeze %dma_wait3A_79 : memref<1x128x128xf32, #tpu.memory_space<hbm>> -> memref<128x128xf32, #tpu.memory_space<hbm>>
      %dma_wait3A_81 = arith.constant 0 : i32
      %dma_wait3A_82 = tpu.memref_slice %arg9[%add3A_70, %dma_wait3A_81] : memref<10240x128xf32, #tpu.memory_space<vmem_shared>> -> memref<128x128xf32, #tpu.memory_space<vmem_shared>>
      tpu.wait_dma2 semaphore(%run_scoped3A : memref<!tpu.dma_semaphore, #tpu.memory_space<semaphore_mem>>) src(%dma_wait3A_82 : memref<128x128xf32, #tpu.memory_space<vmem_shared>>) dst(%dma_wait3A_80 : memref<128x128xf32, #tpu.memory_space<hbm>>)
      tpu.yield
    }) : () -> ()
    return
  }
}

#map = affine_map<(d0, d1) -> (0, 0, 0)>
#map1 = affine_map<(d0, d1) -> (0, 0)>
module attributes {stable_mosaic.version = 14 : i64} {
  func.func @_sc_setup(%arg0: i32, %arg1: i32, %arg2: memref<32x4x80xi32, #tpu.memory_space<hbm>>, %arg3: memref<6x128xf32, #tpu.memory_space<hbm>>, %arg4: memref<32x79x128xi32, #tpu.memory_space<hbm>>, %arg5: memref<32x79x128xi32, #tpu.memory_space<hbm>>, %arg6: memref<10240x128xf32, #tpu.memory_space<hbm>>, %arg7: memref<32x79x128xi32, #tpu.memory_space<hbm>>, %arg8: memref<2x10240xf32, #tpu.memory_space<hbm>>, %arg9: memref<4x80xi32, #tpu.memory_space<vmem>>, %arg10: memref<320x128xf32, #tpu.memory_space<vmem>>, %arg11: memref<79x128xi32, #tpu.memory_space<vmem>>, %arg12: memref<79x128xi32, #tpu.memory_space<vmem>>, %arg13: memref<79x128xi32, #tpu.memory_space<vmem>>, %arg14: memref<128xf32, #tpu.memory_space<vmem>>, %arg15: memref<640xf32, #tpu.memory_space<vmem>>, %arg16: memref<10240xf32, #tpu.memory_space<vmem_shared>>, %arg17: memref<!tpu.dma_semaphore, #tpu.memory_space<semaphore_mem>>) attributes {dimension_semantics = [#tpu.dimension_semantics<core_parallel>, #tpu.dimension_semantics<subcore_parallel>], iteration_bounds = array<i64: 2, 16>, scalar_prefetch = 0 : i64, scratch_operands = 9 : i64, tpu.core_type = #tpu.core_type<sc_vector_subcore>, window_params = [{transform_indices = #map}, {transform_indices = #map1}, {transform_indices = #map}, {transform_indices = #map}, {transform_indices = #map1}, {transform_indices = #map}, {transform_indices = #map1}]} {
    %mul3A = arith.constant 16 : i32
    %mul3A_0 = arith.muli %arg0, %mul3A : i32
    %add3A = arith.addi %mul3A_0, %arg1 : i32
    "tpu.region"() ({
      %run_scoped3A = tpu.sem_alloc : memref<!tpu.dma_semaphore, #tpu.memory_space<semaphore_mem>>
      %dma_start3A_115 = arith.constant 0 : i32
      %dma_start3A_116 = arith.constant 0 : i32
      %dma_start3A_117 = tpu.memref_slice %arg2[%add3A, %dma_start3A_115, %dma_start3A_116] : memref<32x4x80xi32, #tpu.memory_space<hbm>> -> memref<1x4x80xi32, #tpu.memory_space<hbm>>
      %dma_start3A_118 = tpu.memref_squeeze %dma_start3A_117 : memref<1x4x80xi32, #tpu.memory_space<hbm>> -> memref<4x80xi32, #tpu.memory_space<hbm>>
      %dma_start3A_119 = arith.constant 0 : i32
      %dma_start3A_120 = arith.constant 0 : i32
      %dma_start3A_121 = tpu.memref_slice %arg2[%add3A, %dma_start3A_119, %dma_start3A_120] : memref<32x4x80xi32, #tpu.memory_space<hbm>> -> memref<1x4x80xi32, #tpu.memory_space<hbm>>
      %dma_start3A_122 = tpu.memref_squeeze %dma_start3A_121 : memref<1x4x80xi32, #tpu.memory_space<hbm>> -> memref<4x80xi32, #tpu.memory_space<hbm>>
      tpu.enqueue_dma source(%dma_start3A_122 : memref<4x80xi32, #tpu.memory_space<hbm>>) target(%arg9 : memref<4x80xi32, #tpu.memory_space<vmem>>) target_semaphore(%run_scoped3A : memref<!tpu.dma_semaphore, #tpu.memory_space<semaphore_mem>>)
      %dma_wait3A_123 = arith.constant 0 : i32
      %dma_wait3A_124 = arith.constant 0 : i32
      %dma_wait3A_125 = tpu.memref_slice %arg2[%add3A, %dma_wait3A_123, %dma_wait3A_124] : memref<32x4x80xi32, #tpu.memory_space<hbm>> -> memref<1x4x80xi32, #tpu.memory_space<hbm>>
      %dma_wait3A_126 = tpu.memref_squeeze %dma_wait3A_125 : memref<1x4x80xi32, #tpu.memory_space<hbm>> -> memref<4x80xi32, #tpu.memory_space<hbm>>
      %dma_wait3A_127 = arith.constant 0 : i32
      %dma_wait3A_128 = arith.constant 0 : i32
      %dma_wait3A_129 = tpu.memref_slice %arg2[%add3A, %dma_wait3A_127, %dma_wait3A_128] : memref<32x4x80xi32, #tpu.memory_space<hbm>> -> memref<1x4x80xi32, #tpu.memory_space<hbm>>
      %dma_wait3A_130 = tpu.memref_squeeze %dma_wait3A_129 : memref<1x4x80xi32, #tpu.memory_space<hbm>> -> memref<4x80xi32, #tpu.memory_space<hbm>>
      tpu.wait_dma2 semaphore(%run_scoped3A : memref<!tpu.dma_semaphore, #tpu.memory_space<semaphore_mem>>) src(%dma_wait3A_130 : memref<4x80xi32, #tpu.memory_space<hbm>>) dst(%arg9 : memref<4x80xi32, #tpu.memory_space<vmem>>)
      tpu.yield
    }) : () -> ()
    %dma_start3A = arith.constant 0 : i32
    %dma_start3A_1 = arith.constant 0 : i32
    %dma_start3A_2 = arith.constant 0 : i32
    %dma_start3A_3 = tpu.memref_slice %arg10[%dma_start3A_1, %dma_start3A_2] : memref<320x128xf32, #tpu.memory_space<vmem>> -> memref<80x128xf32, #tpu.memory_space<vmem>>
    %dma_start3A_4 = arith.constant 0 : i32
    %dma_start3A_5 = tpu.memref_slice %arg9[%dma_start3A, %dma_start3A_4] : memref<4x80xi32, #tpu.memory_space<vmem>> -> memref<1x80xi32, #tpu.memory_space<vmem>>
    %dma_start3A_6 = tpu.memref_squeeze %dma_start3A_5 : memref<1x80xi32, #tpu.memory_space<vmem>> -> memref<80xi32, #tpu.memory_space<vmem>>
    %dma_start3A_7 = arith.constant 0 : i32
    %dma_start3A_8 = arith.constant 0 : i32
    %dma_start3A_9 = tpu.memref_slice %arg3[%dma_start3A_7, %dma_start3A_8] : memref<6x128xf32, #tpu.memory_space<hbm>> -> memref<6x128xf32, #tpu.memory_space<hbm>>
    tpu.enqueue_indirect_dma source(%dma_start3A_9 : memref<6x128xf32, #tpu.memory_space<hbm>>) target(%dma_start3A_3 : memref<80x128xf32, #tpu.memory_space<vmem>>) offsets(%dma_start3A_6 : memref<80xi32, #tpu.memory_space<vmem>>) semaphore(%arg17 : memref<!tpu.dma_semaphore, #tpu.memory_space<semaphore_mem>>)
    %dma_wait3A = arith.constant 0 : i32
    %dma_wait3A_10 = arith.constant 0 : i32
    %dma_wait3A_11 = arith.constant 0 : i32
    %dma_wait3A_12 = tpu.memref_slice %arg10[%dma_wait3A_10, %dma_wait3A_11] : memref<320x128xf32, #tpu.memory_space<vmem>> -> memref<80x128xf32, #tpu.memory_space<vmem>>
    %dma_wait3A_13 = arith.constant 0 : i32
    %dma_wait3A_14 = tpu.memref_slice %arg9[%dma_wait3A, %dma_wait3A_13] : memref<4x80xi32, #tpu.memory_space<vmem>> -> memref<1x80xi32, #tpu.memory_space<vmem>>
    %dma_wait3A_15 = tpu.memref_squeeze %dma_wait3A_14 : memref<1x80xi32, #tpu.memory_space<vmem>> -> memref<80xi32, #tpu.memory_space<vmem>>
    %dma_wait3A_16 = arith.constant 0 : i32
    %dma_wait3A_17 = arith.constant 0 : i32
    %dma_wait3A_18 = tpu.memref_slice %arg3[%dma_wait3A_16, %dma_wait3A_17] : memref<6x128xf32, #tpu.memory_space<hbm>> -> memref<6x128xf32, #tpu.memory_space<hbm>>
    tpu.wait_indirect_dma semaphore(%arg17 : memref<!tpu.dma_semaphore, #tpu.memory_space<semaphore_mem>>) src(%dma_wait3A_18 : memref<6x128xf32, #tpu.memory_space<hbm>>) dst(%dma_wait3A_12 : memref<80x128xf32, #tpu.memory_space<vmem>>)
    %dma_start3A_19 = arith.constant 1 : i32
    %dma_start3A_20 = arith.constant 80 : i32
    %dma_start3A_21 = arith.constant 0 : i32
    %dma_start3A_22 = tpu.memref_slice %arg10[%dma_start3A_20, %dma_start3A_21] : memref<320x128xf32, #tpu.memory_space<vmem>> -> memref<80x128xf32, #tpu.memory_space<vmem>>
    %dma_start3A_23 = arith.constant 0 : i32
    %dma_start3A_24 = tpu.memref_slice %arg9[%dma_start3A_19, %dma_start3A_23] : memref<4x80xi32, #tpu.memory_space<vmem>> -> memref<1x80xi32, #tpu.memory_space<vmem>>
    %dma_start3A_25 = tpu.memref_squeeze %dma_start3A_24 : memref<1x80xi32, #tpu.memory_space<vmem>> -> memref<80xi32, #tpu.memory_space<vmem>>
    %dma_start3A_26 = arith.constant 0 : i32
    %dma_start3A_27 = arith.constant 0 : i32
    %dma_start3A_28 = tpu.memref_slice %arg3[%dma_start3A_26, %dma_start3A_27] : memref<6x128xf32, #tpu.memory_space<hbm>> -> memref<6x128xf32, #tpu.memory_space<hbm>>
    tpu.enqueue_indirect_dma source(%dma_start3A_28 : memref<6x128xf32, #tpu.memory_space<hbm>>) target(%dma_start3A_22 : memref<80x128xf32, #tpu.memory_space<vmem>>) offsets(%dma_start3A_25 : memref<80xi32, #tpu.memory_space<vmem>>) semaphore(%arg17 : memref<!tpu.dma_semaphore, #tpu.memory_space<semaphore_mem>>)
    %dma_wait3A_29 = arith.constant 1 : i32
    %dma_wait3A_30 = arith.constant 80 : i32
    %dma_wait3A_31 = arith.constant 0 : i32
    %dma_wait3A_32 = tpu.memref_slice %arg10[%dma_wait3A_30, %dma_wait3A_31] : memref<320x128xf32, #tpu.memory_space<vmem>> -> memref<80x128xf32, #tpu.memory_space<vmem>>
    %dma_wait3A_33 = arith.constant 0 : i32
    %dma_wait3A_34 = tpu.memref_slice %arg9[%dma_wait3A_29, %dma_wait3A_33] : memref<4x80xi32, #tpu.memory_space<vmem>> -> memref<1x80xi32, #tpu.memory_space<vmem>>
    %dma_wait3A_35 = tpu.memref_squeeze %dma_wait3A_34 : memref<1x80xi32, #tpu.memory_space<vmem>> -> memref<80xi32, #tpu.memory_space<vmem>>
    %dma_wait3A_36 = arith.constant 0 : i32
    %dma_wait3A_37 = arith.constant 0 : i32
    %dma_wait3A_38 = tpu.memref_slice %arg3[%dma_wait3A_36, %dma_wait3A_37] : memref<6x128xf32, #tpu.memory_space<hbm>> -> memref<6x128xf32, #tpu.memory_space<hbm>>
    tpu.wait_indirect_dma semaphore(%arg17 : memref<!tpu.dma_semaphore, #tpu.memory_space<semaphore_mem>>) src(%dma_wait3A_38 : memref<6x128xf32, #tpu.memory_space<hbm>>) dst(%dma_wait3A_32 : memref<80x128xf32, #tpu.memory_space<vmem>>)
    %dma_start3A_39 = arith.constant 2 : i32
    %dma_start3A_40 = arith.constant 160 : i32
    %dma_start3A_41 = arith.constant 0 : i32
    %dma_start3A_42 = tpu.memref_slice %arg10[%dma_start3A_40, %dma_start3A_41] : memref<320x128xf32, #tpu.memory_space<vmem>> -> memref<80x128xf32, #tpu.memory_space<vmem>>
    %dma_start3A_43 = arith.constant 0 : i32
    %dma_start3A_44 = tpu.memref_slice %arg9[%dma_start3A_39, %dma_start3A_43] : memref<4x80xi32, #tpu.memory_space<vmem>> -> memref<1x80xi32, #tpu.memory_space<vmem>>
    %dma_start3A_45 = tpu.memref_squeeze %dma_start3A_44 : memref<1x80xi32, #tpu.memory_space<vmem>> -> memref<80xi32, #tpu.memory_space<vmem>>
    %dma_start3A_46 = arith.constant 0 : i32
    %dma_start3A_47 = arith.constant 0 : i32
    %dma_start3A_48 = tpu.memref_slice %arg3[%dma_start3A_46, %dma_start3A_47] : memref<6x128xf32, #tpu.memory_space<hbm>> -> memref<6x128xf32, #tpu.memory_space<hbm>>
    tpu.enqueue_indirect_dma source(%dma_start3A_48 : memref<6x128xf32, #tpu.memory_space<hbm>>) target(%dma_start3A_42 : memref<80x128xf32, #tpu.memory_space<vmem>>) offsets(%dma_start3A_45 : memref<80xi32, #tpu.memory_space<vmem>>) semaphore(%arg17 : memref<!tpu.dma_semaphore, #tpu.memory_space<semaphore_mem>>)
    %dma_wait3A_49 = arith.constant 2 : i32
    %dma_wait3A_50 = arith.constant 160 : i32
    %dma_wait3A_51 = arith.constant 0 : i32
    %dma_wait3A_52 = tpu.memref_slice %arg10[%dma_wait3A_50, %dma_wait3A_51] : memref<320x128xf32, #tpu.memory_space<vmem>> -> memref<80x128xf32, #tpu.memory_space<vmem>>
    %dma_wait3A_53 = arith.constant 0 : i32
    %dma_wait3A_54 = tpu.memref_slice %arg9[%dma_wait3A_49, %dma_wait3A_53] : memref<4x80xi32, #tpu.memory_space<vmem>> -> memref<1x80xi32, #tpu.memory_space<vmem>>
    %dma_wait3A_55 = tpu.memref_squeeze %dma_wait3A_54 : memref<1x80xi32, #tpu.memory_space<vmem>> -> memref<80xi32, #tpu.memory_space<vmem>>
    %dma_wait3A_56 = arith.constant 0 : i32
    %dma_wait3A_57 = arith.constant 0 : i32
    %dma_wait3A_58 = tpu.memref_slice %arg3[%dma_wait3A_56, %dma_wait3A_57] : memref<6x128xf32, #tpu.memory_space<hbm>> -> memref<6x128xf32, #tpu.memory_space<hbm>>
    tpu.wait_indirect_dma semaphore(%arg17 : memref<!tpu.dma_semaphore, #tpu.memory_space<semaphore_mem>>) src(%dma_wait3A_58 : memref<6x128xf32, #tpu.memory_space<hbm>>) dst(%dma_wait3A_52 : memref<80x128xf32, #tpu.memory_space<vmem>>)
    %dma_start3A_59 = arith.constant 3 : i32
    %dma_start3A_60 = arith.constant 240 : i32
    %dma_start3A_61 = arith.constant 0 : i32
    %dma_start3A_62 = tpu.memref_slice %arg10[%dma_start3A_60, %dma_start3A_61] : memref<320x128xf32, #tpu.memory_space<vmem>> -> memref<80x128xf32, #tpu.memory_space<vmem>>
    %dma_start3A_63 = arith.constant 0 : i32
    %dma_start3A_64 = tpu.memref_slice %arg9[%dma_start3A_59, %dma_start3A_63] : memref<4x80xi32, #tpu.memory_space<vmem>> -> memref<1x80xi32, #tpu.memory_space<vmem>>
    %dma_start3A_65 = tpu.memref_squeeze %dma_start3A_64 : memref<1x80xi32, #tpu.memory_space<vmem>> -> memref<80xi32, #tpu.memory_space<vmem>>
    %dma_start3A_66 = arith.constant 0 : i32
    %dma_start3A_67 = arith.constant 0 : i32
    %dma_start3A_68 = tpu.memref_slice %arg3[%dma_start3A_66, %dma_start3A_67] : memref<6x128xf32, #tpu.memory_space<hbm>> -> memref<6x128xf32, #tpu.memory_space<hbm>>
    tpu.enqueue_indirect_dma source(%dma_start3A_68 : memref<6x128xf32, #tpu.memory_space<hbm>>) target(%dma_start3A_62 : memref<80x128xf32, #tpu.memory_space<vmem>>) offsets(%dma_start3A_65 : memref<80xi32, #tpu.memory_space<vmem>>) semaphore(%arg17 : memref<!tpu.dma_semaphore, #tpu.memory_space<semaphore_mem>>)
    %dma_wait3A_69 = arith.constant 3 : i32
    %dma_wait3A_70 = arith.constant 240 : i32
    %dma_wait3A_71 = arith.constant 0 : i32
    %dma_wait3A_72 = tpu.memref_slice %arg10[%dma_wait3A_70, %dma_wait3A_71] : memref<320x128xf32, #tpu.memory_space<vmem>> -> memref<80x128xf32, #tpu.memory_space<vmem>>
    %dma_wait3A_73 = arith.constant 0 : i32
    %dma_wait3A_74 = tpu.memref_slice %arg9[%dma_wait3A_69, %dma_wait3A_73] : memref<4x80xi32, #tpu.memory_space<vmem>> -> memref<1x80xi32, #tpu.memory_space<vmem>>
    %dma_wait3A_75 = tpu.memref_squeeze %dma_wait3A_74 : memref<1x80xi32, #tpu.memory_space<vmem>> -> memref<80xi32, #tpu.memory_space<vmem>>
    %dma_wait3A_76 = arith.constant 0 : i32
    %dma_wait3A_77 = arith.constant 0 : i32
    %dma_wait3A_78 = tpu.memref_slice %arg3[%dma_wait3A_76, %dma_wait3A_77] : memref<6x128xf32, #tpu.memory_space<hbm>> -> memref<6x128xf32, #tpu.memory_space<hbm>>
    tpu.wait_indirect_dma semaphore(%arg17 : memref<!tpu.dma_semaphore, #tpu.memory_space<semaphore_mem>>) src(%dma_wait3A_78 : memref<6x128xf32, #tpu.memory_space<hbm>>) dst(%dma_wait3A_72 : memref<80x128xf32, #tpu.memory_space<vmem>>)
    %mul3A_79 = arith.constant 320 : i32
    %mul3A_80 = arith.muli %add3A, %mul3A_79 : i32
    "tpu.region"() ({
      %run_scoped3A = tpu.sem_alloc : memref<!tpu.dma_semaphore, #tpu.memory_space<semaphore_mem>>
      %dma_start3A_115 = arith.constant 0 : i32
      %dma_start3A_116 = tpu.memref_slice %arg6[%mul3A_80, %dma_start3A_115] : memref<10240x128xf32, #tpu.memory_space<hbm>> -> memref<320x128xf32, #tpu.memory_space<hbm>>
      %dma_start3A_117 = arith.constant 0 : i32
      %dma_start3A_118 = tpu.memref_slice %arg6[%mul3A_80, %dma_start3A_117] : memref<10240x128xf32, #tpu.memory_space<hbm>> -> memref<320x128xf32, #tpu.memory_space<hbm>>
      tpu.enqueue_dma source(%arg10 : memref<320x128xf32, #tpu.memory_space<vmem>>) target(%dma_start3A_118 : memref<320x128xf32, #tpu.memory_space<hbm>>) target_semaphore(%run_scoped3A : memref<!tpu.dma_semaphore, #tpu.memory_space<semaphore_mem>>)
      %dma_wait3A_119 = arith.constant 0 : i32
      %dma_wait3A_120 = tpu.memref_slice %arg6[%mul3A_80, %dma_wait3A_119] : memref<10240x128xf32, #tpu.memory_space<hbm>> -> memref<320x128xf32, #tpu.memory_space<hbm>>
      %dma_wait3A_121 = arith.constant 0 : i32
      %dma_wait3A_122 = tpu.memref_slice %arg6[%mul3A_80, %dma_wait3A_121] : memref<10240x128xf32, #tpu.memory_space<hbm>> -> memref<320x128xf32, #tpu.memory_space<hbm>>
      tpu.wait_dma2 semaphore(%run_scoped3A : memref<!tpu.dma_semaphore, #tpu.memory_space<semaphore_mem>>) src(%arg10 : memref<320x128xf32, #tpu.memory_space<vmem>>) dst(%dma_wait3A_122 : memref<320x128xf32, #tpu.memory_space<hbm>>)
      tpu.yield
    }) : () -> ()
    "tpu.region"() ({
      %run_scoped3A = tpu.sem_alloc : memref<!tpu.dma_semaphore, #tpu.memory_space<semaphore_mem>>
      %dma_start3A_115 = arith.constant 0 : i32
      %dma_start3A_116 = arith.constant 0 : i32
      %dma_start3A_117 = tpu.memref_slice %arg4[%add3A, %dma_start3A_115, %dma_start3A_116] : memref<32x79x128xi32, #tpu.memory_space<hbm>> -> memref<1x79x128xi32, #tpu.memory_space<hbm>>
      %dma_start3A_118 = tpu.memref_squeeze %dma_start3A_117 : memref<1x79x128xi32, #tpu.memory_space<hbm>> -> memref<79x128xi32, #tpu.memory_space<hbm>>
      %dma_start3A_119 = arith.constant 0 : i32
      %dma_start3A_120 = arith.constant 0 : i32
      %dma_start3A_121 = tpu.memref_slice %arg4[%add3A, %dma_start3A_119, %dma_start3A_120] : memref<32x79x128xi32, #tpu.memory_space<hbm>> -> memref<1x79x128xi32, #tpu.memory_space<hbm>>
      %dma_start3A_122 = tpu.memref_squeeze %dma_start3A_121 : memref<1x79x128xi32, #tpu.memory_space<hbm>> -> memref<79x128xi32, #tpu.memory_space<hbm>>
      tpu.enqueue_dma source(%dma_start3A_122 : memref<79x128xi32, #tpu.memory_space<hbm>>) target(%arg11 : memref<79x128xi32, #tpu.memory_space<vmem>>) target_semaphore(%run_scoped3A : memref<!tpu.dma_semaphore, #tpu.memory_space<semaphore_mem>>)
      %dma_wait3A_123 = arith.constant 0 : i32
      %dma_wait3A_124 = arith.constant 0 : i32
      %dma_wait3A_125 = tpu.memref_slice %arg4[%add3A, %dma_wait3A_123, %dma_wait3A_124] : memref<32x79x128xi32, #tpu.memory_space<hbm>> -> memref<1x79x128xi32, #tpu.memory_space<hbm>>
      %dma_wait3A_126 = tpu.memref_squeeze %dma_wait3A_125 : memref<1x79x128xi32, #tpu.memory_space<hbm>> -> memref<79x128xi32, #tpu.memory_space<hbm>>
      %dma_wait3A_127 = arith.constant 0 : i32
      %dma_wait3A_128 = arith.constant 0 : i32
      %dma_wait3A_129 = tpu.memref_slice %arg4[%add3A, %dma_wait3A_127, %dma_wait3A_128] : memref<32x79x128xi32, #tpu.memory_space<hbm>> -> memref<1x79x128xi32, #tpu.memory_space<hbm>>
      %dma_wait3A_130 = tpu.memref_squeeze %dma_wait3A_129 : memref<1x79x128xi32, #tpu.memory_space<hbm>> -> memref<79x128xi32, #tpu.memory_space<hbm>>
      tpu.wait_dma2 semaphore(%run_scoped3A : memref<!tpu.dma_semaphore, #tpu.memory_space<semaphore_mem>>) src(%dma_wait3A_130 : memref<79x128xi32, #tpu.memory_space<hbm>>) dst(%arg11 : memref<79x128xi32, #tpu.memory_space<vmem>>)
      tpu.yield
    }) : () -> ()
    "tpu.region"() ({
      %run_scoped3A = tpu.sem_alloc : memref<!tpu.dma_semaphore, #tpu.memory_space<semaphore_mem>>
      %dma_start3A_115 = arith.constant 0 : i32
      %dma_start3A_116 = arith.constant 0 : i32
      %dma_start3A_117 = tpu.memref_slice %arg5[%add3A, %dma_start3A_115, %dma_start3A_116] : memref<32x79x128xi32, #tpu.memory_space<hbm>> -> memref<1x79x128xi32, #tpu.memory_space<hbm>>
      %dma_start3A_118 = tpu.memref_squeeze %dma_start3A_117 : memref<1x79x128xi32, #tpu.memory_space<hbm>> -> memref<79x128xi32, #tpu.memory_space<hbm>>
      %dma_start3A_119 = arith.constant 0 : i32
      %dma_start3A_120 = arith.constant 0 : i32
      %dma_start3A_121 = tpu.memref_slice %arg5[%add3A, %dma_start3A_119, %dma_start3A_120] : memref<32x79x128xi32, #tpu.memory_space<hbm>> -> memref<1x79x128xi32, #tpu.memory_space<hbm>>
      %dma_start3A_122 = tpu.memref_squeeze %dma_start3A_121 : memref<1x79x128xi32, #tpu.memory_space<hbm>> -> memref<79x128xi32, #tpu.memory_space<hbm>>
      tpu.enqueue_dma source(%dma_start3A_122 : memref<79x128xi32, #tpu.memory_space<hbm>>) target(%arg12 : memref<79x128xi32, #tpu.memory_space<vmem>>) target_semaphore(%run_scoped3A : memref<!tpu.dma_semaphore, #tpu.memory_space<semaphore_mem>>)
      %dma_wait3A_123 = arith.constant 0 : i32
      %dma_wait3A_124 = arith.constant 0 : i32
      %dma_wait3A_125 = tpu.memref_slice %arg5[%add3A, %dma_wait3A_123, %dma_wait3A_124] : memref<32x79x128xi32, #tpu.memory_space<hbm>> -> memref<1x79x128xi32, #tpu.memory_space<hbm>>
      %dma_wait3A_126 = tpu.memref_squeeze %dma_wait3A_125 : memref<1x79x128xi32, #tpu.memory_space<hbm>> -> memref<79x128xi32, #tpu.memory_space<hbm>>
      %dma_wait3A_127 = arith.constant 0 : i32
      %dma_wait3A_128 = arith.constant 0 : i32
      %dma_wait3A_129 = tpu.memref_slice %arg5[%add3A, %dma_wait3A_127, %dma_wait3A_128] : memref<32x79x128xi32, #tpu.memory_space<hbm>> -> memref<1x79x128xi32, #tpu.memory_space<hbm>>
      %dma_wait3A_130 = tpu.memref_squeeze %dma_wait3A_129 : memref<1x79x128xi32, #tpu.memory_space<hbm>> -> memref<79x128xi32, #tpu.memory_space<hbm>>
      tpu.wait_dma2 semaphore(%run_scoped3A : memref<!tpu.dma_semaphore, #tpu.memory_space<semaphore_mem>>) src(%dma_wait3A_130 : memref<79x128xi32, #tpu.memory_space<hbm>>) dst(%arg12 : memref<79x128xi32, #tpu.memory_space<vmem>>)
      tpu.yield
    }) : () -> ()
    %scan3A = arith.constant 0 : i32
    %scan3A_81 = arith.constant 0 : i32
    %scan3A_82 = arith.constant 79 : i32
    %scan3A_83 = arith.addi %scan3A_81, %scan3A_82 : i32
    %scan3A_84 = arith.constant 1 : i32
    %scan3A_85 = scf.for %scan3A_115 = %scan3A_81 to %scan3A_83 step %scan3A_84 iter_args(%scan3A_116 = %scan3A) -> (i32)  : i32 {
      %get3A = arith.index_cast %scan3A_115 : i32 to index
      %get3A_117 = arith.constant 0 : index
      %get3A_118 = tpu.vector_load %arg11[%get3A, %get3A_117] {strides = array<i32>} : memref<79x128xi32, #tpu.memory_space<vmem>>, vector<1x16xi32>,
      %get3A_119 = vector.shape_cast %get3A_118 : vector<1x16xi32> to vector<16xi32>
      %get3A_120 = arith.index_cast %scan3A_115 : i32 to index
      %get3A_121 = arith.constant 0 : index
      %get3A_122 = tpu.vector_load %arg12[%get3A_120, %get3A_121] {strides = array<i32>} : memref<79x128xi32, #tpu.memory_space<vmem>>, vector<1x16xi32>,
      %get3A_123 = vector.shape_cast %get3A_122 : vector<1x16xi32> to vector<16xi32>
      %eq3A = arith.cmpi eq, %get3A_119, %get3A_123 : vector<16xi32>
      %broadcast_in_dim3A = arith.constant 10000 : i32
      %broadcast_in_dim3A_124 = vector.broadcast %broadcast_in_dim3A : i32 to vector<16xi32>
      %select_n3A = arith.select %eq3A, %broadcast_in_dim3A_124, %get3A_123 : vector<16xi1>, vector<16xi32>
      %swap3A = arith.index_cast %scan3A_115 : i32 to index
      %swap3A_125 = arith.constant 0 : index
      %swap3A_126 = tpu.vector_load %arg13[%swap3A, %swap3A_125] {strides = array<i32>} : memref<79x128xi32, #tpu.memory_space<vmem>>, vector<1x16xi32>,
      %swap3A_127 = vector.shape_cast %swap3A_126 : vector<1x16xi32> to vector<16xi32>
      %swap3A_128 = vector.shape_cast %select_n3A : vector<16xi32> to vector<1x16xi32>
      tpu.vector_store %arg13[%swap3A, %swap3A_125], %swap3A_128 {strides = array<i32>} : memref<79x128xi32, #tpu.memory_space<vmem>>, vector<1x16xi32>,
      %get3A_129 = arith.index_cast %scan3A_115 : i32 to index
      %get3A_130 = arith.constant 16 : index
      %get3A_131 = tpu.vector_load %arg11[%get3A_129, %get3A_130] {strides = array<i32>} : memref<79x128xi32, #tpu.memory_space<vmem>>, vector<1x16xi32>,
      %get3A_132 = vector.shape_cast %get3A_131 : vector<1x16xi32> to vector<16xi32>
      %get3A_133 = arith.index_cast %scan3A_115 : i32 to index
      %get3A_134 = arith.constant 16 : index
      %get3A_135 = tpu.vector_load %arg12[%get3A_133, %get3A_134] {strides = array<i32>} : memref<79x128xi32, #tpu.memory_space<vmem>>, vector<1x16xi32>,
      %get3A_136 = vector.shape_cast %get3A_135 : vector<1x16xi32> to vector<16xi32>
      %eq3A_137 = arith.cmpi eq, %get3A_132, %get3A_136 : vector<16xi32>
      %broadcast_in_dim3A_138 = arith.constant 10000 : i32
      %broadcast_in_dim3A_139 = vector.broadcast %broadcast_in_dim3A_138 : i32 to vector<16xi32>
      %select_n3A_140 = arith.select %eq3A_137, %broadcast_in_dim3A_139, %get3A_136 : vector<16xi1>, vector<16xi32>
      %swap3A_141 = arith.index_cast %scan3A_115 : i32 to index
      %swap3A_142 = arith.constant 16 : index
      %swap3A_143 = tpu.vector_load %arg13[%swap3A_141, %swap3A_142] {strides = array<i32>} : memref<79x128xi32, #tpu.memory_space<vmem>>, vector<1x16xi32>,
      %swap3A_144 = vector.shape_cast %swap3A_143 : vector<1x16xi32> to vector<16xi32>
      %swap3A_145 = vector.shape_cast %select_n3A_140 : vector<16xi32> to vector<1x16xi32>
      tpu.vector_store %arg13[%swap3A_141, %swap3A_142], %swap3A_145 {strides = array<i32>} : memref<79x128xi32, #tpu.memory_space<vmem>>, vector<1x16xi32>,
      %get3A_146 = arith.index_cast %scan3A_115 : i32 to index
      %get3A_147 = arith.constant 32 : index
      %get3A_148 = tpu.vector_load %arg11[%get3A_146, %get3A_147] {strides = array<i32>} : memref<79x128xi32, #tpu.memory_space<vmem>>, vector<1x16xi32>,
      %get3A_149 = vector.shape_cast %get3A_148 : vector<1x16xi32> to vector<16xi32>
      %get3A_150 = arith.index_cast %scan3A_115 : i32 to index
      %get3A_151 = arith.constant 32 : index
      %get3A_152 = tpu.vector_load %arg12[%get3A_150, %get3A_151] {strides = array<i32>} : memref<79x128xi32, #tpu.memory_space<vmem>>, vector<1x16xi32>,
      %get3A_153 = vector.shape_cast %get3A_152 : vector<1x16xi32> to vector<16xi32>
      %eq3A_154 = arith.cmpi eq, %get3A_149, %get3A_153 : vector<16xi32>
      %broadcast_in_dim3A_155 = arith.constant 10000 : i32
      %broadcast_in_dim3A_156 = vector.broadcast %broadcast_in_dim3A_155 : i32 to vector<16xi32>
      %select_n3A_157 = arith.select %eq3A_154, %broadcast_in_dim3A_156, %get3A_153 : vector<16xi1>, vector<16xi32>
      %swap3A_158 = arith.index_cast %scan3A_115 : i32 to index
      %swap3A_159 = arith.constant 32 : index
      %swap3A_160 = tpu.vector_load %arg13[%swap3A_158, %swap3A_159] {strides = array<i32>} : memref<79x128xi32, #tpu.memory_space<vmem>>, vector<1x16xi32>,
      %swap3A_161 = vector.shape_cast %swap3A_160 : vector<1x16xi32> to vector<16xi32>
      %swap3A_162 = vector.shape_cast %select_n3A_157 : vector<16xi32> to vector<1x16xi32>
      tpu.vector_store %arg13[%swap3A_158, %swap3A_159], %swap3A_162 {strides = array<i32>} : memref<79x128xi32, #tpu.memory_space<vmem>>, vector<1x16xi32>,
      %get3A_163 = arith.index_cast %scan3A_115 : i32 to index
      %get3A_164 = arith.constant 48 : index
      %get3A_165 = tpu.vector_load %arg11[%get3A_163, %get3A_164] {strides = array<i32>} : memref<79x128xi32, #tpu.memory_space<vmem>>, vector<1x16xi32>,
      %get3A_166 = vector.shape_cast %get3A_165 : vector<1x16xi32> to vector<16xi32>
      %get3A_167 = arith.index_cast %scan3A_115 : i32 to index
      %get3A_168 = arith.constant 48 : index
      %get3A_169 = tpu.vector_load %arg12[%get3A_167, %get3A_168] {strides = array<i32>} : memref<79x128xi32, #tpu.memory_space<vmem>>, vector<1x16xi32>,
      %get3A_170 = vector.shape_cast %get3A_169 : vector<1x16xi32> to vector<16xi32>
      %eq3A_171 = arith.cmpi eq, %get3A_166, %get3A_170 : vector<16xi32>
      %broadcast_in_dim3A_172 = arith.constant 10000 : i32
      %broadcast_in_dim3A_173 = vector.broadcast %broadcast_in_dim3A_172 : i32 to vector<16xi32>
      %select_n3A_174 = arith.select %eq3A_171, %broadcast_in_dim3A_173, %get3A_170 : vector<16xi1>, vector<16xi32>
      %swap3A_175 = arith.index_cast %scan3A_115 : i32 to index
      %swap3A_176 = arith.constant 48 : index
      %swap3A_177 = tpu.vector_load %arg13[%swap3A_175, %swap3A_176] {strides = array<i32>} : memref<79x128xi32, #tpu.memory_space<vmem>>, vector<1x16xi32>,
      %swap3A_178 = vector.shape_cast %swap3A_177 : vector<1x16xi32> to vector<16xi32>
      %swap3A_179 = vector.shape_cast %select_n3A_174 : vector<16xi32> to vector<1x16xi32>
      tpu.vector_store %arg13[%swap3A_175, %swap3A_176], %swap3A_179 {strides = array<i32>} : memref<79x128xi32, #tpu.memory_space<vmem>>, vector<1x16xi32>,
      %get3A_180 = arith.index_cast %scan3A_115 : i32 to index
      %get3A_181 = arith.constant 64 : index
      %get3A_182 = tpu.vector_load %arg11[%get3A_180, %get3A_181] {strides = array<i32>} : memref<79x128xi32, #tpu.memory_space<vmem>>, vector<1x16xi32>,
      %get3A_183 = vector.shape_cast %get3A_182 : vector<1x16xi32> to vector<16xi32>
      %get3A_184 = arith.index_cast %scan3A_115 : i32 to index
      %get3A_185 = arith.constant 64 : index
      %get3A_186 = tpu.vector_load %arg12[%get3A_184, %get3A_185] {strides = array<i32>} : memref<79x128xi32, #tpu.memory_space<vmem>>, vector<1x16xi32>,
      %get3A_187 = vector.shape_cast %get3A_186 : vector<1x16xi32> to vector<16xi32>
      %eq3A_188 = arith.cmpi eq, %get3A_183, %get3A_187 : vector<16xi32>
      %broadcast_in_dim3A_189 = arith.constant 10000 : i32
      %broadcast_in_dim3A_190 = vector.broadcast %broadcast_in_dim3A_189 : i32 to vector<16xi32>
      %select_n3A_191 = arith.select %eq3A_188, %broadcast_in_dim3A_190, %get3A_187 : vector<16xi1>, vector<16xi32>
      %swap3A_192 = arith.index_cast %scan3A_115 : i32 to index
      %swap3A_193 = arith.constant 64 : index
      %swap3A_194 = tpu.vector_load %arg13[%swap3A_192, %swap3A_193] {strides = array<i32>} : memref<79x128xi32, #tpu.memory_space<vmem>>, vector<1x16xi32>,
      %swap3A_195 = vector.shape_cast %swap3A_194 : vector<1x16xi32> to vector<16xi32>
      %swap3A_196 = vector.shape_cast %select_n3A_191 : vector<16xi32> to vector<1x16xi32>
      tpu.vector_store %arg13[%swap3A_192, %swap3A_193], %swap3A_196 {strides = array<i32>} : memref<79x128xi32, #tpu.memory_space<vmem>>, vector<1x16xi32>,
      %get3A_197 = arith.index_cast %scan3A_115 : i32 to index
      %get3A_198 = arith.constant 80 : index
      %get3A_199 = tpu.vector_load %arg11[%get3A_197, %get3A_198] {strides = array<i32>} : memref<79x128xi32, #tpu.memory_space<vmem>>, vector<1x16xi32>,
      %get3A_200 = vector.shape_cast %get3A_199 : vector<1x16xi32> to vector<16xi32>
      %get3A_201 = arith.index_cast %scan3A_115 : i32 to index
      %get3A_202 = arith.constant 80 : index
      %get3A_203 = tpu.vector_load %arg12[%get3A_201, %get3A_202] {strides = array<i32>} : memref<79x128xi32, #tpu.memory_space<vmem>>, vector<1x16xi32>,
      %get3A_204 = vector.shape_cast %get3A_203 : vector<1x16xi32> to vector<16xi32>
      %eq3A_205 = arith.cmpi eq, %get3A_200, %get3A_204 : vector<16xi32>
      %broadcast_in_dim3A_206 = arith.constant 10000 : i32
      %broadcast_in_dim3A_207 = vector.broadcast %broadcast_in_dim3A_206 : i32 to vector<16xi32>
      %select_n3A_208 = arith.select %eq3A_205, %broadcast_in_dim3A_207, %get3A_204 : vector<16xi1>, vector<16xi32>
      %swap3A_209 = arith.index_cast %scan3A_115 : i32 to index
      %swap3A_210 = arith.constant 80 : index
      %swap3A_211 = tpu.vector_load %arg13[%swap3A_209, %swap3A_210] {strides = array<i32>} : memref<79x128xi32, #tpu.memory_space<vmem>>, vector<1x16xi32>,
      %swap3A_212 = vector.shape_cast %swap3A_211 : vector<1x16xi32> to vector<16xi32>
      %swap3A_213 = vector.shape_cast %select_n3A_208 : vector<16xi32> to vector<1x16xi32>
      tpu.vector_store %arg13[%swap3A_209, %swap3A_210], %swap3A_213 {strides = array<i32>} : memref<79x128xi32, #tpu.memory_space<vmem>>, vector<1x16xi32>,
      %get3A_214 = arith.index_cast %scan3A_115 : i32 to index
      %get3A_215 = arith.constant 96 : index
      %get3A_216 = tpu.vector_load %arg11[%get3A_214, %get3A_215] {strides = array<i32>} : memref<79x128xi32, #tpu.memory_space<vmem>>, vector<1x16xi32>,
      %get3A_217 = vector.shape_cast %get3A_216 : vector<1x16xi32> to vector<16xi32>
      %get3A_218 = arith.index_cast %scan3A_115 : i32 to index
      %get3A_219 = arith.constant 96 : index
      %get3A_220 = tpu.vector_load %arg12[%get3A_218, %get3A_219] {strides = array<i32>} : memref<79x128xi32, #tpu.memory_space<vmem>>, vector<1x16xi32>,
      %get3A_221 = vector.shape_cast %get3A_220 : vector<1x16xi32> to vector<16xi32>
      %eq3A_222 = arith.cmpi eq, %get3A_217, %get3A_221 : vector<16xi32>
      %broadcast_in_dim3A_223 = arith.constant 10000 : i32
      %broadcast_in_dim3A_224 = vector.broadcast %broadcast_in_dim3A_223 : i32 to vector<16xi32>
      %select_n3A_225 = arith.select %eq3A_222, %broadcast_in_dim3A_224, %get3A_221 : vector<16xi1>, vector<16xi32>
      %swap3A_226 = arith.index_cast %scan3A_115 : i32 to index
      %swap3A_227 = arith.constant 96 : index
      %swap3A_228 = tpu.vector_load %arg13[%swap3A_226, %swap3A_227] {strides = array<i32>} : memref<79x128xi32, #tpu.memory_space<vmem>>, vector<1x16xi32>,
      %swap3A_229 = vector.shape_cast %swap3A_228 : vector<1x16xi32> to vector<16xi32>
      %swap3A_230 = vector.shape_cast %select_n3A_225 : vector<16xi32> to vector<1x16xi32>
      tpu.vector_store %arg13[%swap3A_226, %swap3A_227], %swap3A_230 {strides = array<i32>} : memref<79x128xi32, #tpu.memory_space<vmem>>, vector<1x16xi32>,
      %get3A_231 = arith.index_cast %scan3A_115 : i32 to index
      %get3A_232 = arith.constant 112 : index
      %get3A_233 = tpu.vector_load %arg11[%get3A_231, %get3A_232] {strides = array<i32>} : memref<79x128xi32, #tpu.memory_space<vmem>>, vector<1x16xi32>,
      %get3A_234 = vector.shape_cast %get3A_233 : vector<1x16xi32> to vector<16xi32>
      %get3A_235 = arith.index_cast %scan3A_115 : i32 to index
      %get3A_236 = arith.constant 112 : index
      %get3A_237 = tpu.vector_load %arg12[%get3A_235, %get3A_236] {strides = array<i32>} : memref<79x128xi32, #tpu.memory_space<vmem>>, vector<1x16xi32>,
      %get3A_238 = vector.shape_cast %get3A_237 : vector<1x16xi32> to vector<16xi32>
      %eq3A_239 = arith.cmpi eq, %get3A_234, %get3A_238 : vector<16xi32>
      %broadcast_in_dim3A_240 = arith.constant 10000 : i32
      %broadcast_in_dim3A_241 = vector.broadcast %broadcast_in_dim3A_240 : i32 to vector<16xi32>
      %select_n3A_242 = arith.select %eq3A_239, %broadcast_in_dim3A_241, %get3A_238 : vector<16xi1>, vector<16xi32>
      %swap3A_243 = arith.index_cast %scan3A_115 : i32 to index
      %swap3A_244 = arith.constant 112 : index
      %swap3A_245 = tpu.vector_load %arg13[%swap3A_243, %swap3A_244] {strides = array<i32>} : memref<79x128xi32, #tpu.memory_space<vmem>>, vector<1x16xi32>,
      %swap3A_246 = vector.shape_cast %swap3A_245 : vector<1x16xi32> to vector<16xi32>
      %swap3A_247 = vector.shape_cast %select_n3A_242 : vector<16xi32> to vector<1x16xi32>
      tpu.vector_store %arg13[%swap3A_243, %swap3A_244], %swap3A_247 {strides = array<i32>} : memref<79x128xi32, #tpu.memory_space<vmem>>, vector<1x16xi32>,
      %scan3A_248 = arith.constant 0 : i32
      scf.yield %scan3A_248 : i32
    }
    %scan3A_86 = arith.constant 79 : i32
    "tpu.region"() ({
      %run_scoped3A = tpu.sem_alloc : memref<!tpu.dma_semaphore, #tpu.memory_space<semaphore_mem>>
      %dma_start3A_115 = arith.constant 0 : i32
      %dma_start3A_116 = arith.constant 0 : i32
      %dma_start3A_117 = tpu.memref_slice %arg7[%add3A, %dma_start3A_115, %dma_start3A_116] : memref<32x79x128xi32, #tpu.memory_space<hbm>> -> memref<1x79x128xi32, #tpu.memory_space<hbm>>
      %dma_start3A_118 = tpu.memref_squeeze %dma_start3A_117 : memref<1x79x128xi32, #tpu.memory_space<hbm>> -> memref<79x128xi32, #tpu.memory_space<hbm>>
      %dma_start3A_119 = arith.constant 0 : i32
      %dma_start3A_120 = arith.constant 0 : i32
      %dma_start3A_121 = tpu.memref_slice %arg7[%add3A, %dma_start3A_119, %dma_start3A_120] : memref<32x79x128xi32, #tpu.memory_space<hbm>> -> memref<1x79x128xi32, #tpu.memory_space<hbm>>
      %dma_start3A_122 = tpu.memref_squeeze %dma_start3A_121 : memref<1x79x128xi32, #tpu.memory_space<hbm>> -> memref<79x128xi32, #tpu.memory_space<hbm>>
      tpu.enqueue_dma source(%arg13 : memref<79x128xi32, #tpu.memory_space<vmem>>) target(%dma_start3A_122 : memref<79x128xi32, #tpu.memory_space<hbm>>) target_semaphore(%run_scoped3A : memref<!tpu.dma_semaphore, #tpu.memory_space<semaphore_mem>>)
      %dma_wait3A_123 = arith.constant 0 : i32
      %dma_wait3A_124 = arith.constant 0 : i32
      %dma_wait3A_125 = tpu.memref_slice %arg7[%add3A, %dma_wait3A_123, %dma_wait3A_124] : memref<32x79x128xi32, #tpu.memory_space<hbm>> -> memref<1x79x128xi32, #tpu.memory_space<hbm>>
      %dma_wait3A_126 = tpu.memref_squeeze %dma_wait3A_125 : memref<1x79x128xi32, #tpu.memory_space<hbm>> -> memref<79x128xi32, #tpu.memory_space<hbm>>
      %dma_wait3A_127 = arith.constant 0 : i32
      %dma_wait3A_128 = arith.constant 0 : i32
      %dma_wait3A_129 = tpu.memref_slice %arg7[%add3A, %dma_wait3A_127, %dma_wait3A_128] : memref<32x79x128xi32, #tpu.memory_space<hbm>> -> memref<1x79x128xi32, #tpu.memory_space<hbm>>
      %dma_wait3A_130 = tpu.memref_squeeze %dma_wait3A_129 : memref<1x79x128xi32, #tpu.memory_space<hbm>> -> memref<79x128xi32, #tpu.memory_space<hbm>>
      tpu.wait_dma2 semaphore(%run_scoped3A : memref<!tpu.dma_semaphore, #tpu.memory_space<semaphore_mem>>) src(%arg13 : memref<79x128xi32, #tpu.memory_space<vmem>>) dst(%dma_wait3A_130 : memref<79x128xi32, #tpu.memory_space<hbm>>)
      tpu.yield
    }) : () -> ()
    %scan3A_87 = arith.constant 0 : i32
    %scan3A_88 = arith.constant 0 : i32
    %scan3A_89 = arith.constant 40 : i32
    %scan3A_90 = arith.addi %scan3A_88, %scan3A_89 : i32
    %scan3A_91 = arith.constant 1 : i32
    %scan3A_92 = scf.for %scan3A_115 = %scan3A_88 to %scan3A_90 step %scan3A_91 iter_args(%scan3A_116 = %scan3A_87) -> (i32)  : i32 {
      %broadcast_in_dim3A = arith.constant 0.000000e+00 : f32
      %broadcast_in_dim3A_117 = vector.broadcast %broadcast_in_dim3A : f32 to vector<16xf32>
      %mul3A_118 = arith.constant 16 : i32
      %mul3A_119 = arith.muli %scan3A_115, %mul3A_118 : i32
      %swap3A = arith.index_cast %mul3A_119 : i32 to index
      %swap3A_120 = tpu.vector_load %arg15[%swap3A] {strides = array<i32>} : memref<640xf32, #tpu.memory_space<vmem>>, vector<16xf32>,
      %swap3A_121 = vector.shape_cast %swap3A_120 : vector<16xf32> to vector<16xf32>
      %swap3A_122 = vector.shape_cast %broadcast_in_dim3A_117 : vector<16xf32> to vector<16xf32>
      tpu.vector_store %arg15[%swap3A], %swap3A_122 {strides = array<i32>} : memref<640xf32, #tpu.memory_space<vmem>>, vector<16xf32>,
      %scan3A_123 = arith.constant 0 : i32
      scf.yield %scan3A_123 : i32
    }
    %scan3A_93 = arith.constant 40 : i32
    %scan3A_94 = arith.constant 0 : i32
    %scan3A_95 = arith.constant 0 : i32
    %scan3A_96 = arith.constant 8 : i32
    %scan3A_97 = arith.addi %scan3A_95, %scan3A_96 : i32
    %scan3A_98 = arith.constant 1 : i32
    %scan3A_99 = scf.for %scan3A_115 = %scan3A_95 to %scan3A_97 step %scan3A_98 iter_args(%scan3A_116 = %scan3A_94) -> (i32)  : i32 {
      %broadcast_in_dim3A = arith.constant 1.000000e+00 : f32
      %broadcast_in_dim3A_117 = vector.broadcast %broadcast_in_dim3A : f32 to vector<16xf32>
      %mul3A_118 = arith.constant 16 : i32
      %mul3A_119 = arith.muli %scan3A_115, %mul3A_118 : i32
      %swap3A = arith.index_cast %mul3A_119 : i32 to index
      %swap3A_120 = tpu.vector_load %arg14[%swap3A] {strides = array<i32>} : memref<128xf32, #tpu.memory_space<vmem>>, vector<16xf32>,
      %swap3A_121 = vector.shape_cast %swap3A_120 : vector<16xf32> to vector<16xf32>
      %swap3A_122 = vector.shape_cast %broadcast_in_dim3A_117 : vector<16xf32> to vector<16xf32>
      tpu.vector_store %arg14[%swap3A], %swap3A_122 {strides = array<i32>} : memref<128xf32, #tpu.memory_space<vmem>>, vector<16xf32>,
      %scan3A_123 = arith.constant 0 : i32
      scf.yield %scan3A_123 : i32
    }
    %scan3A_100 = arith.constant 8 : i32
    %mul3A_101 = arith.constant 640 : i32
    %mul3A_102 = arith.muli %arg1, %mul3A_101 : i32
    "tpu.region"() ({
      %run_scoped3A = tpu.sem_alloc : memref<!tpu.dma_semaphore, #tpu.memory_space<semaphore_mem>>
      %dma_start3A_115 = tpu.memref_slice %arg16[%mul3A_102] : memref<10240xf32, #tpu.memory_space<vmem_shared>> -> memref<640xf32, #tpu.memory_space<vmem_shared>>
      %dma_start3A_116 = tpu.memref_slice %arg16[%mul3A_102] : memref<10240xf32, #tpu.memory_space<vmem_shared>> -> memref<640xf32, #tpu.memory_space<vmem_shared>>
      tpu.enqueue_dma source(%arg15 : memref<640xf32, #tpu.memory_space<vmem>>) target(%dma_start3A_116 : memref<640xf32, #tpu.memory_space<vmem_shared>>) target_semaphore(%run_scoped3A : memref<!tpu.dma_semaphore, #tpu.memory_space<semaphore_mem>>)
      %dma_wait3A_117 = tpu.memref_slice %arg16[%mul3A_102] : memref<10240xf32, #tpu.memory_space<vmem_shared>> -> memref<640xf32, #tpu.memory_space<vmem_shared>>
      %dma_wait3A_118 = tpu.memref_slice %arg16[%mul3A_102] : memref<10240xf32, #tpu.memory_space<vmem_shared>> -> memref<640xf32, #tpu.memory_space<vmem_shared>>
      tpu.wait_dma2 semaphore(%run_scoped3A : memref<!tpu.dma_semaphore, #tpu.memory_space<semaphore_mem>>) src(%arg15 : memref<640xf32, #tpu.memory_space<vmem>>) dst(%dma_wait3A_118 : memref<640xf32, #tpu.memory_space<vmem_shared>>)
      tpu.yield
    }) : () -> ()
    %barrier3A = arith.constant 0 : index
    tpu.barrier barrier_id(%barrier3A)
    %scan3A_103 = arith.constant 0 : i32
    %scan3A_104 = arith.constant 0 : i32
    %scan3A_105 = arith.constant 79 : i32
    %scan3A_106 = arith.addi %scan3A_104, %scan3A_105 : i32
    %scan3A_107 = arith.constant 1 : i32
    %scan3A_108 = scf.for %scan3A_115 = %scan3A_104 to %scan3A_106 step %scan3A_107 iter_args(%scan3A_116 = %scan3A_103) -> (i32)  : i32 {
      "tpu.region"() ({
        %run_scoped3A = tpu.sem_alloc : memref<!tpu.dma_semaphore, #tpu.memory_space<semaphore_mem>>
        %dma_start3A_118 = arith.constant 0 : i32
        %dma_start3A_119 = tpu.memref_slice %arg13[%scan3A_115, %dma_start3A_118] : memref<79x128xi32, #tpu.memory_space<vmem>> -> memref<1x128xi32, #tpu.memory_space<vmem>>
        %dma_start3A_120 = tpu.memref_squeeze %dma_start3A_119 : memref<1x128xi32, #tpu.memory_space<vmem>> -> memref<128xi32, #tpu.memory_space<vmem>>
        %dma_start3A_121 = arith.constant 0 : i32
        %dma_start3A_122 = tpu.memref_slice %arg16[%dma_start3A_121] : memref<10240xf32, #tpu.memory_space<vmem_shared>> -> memref<10240xf32, #tpu.memory_space<vmem_shared>>
        tpu.enqueue_indirect_dma source(%arg14 : memref<128xf32, #tpu.memory_space<vmem>>) target(%dma_start3A_122 : memref<10240xf32, #tpu.memory_space<vmem_shared>>) offsets(%dma_start3A_120 : memref<128xi32, #tpu.memory_space<vmem>>) semaphore(%run_scoped3A : memref<!tpu.dma_semaphore, #tpu.memory_space<semaphore_mem>>) {add = true}
        %dma_wait3A_123 = arith.constant 0 : i32
        %dma_wait3A_124 = tpu.memref_slice %arg13[%scan3A_115, %dma_wait3A_123] : memref<79x128xi32, #tpu.memory_space<vmem>> -> memref<1x128xi32, #tpu.memory_space<vmem>>
        %dma_wait3A_125 = tpu.memref_squeeze %dma_wait3A_124 : memref<1x128xi32, #tpu.memory_space<vmem>> -> memref<128xi32, #tpu.memory_space<vmem>>
        %dma_wait3A_126 = arith.constant 0 : i32
        %dma_wait3A_127 = tpu.memref_slice %arg16[%dma_wait3A_126] : memref<10240xf32, #tpu.memory_space<vmem_shared>> -> memref<10240xf32, #tpu.memory_space<vmem_shared>>
        tpu.wait_indirect_dma semaphore(%run_scoped3A : memref<!tpu.dma_semaphore, #tpu.memory_space<semaphore_mem>>) src(%arg14 : memref<128xf32, #tpu.memory_space<vmem>>) dst(%dma_wait3A_127 : memref<10240xf32, #tpu.memory_space<vmem_shared>>)
        tpu.yield
      }) : () -> ()
      %scan3A_117 = arith.constant 0 : i32
      scf.yield %scan3A_117 : i32
    }
    %scan3A_109 = arith.constant 79 : i32
    %barrier3A_110 = arith.constant 0 : index
    tpu.barrier barrier_id(%barrier3A_110)
    %mul3A_111 = arith.constant 640 : i32
    %mul3A_112 = arith.muli %arg1, %mul3A_111 : i32
    %mul3A_113 = arith.constant 640 : i32
    %mul3A_114 = arith.muli %arg1, %mul3A_113 : i32
    "tpu.region"() ({
      %run_scoped3A = tpu.sem_alloc : memref<!tpu.dma_semaphore, #tpu.memory_space<semaphore_mem>>
      %dma_start3A_115 = tpu.memref_slice %arg8[%arg0, %mul3A_114] : memref<2x10240xf32, #tpu.memory_space<hbm>> -> memref<1x640xf32, #tpu.memory_space<hbm>>
      %dma_start3A_116 = tpu.memref_squeeze %dma_start3A_115 : memref<1x640xf32, #tpu.memory_space<hbm>> -> memref<640xf32, #tpu.memory_space<hbm>>
      %dma_start3A_117 = tpu.memref_slice %arg16[%mul3A_112] : memref<10240xf32, #tpu.memory_space<vmem_shared>> -> memref<640xf32, #tpu.memory_space<vmem_shared>>
      tpu.enqueue_dma source(%dma_start3A_117 : memref<640xf32, #tpu.memory_space<vmem_shared>>) target(%dma_start3A_116 : memref<640xf32, #tpu.memory_space<hbm>>) target_semaphore(%run_scoped3A : memref<!tpu.dma_semaphore, #tpu.memory_space<semaphore_mem>>)
      %dma_wait3A_118 = tpu.memref_slice %arg8[%arg0, %mul3A_114] : memref<2x10240xf32, #tpu.memory_space<hbm>> -> memref<1x640xf32, #tpu.memory_space<hbm>>
      %dma_wait3A_119 = tpu.memref_squeeze %dma_wait3A_118 : memref<1x640xf32, #tpu.memory_space<hbm>> -> memref<640xf32, #tpu.memory_space<hbm>>
      %dma_wait3A_120 = tpu.memref_slice %arg16[%mul3A_112] : memref<10240xf32, #tpu.memory_space<vmem_shared>> -> memref<640xf32, #tpu.memory_space<vmem_shared>>
      tpu.wait_dma2 semaphore(%run_scoped3A : memref<!tpu.dma_semaphore, #tpu.memory_space<semaphore_mem>>) src(%dma_wait3A_120 : memref<640xf32, #tpu.memory_space<vmem_shared>>) dst(%dma_wait3A_119 : memref<640xf32, #tpu.memory_space<hbm>>)
      tpu.yield
    }) : () -> ()
    return
  }
}

module attributes {stable_mosaic.version = 14 : i64} {
  func.func @_dense_body(%arg0: i32, %arg1: memref<512x128xf32, #tpu.memory_space<vmem>>, %arg2: memref<512x128xf32, #tpu.memory_space<vmem>>, %arg3: memref<512x128xf32, #tpu.memory_space<vmem>>, %arg4: memref<1x1x512xf32, #tpu.memory_space<vmem>>, %arg5: memref<1x1x512xf32, #tpu.memory_space<vmem>>, %arg6: memref<128x128xf32, #tpu.memory_space<vmem>>, %arg7: memref<128x128xf32, #tpu.memory_space<vmem>>, %arg8: memref<1x128xf32, #tpu.memory_space<vmem>>, %arg9: memref<512x128xf32, #tpu.memory_space<vmem>>) attributes {dimension_semantics = [#tpu.dimension_semantics<arbitrary>], iteration_bounds = array<i64: 20>, scalar_prefetch = 0 : i64, scratch_operands = 0 : i64, tpu.core_type = #tpu.core_type<tc>, window_params = [{transform_indices = @transform_0, window_bounds = array<i64: 512, 128>}, {transform_indices = @transform_1, window_bounds = array<i64: 512, 128>}, {transform_indices = @transform_2, window_bounds = array<i64: 512, 128>}, {transform_indices = @transform_3, window_bounds = array<i64: 1, 1, 512>}, {transform_indices = @transform_4, window_bounds = array<i64: 1, 1, 512>}, {pipeline_mode = #tpu.pipeline_mode<synchronous>, transform_indices = @transform_5, window_bounds = array<i64: 128, 128>}, {pipeline_mode = #tpu.pipeline_mode<synchronous>, transform_indices = @transform_6, window_bounds = array<i64: 128, 128>}, {pipeline_mode = #tpu.pipeline_mode<synchronous>, transform_indices = @transform_7, window_bounds = array<i64: 1, 128>}, {transform_indices = @transform_8, window_bounds = array<i64: 512, 128>}]} {
    %get3A = arith.constant 0 : index
    %get3A_0 = arith.constant 0 : index
    %get3A_1 = arith.constant 0 : index
    %get3A_2 = vector.load %arg4[%get3A, %get3A_0, %get3A_1] : memref<1x1x512xf32, #tpu.memory_space<vmem>>, vector<1x1x512xf32>
    %get3A_3 = vector.shape_cast %get3A_2 : vector<1x1x512xf32> to vector<512xf32>
    %add3A = arith.constant 1.000000e+00 : f32
    %add3A_4 = vector.broadcast %add3A : f32 to vector<512xf32>
    %add3A_5 = arith.addf %add3A_4, %get3A_3 : vector<512xf32>
    %get3A_6 = arith.constant 0 : index
    %get3A_7 = arith.constant 0 : index
    %get3A_8 = arith.constant 0 : index
    %get3A_9 = vector.load %arg5[%get3A_6, %get3A_7, %get3A_8] : memref<1x1x512xf32, #tpu.memory_space<vmem>>, vector<1x1x512xf32>
    %get3A_10 = vector.shape_cast %get3A_9 : vector<1x1x512xf32> to vector<512xf32>
    %add3A_11 = arith.addf %add3A_5, %get3A_10 : vector<512xf32>
    %div3A = arith.constant 1.000000e+00 : f32
    %div3A_12 = vector.broadcast %div3A : f32 to vector<512xf32>
    %div3A_13 = arith.divf %div3A_12, %add3A_11 : vector<512xf32>
    %get3A_14 = arith.constant 0 : index
    %get3A_15 = arith.constant 0 : index
    %get3A_16 = vector.load %arg1[%get3A_14, %get3A_15] : memref<512x128xf32, #tpu.memory_space<vmem>>, vector<512x128xf32>
    %get3A_17 = arith.constant 0 : index
    %get3A_18 = arith.constant 0 : index
    %get3A_19 = vector.load %arg2[%get3A_17, %get3A_18] : memref<512x128xf32, #tpu.memory_space<vmem>>, vector<512x128xf32>
    %add3A_20 = arith.addf %get3A_16, %get3A_19 : vector<512x128xf32>
    %get3A_21 = arith.constant 0 : index
    %get3A_22 = arith.constant 0 : index
    %get3A_23 = vector.load %arg3[%get3A_21, %get3A_22] : memref<512x128xf32, #tpu.memory_space<vmem>>, vector<512x128xf32>
    %add3A_24 = arith.addf %add3A_20, %get3A_23 : vector<512x128xf32>
    %broadcast_in_dim3A = vector.shape_cast %div3A_13 : vector<512xf32> to vector<512x1xf32>
    %mul3A = vector.broadcast %broadcast_in_dim3A : vector<512x1xf32> to vector<512x128xf32>
    %mul3A_25 = arith.mulf %add3A_24, %mul3A : vector<512x128xf32>
    %get3A_26 = arith.constant 0 : index
    %get3A_27 = arith.constant 0 : index
    %get3A_28 = vector.load %arg6[%get3A_26, %get3A_27] : memref<128x128xf32, #tpu.memory_space<vmem>>, vector<128x128xf32>
    %dot_general3A = arith.constant dense<0.000000e+00> : vector<512x128xf32>
    %dot_general3A_29 = tpu.matmul %mul3A_25, %get3A_28, %dot_general3A {dimension_numbers = #tpu.dot_dimension_numbers<[1], [0], [0], [1], [0, 0, 1, 1], [], []>, transpose_lhs_hint = false} : vector<512x128xf32>, vector<128x128xf32>, vector<512x128xf32> -> vector<512x128xf32>
    %get3A_30 = arith.constant 0 : index
    %get3A_31 = arith.constant 0 : index
    %get3A_32 = vector.load %arg3[%get3A_30, %get3A_31] : memref<512x128xf32, #tpu.memory_space<vmem>>, vector<512x128xf32>
    %get3A_33 = arith.constant 0 : index
    %get3A_34 = arith.constant 0 : index
    %get3A_35 = vector.load %arg7[%get3A_33, %get3A_34] : memref<128x128xf32, #tpu.memory_space<vmem>>, vector<128x128xf32>
    %dot_general3A_36 = arith.constant dense<0.000000e+00> : vector<512x128xf32>
    %dot_general3A_37 = tpu.matmul %get3A_32, %get3A_35, %dot_general3A_36 {dimension_numbers = #tpu.dot_dimension_numbers<[1], [0], [0], [1], [0, 0, 1, 1], [], []>, transpose_lhs_hint = false} : vector<512x128xf32>, vector<128x128xf32>, vector<512x128xf32> -> vector<512x128xf32>
    %add3A_38 = arith.addf %dot_general3A_29, %dot_general3A_37 : vector<512x128xf32>
    %get3A_39 = arith.constant 0 : index
    %get3A_40 = arith.constant 0 : index
    %get3A_41 = vector.load %arg8[%get3A_39, %get3A_40] : memref<1x128xf32, #tpu.memory_space<vmem>>, vector<1x128xf32>
    %add3A_42 = vector.broadcast %get3A_41 : vector<1x128xf32> to vector<512x128xf32>
    %add3A_43 = arith.addf %add3A_38, %add3A_42 : vector<512x128xf32>
    %max3A = arith.constant 0.000000e+00 : f32
    %max3A_44 = vector.broadcast %max3A : f32 to vector<512x128xf32>
    %max3A_45 = arith.maximumf %add3A_43, %max3A_44 : vector<512x128xf32>
    %swap3A = arith.constant 0 : index
    %swap3A_46 = arith.constant 0 : index
    %swap3A_47 = vector.load %arg9[%swap3A, %swap3A_46] : memref<512x128xf32, #tpu.memory_space<vmem>>, vector<512x128xf32>
    tpu.vector_store %arg9[%swap3A, %swap3A_46], %max3A_45 {strides = array<i32>} : memref<512x128xf32, #tpu.memory_space<vmem>>, vector<512x128xf32>,
    return
  }
  func.func @transform_0(%arg0: i32) -> (i32, i32) {
    %c0_i32 = arith.constant 0 : i32
    %c0_i32_0 = arith.constant 0 : i32
    return %arg0, %c0_i32 : i32, i32
  }
  func.func @transform_1(%arg0: i32) -> (i32, i32) {
    %c0_i32 = arith.constant 0 : i32
    %c0_i32_0 = arith.constant 0 : i32
    return %arg0, %c0_i32 : i32, i32
  }
  func.func @transform_2(%arg0: i32) -> (i32, i32) {
    %c0_i32 = arith.constant 0 : i32
    %c0_i32_0 = arith.constant 0 : i32
    return %arg0, %c0_i32 : i32, i32
  }
  func.func @transform_3(%arg0: i32) -> (i32, i32, i32) {
    %c0_i32 = arith.constant 0 : i32
    %c0_i32_0 = arith.constant 0 : i32
    %c0_i32_1 = arith.constant 0 : i32
    return %arg0, %c0_i32, %c0_i32_0 : i32, i32, i32
  }
  func.func @transform_4(%arg0: i32) -> (i32, i32, i32) {
    %c0_i32 = arith.constant 0 : i32
    %c0_i32_0 = arith.constant 0 : i32
    %c0_i32_1 = arith.constant 0 : i32
    return %arg0, %c0_i32, %c0_i32_0 : i32, i32, i32
  }
  func.func @transform_5(%arg0: i32) -> (i32, i32) {
    %c0_i32 = arith.constant 0 : i32
    %c0_i32_0 = arith.constant 0 : i32
    %c0_i32_1 = arith.constant 0 : i32
    return %c0_i32, %c0_i32_0 : i32, i32
  }
  func.func @transform_6(%arg0: i32) -> (i32, i32) {
    %c0_i32 = arith.constant 0 : i32
    %c0_i32_0 = arith.constant 0 : i32
    %c0_i32_1 = arith.constant 0 : i32
    return %c0_i32, %c0_i32_0 : i32, i32
  }
  func.func @transform_7(%arg0: i32) -> (i32, i32) {
    %c0_i32 = arith.constant 0 : i32
    %c0_i32_0 = arith.constant 0 : i32
    %c0_i32_1 = arith.constant 0 : i32
    return %c0_i32, %c0_i32_0 : i32, i32
  }
  func.func @transform_8(%arg0: i32) -> (i32, i32) {
    %c0_i32 = arith.constant 0 : i32
    %c0_i32_0 = arith.constant 0 : i32
    return %arg0, %c0_i32 : i32, i32
  }
}

module attributes {stable_mosaic.version = 14 : i64} {
  func.func @_dense_head_body(%arg0: i32, %arg1: memref<512x128xf32, #tpu.memory_space<vmem>>, %arg2: memref<512x128xf32, #tpu.memory_space<vmem>>, %arg3: memref<512x128xf32, #tpu.memory_space<vmem>>, %arg4: memref<1x1x512xf32, #tpu.memory_space<vmem>>, %arg5: memref<1x1x512xf32, #tpu.memory_space<vmem>>, %arg6: memref<128x128xf32, #tpu.memory_space<vmem>>, %arg7: memref<128x128xf32, #tpu.memory_space<vmem>>, %arg8: memref<1x128xf32, #tpu.memory_space<vmem>>, %arg9: memref<128x128xf32, #tpu.memory_space<vmem>>, %arg10: memref<1x128xf32, #tpu.memory_space<vmem>>, %arg11: memref<1x128xf32, #tpu.memory_space<vmem>>, %arg12: memref<128x128xf32, #tpu.memory_space<vmem>>, %arg13: memref<1x128xf32, #tpu.memory_space<vmem>>, %arg14: memref<512x128xf32, #tpu.memory_space<vmem>>, %arg15: memref<512x128xf32, #tpu.memory_space<vmem>>) attributes {dimension_semantics = [#tpu.dimension_semantics<arbitrary>], iteration_bounds = array<i64: 20>, scalar_prefetch = 0 : i64, scratch_operands = 0 : i64, tpu.core_type = #tpu.core_type<tc>, window_params = [{transform_indices = @transform_0, window_bounds = array<i64: 512, 128>}, {transform_indices = @transform_1, window_bounds = array<i64: 512, 128>}, {transform_indices = @transform_2, window_bounds = array<i64: 512, 128>}, {transform_indices = @transform_3, window_bounds = array<i64: 1, 1, 512>}, {transform_indices = @transform_4, window_bounds = array<i64: 1, 1, 512>}, {pipeline_mode = #tpu.pipeline_mode<synchronous>, transform_indices = @transform_5, window_bounds = array<i64: 128, 128>}, {pipeline_mode = #tpu.pipeline_mode<synchronous>, transform_indices = @transform_6, window_bounds = array<i64: 128, 128>}, {pipeline_mode = #tpu.pipeline_mode<synchronous>, transform_indices = @transform_7, window_bounds = array<i64: 1, 128>}, {pipeline_mode = #tpu.pipeline_mode<synchronous>, transform_indices = @transform_8, window_bounds = array<i64: 128, 128>}, {pipeline_mode = #tpu.pipeline_mode<synchronous>, transform_indices = @transform_9, window_bounds = array<i64: 1, 128>}, {pipeline_mode = #tpu.pipeline_mode<synchronous>, transform_indices = @transform_10, window_bounds = array<i64: 1, 128>}, {pipeline_mode = #tpu.pipeline_mode<synchronous>, transform_indices = @transform_11, window_bounds = array<i64: 128, 128>}, {pipeline_mode = #tpu.pipeline_mode<synchronous>, transform_indices = @transform_12, window_bounds = array<i64: 1, 128>}, {transform_indices = @transform_13, window_bounds = array<i64: 512, 128>}, {transform_indices = @transform_14, window_bounds = array<i64: 512, 128>}]} {
    %get3A = arith.constant 0 : index
    %get3A_0 = arith.constant 0 : index
    %get3A_1 = arith.constant 0 : index
    %get3A_2 = vector.load %arg4[%get3A, %get3A_0, %get3A_1] : memref<1x1x512xf32, #tpu.memory_space<vmem>>, vector<1x1x512xf32>
    %get3A_3 = vector.shape_cast %get3A_2 : vector<1x1x512xf32> to vector<512xf32>
    %add3A = arith.constant 1.000000e+00 : f32
    %add3A_4 = vector.broadcast %add3A : f32 to vector<512xf32>
    %add3A_5 = arith.addf %add3A_4, %get3A_3 : vector<512xf32>
    %get3A_6 = arith.constant 0 : index
    %get3A_7 = arith.constant 0 : index
    %get3A_8 = arith.constant 0 : index
    %get3A_9 = vector.load %arg5[%get3A_6, %get3A_7, %get3A_8] : memref<1x1x512xf32, #tpu.memory_space<vmem>>, vector<1x1x512xf32>
    %get3A_10 = vector.shape_cast %get3A_9 : vector<1x1x512xf32> to vector<512xf32>
    %add3A_11 = arith.addf %add3A_5, %get3A_10 : vector<512xf32>
    %div3A = arith.constant 1.000000e+00 : f32
    %div3A_12 = vector.broadcast %div3A : f32 to vector<512xf32>
    %div3A_13 = arith.divf %div3A_12, %add3A_11 : vector<512xf32>
    %get3A_14 = arith.constant 0 : index
    %get3A_15 = arith.constant 0 : index
    %get3A_16 = vector.load %arg1[%get3A_14, %get3A_15] : memref<512x128xf32, #tpu.memory_space<vmem>>, vector<512x128xf32>
    %get3A_17 = arith.constant 0 : index
    %get3A_18 = arith.constant 0 : index
    %get3A_19 = vector.load %arg2[%get3A_17, %get3A_18] : memref<512x128xf32, #tpu.memory_space<vmem>>, vector<512x128xf32>
    %add3A_20 = arith.addf %get3A_16, %get3A_19 : vector<512x128xf32>
    %get3A_21 = arith.constant 0 : index
    %get3A_22 = arith.constant 0 : index
    %get3A_23 = vector.load %arg3[%get3A_21, %get3A_22] : memref<512x128xf32, #tpu.memory_space<vmem>>, vector<512x128xf32>
    %add3A_24 = arith.addf %add3A_20, %get3A_23 : vector<512x128xf32>
    %broadcast_in_dim3A = vector.shape_cast %div3A_13 : vector<512xf32> to vector<512x1xf32>
    %mul3A = vector.broadcast %broadcast_in_dim3A : vector<512x1xf32> to vector<512x128xf32>
    %mul3A_25 = arith.mulf %add3A_24, %mul3A : vector<512x128xf32>
    %get3A_26 = arith.constant 0 : index
    %get3A_27 = arith.constant 0 : index
    %get3A_28 = vector.load %arg6[%get3A_26, %get3A_27] : memref<128x128xf32, #tpu.memory_space<vmem>>, vector<128x128xf32>
    %dot_general3A = arith.constant dense<0.000000e+00> : vector<512x128xf32>
    %dot_general3A_29 = tpu.matmul %mul3A_25, %get3A_28, %dot_general3A {dimension_numbers = #tpu.dot_dimension_numbers<[1], [0], [0], [1], [0, 0, 1, 1], [], []>, transpose_lhs_hint = false} : vector<512x128xf32>, vector<128x128xf32>, vector<512x128xf32> -> vector<512x128xf32>
    %get3A_30 = arith.constant 0 : index
    %get3A_31 = arith.constant 0 : index
    %get3A_32 = vector.load %arg3[%get3A_30, %get3A_31] : memref<512x128xf32, #tpu.memory_space<vmem>>, vector<512x128xf32>
    %get3A_33 = arith.constant 0 : index
    %get3A_34 = arith.constant 0 : index
    %get3A_35 = vector.load %arg7[%get3A_33, %get3A_34] : memref<128x128xf32, #tpu.memory_space<vmem>>, vector<128x128xf32>
    %dot_general3A_36 = arith.constant dense<0.000000e+00> : vector<512x128xf32>
    %dot_general3A_37 = tpu.matmul %get3A_32, %get3A_35, %dot_general3A_36 {dimension_numbers = #tpu.dot_dimension_numbers<[1], [0], [0], [1], [0, 0, 1, 1], [], []>, transpose_lhs_hint = false} : vector<512x128xf32>, vector<128x128xf32>, vector<512x128xf32> -> vector<512x128xf32>
    %add3A_38 = arith.addf %dot_general3A_29, %dot_general3A_37 : vector<512x128xf32>
    %get3A_39 = arith.constant 0 : index
    %get3A_40 = arith.constant 0 : index
    %get3A_41 = vector.load %arg8[%get3A_39, %get3A_40] : memref<1x128xf32, #tpu.memory_space<vmem>>, vector<1x128xf32>
    %add3A_42 = vector.broadcast %get3A_41 : vector<1x128xf32> to vector<512x128xf32>
    %add3A_43 = arith.addf %add3A_38, %add3A_42 : vector<512x128xf32>
    %max3A = arith.constant 0.000000e+00 : f32
    %max3A_44 = vector.broadcast %max3A : f32 to vector<512x128xf32>
    %max3A_45 = arith.maximumf %add3A_43, %max3A_44 : vector<512x128xf32>
    %swap3A = arith.constant 0 : index
    %swap3A_46 = arith.constant 0 : index
    %swap3A_47 = vector.load %arg14[%swap3A, %swap3A_46] : memref<512x128xf32, #tpu.memory_space<vmem>>, vector<512x128xf32>
    tpu.vector_store %arg14[%swap3A, %swap3A_46], %max3A_45 {strides = array<i32>} : memref<512x128xf32, #tpu.memory_space<vmem>>, vector<512x128xf32>,
    %get3A_48 = arith.constant 0 : index
    %get3A_49 = arith.constant 0 : index
    %get3A_50 = vector.load %arg9[%get3A_48, %get3A_49] : memref<128x128xf32, #tpu.memory_space<vmem>>, vector<128x128xf32>
    %dot_general3A_51 = arith.constant dense<0.000000e+00> : vector<512x128xf32>
    %dot_general3A_52 = tpu.matmul %max3A_45, %get3A_50, %dot_general3A_51 {dimension_numbers = #tpu.dot_dimension_numbers<[1], [0], [0], [1], [0, 0, 1, 1], [], []>, transpose_lhs_hint = false} : vector<512x128xf32>, vector<128x128xf32>, vector<512x128xf32> -> vector<512x128xf32>
    %get3A_53 = arith.constant 0 : index
    %get3A_54 = arith.constant 0 : index
    %get3A_55 = vector.load %arg10[%get3A_53, %get3A_54] : memref<1x128xf32, #tpu.memory_space<vmem>>, vector<1x128xf32>
    %add3A_56 = vector.broadcast %get3A_55 : vector<1x128xf32> to vector<512x128xf32>
    %add3A_57 = arith.addf %dot_general3A_52, %add3A_56 : vector<512x128xf32>
    %ge3A = arith.constant 0.000000e+00 : f32
    %ge3A_58 = vector.broadcast %ge3A : f32 to vector<512x128xf32>
    %ge3A_59 = arith.cmpf oge, %add3A_57, %ge3A_58 : vector<512x128xf32>
    %get3A_60 = arith.constant 0 : index
    %get3A_61 = arith.constant 0 : index
    %get3A_62 = vector.load %arg11[%get3A_60, %get3A_61] : memref<1x128xf32, #tpu.memory_space<vmem>>, vector<1x128xf32>
    %mul3A_63 = vector.broadcast %get3A_62 : vector<1x128xf32> to vector<512x128xf32>
    %mul3A_64 = arith.mulf %mul3A_63, %add3A_57 : vector<512x128xf32>
    %select_n3A = arith.select %ge3A_59, %add3A_57, %mul3A_64 : vector<512x128xi1>, vector<512x128xf32>
    %get3A_65 = arith.constant 0 : index
    %get3A_66 = arith.constant 0 : index
    %get3A_67 = vector.load %arg12[%get3A_65, %get3A_66] : memref<128x128xf32, #tpu.memory_space<vmem>>, vector<128x128xf32>
    %dot_general3A_68 = arith.constant dense<0.000000e+00> : vector<512x128xf32>
    %dot_general3A_69 = tpu.matmul %select_n3A, %get3A_67, %dot_general3A_68 {dimension_numbers = #tpu.dot_dimension_numbers<[1], [0], [0], [1], [0, 0, 1, 1], [], []>, transpose_lhs_hint = false} : vector<512x128xf32>, vector<128x128xf32>, vector<512x128xf32> -> vector<512x128xf32>
    %get3A_70 = arith.constant 0 : index
    %get3A_71 = arith.constant 0 : index
    %get3A_72 = vector.load %arg13[%get3A_70, %get3A_71] : memref<1x128xf32, #tpu.memory_space<vmem>>, vector<1x128xf32>
    %add3A_73 = vector.broadcast %get3A_72 : vector<1x128xf32> to vector<512x128xf32>
    %add3A_74 = arith.addf %dot_general3A_69, %add3A_73 : vector<512x128xf32>
    %swap3A_75 = arith.constant 0 : index
    %swap3A_76 = arith.constant 0 : index
    %swap3A_77 = vector.load %arg15[%swap3A_75, %swap3A_76] : memref<512x128xf32, #tpu.memory_space<vmem>>, vector<512x128xf32>
    tpu.vector_store %arg15[%swap3A_75, %swap3A_76], %add3A_74 {strides = array<i32>} : memref<512x128xf32, #tpu.memory_space<vmem>>, vector<512x128xf32>,
    return
  }
  func.func @transform_0(%arg0: i32) -> (i32, i32) {
    %c0_i32 = arith.constant 0 : i32
    %c0_i32_0 = arith.constant 0 : i32
    return %arg0, %c0_i32 : i32, i32
  }
  func.func @transform_1(%arg0: i32) -> (i32, i32) {
    %c0_i32 = arith.constant 0 : i32
    %c0_i32_0 = arith.constant 0 : i32
    return %arg0, %c0_i32 : i32, i32
  }
  func.func @transform_2(%arg0: i32) -> (i32, i32) {
    %c0_i32 = arith.constant 0 : i32
    %c0_i32_0 = arith.constant 0 : i32
    return %arg0, %c0_i32 : i32, i32
  }
  func.func @transform_3(%arg0: i32) -> (i32, i32, i32) {
    %c0_i32 = arith.constant 0 : i32
    %c0_i32_0 = arith.constant 0 : i32
    %c0_i32_1 = arith.constant 0 : i32
    return %arg0, %c0_i32, %c0_i32_0 : i32, i32, i32
  }
  func.func @transform_4(%arg0: i32) -> (i32, i32, i32) {
    %c0_i32 = arith.constant 0 : i32
    %c0_i32_0 = arith.constant 0 : i32
    %c0_i32_1 = arith.constant 0 : i32
    return %arg0, %c0_i32, %c0_i32_0 : i32, i32, i32
  }
  func.func @transform_5(%arg0: i32) -> (i32, i32) {
    %c0_i32 = arith.constant 0 : i32
    %c0_i32_0 = arith.constant 0 : i32
    %c0_i32_1 = arith.constant 0 : i32
    return %c0_i32, %c0_i32_0 : i32, i32
  }
  func.func @transform_6(%arg0: i32) -> (i32, i32) {
    %c0_i32 = arith.constant 0 : i32
    %c0_i32_0 = arith.constant 0 : i32
    %c0_i32_1 = arith.constant 0 : i32
    return %c0_i32, %c0_i32_0 : i32, i32
  }
  func.func @transform_7(%arg0: i32) -> (i32, i32) {
    %c0_i32 = arith.constant 0 : i32
    %c0_i32_0 = arith.constant 0 : i32
    %c0_i32_1 = arith.constant 0 : i32
    return %c0_i32, %c0_i32_0 : i32, i32
  }
  func.func @transform_8(%arg0: i32) -> (i32, i32) {
    %c0_i32 = arith.constant 0 : i32
    %c0_i32_0 = arith.constant 0 : i32
    %c0_i32_1 = arith.constant 0 : i32
    return %c0_i32, %c0_i32_0 : i32, i32
  }
  func.func @transform_9(%arg0: i32) -> (i32, i32) {
    %c0_i32 = arith.constant 0 : i32
    %c0_i32_0 = arith.constant 0 : i32
    %c0_i32_1 = arith.constant 0 : i32
    return %c0_i32, %c0_i32_0 : i32, i32
  }
  func.func @transform_10(%arg0: i32) -> (i32, i32) {
    %c0_i32 = arith.constant 0 : i32
    %c0_i32_0 = arith.constant 0 : i32
    %c0_i32_1 = arith.constant 0 : i32
    return %c0_i32, %c0_i32_0 : i32, i32
  }
  func.func @transform_11(%arg0: i32) -> (i32, i32) {
    %c0_i32 = arith.constant 0 : i32
    %c0_i32_0 = arith.constant 0 : i32
    %c0_i32_1 = arith.constant 0 : i32
    return %c0_i32, %c0_i32_0 : i32, i32
  }
  func.func @transform_12(%arg0: i32) -> (i32, i32) {
    %c0_i32 = arith.constant 0 : i32
    %c0_i32_0 = arith.constant 0 : i32
    %c0_i32_1 = arith.constant 0 : i32
    return %c0_i32, %c0_i32_0 : i32, i32
  }
  func.func @transform_13(%arg0: i32) -> (i32, i32) {
    %c0_i32 = arith.constant 0 : i32
    %c0_i32_0 = arith.constant 0 : i32
    return %arg0, %c0_i32 : i32, i32
  }
  func.func @transform_14(%arg0: i32) -> (i32, i32) {
    %c0_i32 = arith.constant 0 : i32
    %c0_i32_0 = arith.constant 0 : i32
    return %arg0, %c0_i32 : i32, i32
  }
}

</mosaic_0001>

<sc_bundles>
// kernel: kernel.12.cloned.1.call-start
scs
__scs_entry_jumppad:
0x0: {  	(pc) =	sbr.rel $0x88, $3  }
0x1: {  	(tag) =	ssettag $0x0;
	lr =	simm.s32 $0x1  }
0x2: {  	[smem:$0x3F96] =	sst lr;
	_ =	strace $0xD0000000  }
0x3: {  	_ = 	snop  }
0x4: {  	_ = 	snop  }
0x5: {  	_ = 	snop  }
0x6: {  	_ = 	snop  }
0x7: {  	_ = 	snop  }
__scs_overlays_trampoline_lowered:
0x8: {  	[smem:$0x3FA5] =	sst s0  }
0x9: {  	[smem:$0x3FA6] =	sst s1  }
0xa: {  	[smem:$0x3FA7] =	sst s2  }
0xb: {  	[smem:$0x3FA8] =	sst s3  }
0xc: {  	[smem:$0x3FA9] =	sst s4  }
0xd: {  	[smem:$0x3FAA] =	sst s5  }
0xe: {  	[smem:$0x3FAB] =	sst s6  }
0xf: {  	[smem:$0x3FAC] =	sst s7  }
0x10: {  	[smem:$0x3FAD] =	sst s8  }
0x11: {  	[smem:$0x3FAE] =	sst s9;
	s0 =	simm.s32 @!p0 $0x0  }
0x12: {  	s1 =	sld [smem:$0x3F94];
	s0 =	simm.s32 @p0 $0x1  }
0x13: {  	[smem:$0x3FAF] =	sst s0;
	s0 =	simm.s32 @!p1 $0x0  }
0x14: {  	s2 =	sld [smem:$0x3F93];
	s0 =	simm.s32 @p1 $0x1  }
0x15: {  	[smem:$0x3FB0] =	sst s0;
	s0 =	simm.s32 @!p2 $0x0  }
0x16: {  	s3 =	sld [smem:$0x3FDB];
	s0 =	simm.s32 @p2 $0x1  }
0x17: {  	s4 =	simm.s32 $0x1BF5;
	[smem:$0x3FB2] =	sst s0  }
0x18: {  	s0 =	sld [smem:$0x3F95];
	_ =	swait.ge [sflag:s4], $0x0  }
0x19: {  	s7 =	sld [smem:$0x3F96]  }
0x1a: {  	s8 =	sadd.s32 $0xFFFFE003, lr  }
0x1b: {  	s9 =	sadd.s32 $0xFFFFFEF7, lr;
	s5 =	simm.s32 $0xFFFFFFFF;
	p2 =	slt.u32 s8, $0xFFFFF086  }
0x1c: {  	p1 =	slt.u32 s9, $0xF7A;
	s5 =	simm.s32 @!p2 $0x0  }
0x1d: {  	s5 =	simm.s32 @p1 $0x1;
	p0 =	seq.s32 s7, s2  }
0x1e: {  	s7 =	smul.u32 @!p0 $0xF7A, s2;
	p2 =	seq.s32 @!p0 s5, $0x0  }
0x1f: {  	s9 =	smul.u32 $0xF7A, s1;
	s8 =	simm.s32 @!p0 $0x1BF5;
	p2 =	por !p2, p0  }
0x20: {  	[sflag:s8] =	ssyncset.s32 @!p0 $0xFFFFF086;
	s6 =	sadd.s32 @!p0 s3, s7;
	s7 =	simm.s32 @!p0 $0x108  }
0x21: {  	s3 =	sadd.s32 s3, s9;
	s6 =	sadd.s32 @!p0 $0x88, s6;
	s7 =	simm.s32 @p2 $0x1082  }
0x22: {  	[simem:s7], [sflag:s8] =	dma.local @!p0 [hbm:s6], $0xF7A  }
0x23: {  	s9 =	sor.u32 $0xD0000000, s2;
	s6 =	simm.s32 $0x108;
	_ =	swait.ge @!p0 [sflag:s8], $0x0  }
0x24: {  	s3 =	sadd.s32 $0x88, s3;
	s6 =	simm.s32 @!p1 $0x1082;
	[sflag:s4] =	ssyncset.s32 $0xFFFFF086  }
0x25: {  	[simem:s6], [sflag:s4] =	dma.local [hbm:s3], $0xF7A  }
0x26: {  	[smem:$0x3F96] =	sst s1;
	(tag) =	ssettag s2;
	_ =	strace s9  }
0x27: {  	s1 =	sld [smem:$0x3FA6]  }
0x28: {  	s2 =	sld [smem:$0x3FA7]  }
0x29: {  	s4 =	sld [smem:$0x3FA9]  }
0x2a: {  	p0 =	seq.s32 s5, $0x0;
	s5 =	sld [smem:$0x3FAA]  }
0x2b: {  	s6 =	sld [smem:$0x3FAB]  }
0x2c: {  	s7 =	sld [smem:$0x3FAC]  }
0x2d: {  	s3 =	simm.s32 $0x108;
	s8 =	sld [smem:$0x3FAD]  }
0x2e: {  	s3 =	simm.s32 @!p0 $0x1082;
	s9 =	sld [smem:$0x3FAE]  }
0x2f: {  	lr =	sadd.s32 s0, s3;
	s0 =	sld [smem:$0x3FA5]  }
0x30: {  	s3 =	sld [smem:$0x3FA8]  }
0x31: {  	[smem:$0x3FB1] =	sst s10  }
0x32: {  	s10 =	sld [smem:$0x3FAF];
	_ =	sdelay $0x3  }
0x33: {  	p0 =	seq.s32 s10, $0x1;
	s10 =	sld [smem:$0x3FB1];
	_ =	sdelay $0x3  }
0x34: {  	[smem:$0x3FB1] =	sst s10  }
0x35: {  	s10 =	sld [smem:$0x3FB0];
	_ =	sdelay $0x3  }
0x36: {  	p1 =	seq.s32 s10, $0x1;
	s10 =	sld [smem:$0x3FB1];
	_ =	sdelay $0x3  }
0x37: {  	[smem:$0x3FB1] =	sst s10  }
0x38: {  	s10 =	sld [smem:$0x3FB2]  }
0x39: {  	_ = 	snop;
	(pc) =	sbr.ind lr, $3  }
0x3a: {  	_ = 	snop  }
0x3b: {  	_ = 	snop  }
0x3c: {  	p2 =	seq.s32 s10, $0x1;
	s10 =	sld [smem:$0x3FB1]  }
0x3d: {  	_ =	shalt  }
0x3e: {  	_ =	shalt  }
0x3f: {  	_ =	shalt  }
0x40: {  	_ =	shalt  }
0x41: {  	_ =	shalt  }
0x42: {  	_ =	shalt  }
0x43: {  	_ =	shalt  }
0x44: {  	_ =	shalt  }
0x45: {  	_ =	shalt  }
0x46: {  	_ =	shalt  }
0x47: {  	_ =	shalt  }
0x48: {  	_ =	shalt  }
0x49: {  	_ =	shalt  }
0x4a: {  	_ =	shalt  }
0x4b: {  	_ =	shalt  }
0x4c: {  	_ =	shalt  }
0x4d: {  	_ =	shalt  }
0x4e: {  	_ =	shalt  }
0x4f: {  	_ =	shalt  }
0x50: {  	_ =	shalt  }
0x51: {  	_ =	shalt  }
0x52: {  	_ =	shalt  }
0x53: {  	_ =	shalt  }
0x54: {  	_ =	shalt  }
0x55: {  	_ =	shalt  }
0x56: {  	_ =	shalt  }
0x57: {  	_ =	shalt  }
0x58: {  	_ =	shalt  }
0x59: {  	_ =	shalt  }
0x5a: {  	_ =	shalt  }
0x5b: {  	_ =	shalt  }
0x5c: {  	_ =	shalt  }
0x5d: {  	_ =	shalt  }
0x5e: {  	_ =	shalt  }
0x5f: {  	_ =	shalt  }
0x60: {  	_ =	shalt  }
0x61: {  	_ =	shalt  }
0x62: {  	_ =	shalt  }
0x63: {  	_ =	shalt  }
0x64: {  	_ =	shalt  }
0x65: {  	_ =	shalt  }
0x66: {  	_ =	shalt  }
0x67: {  	_ =	shalt  }
0x68: {  	_ =	shalt  }
0x69: {  	_ =	shalt  }
0x6a: {  	_ =	shalt  }
0x6b: {  	_ =	shalt  }
0x6c: {  	_ =	shalt  }
0x6d: {  	_ =	shalt  }
0x6e: {  	_ =	shalt  }
0x6f: {  	_ =	shalt  }
0x70: {  	_ =	shalt  }
0x71: {  	_ =	shalt  }
0x72: {  	_ =	shalt  }
0x73: {  	_ =	shalt  }
0x74: {  	_ =	shalt  }
0x75: {  	_ =	shalt  }
0x76: {  	_ =	shalt  }
0x77: {  	_ =	shalt  }
0x78: {  	_ =	shalt  }
0x79: {  	_ =	shalt  }
0x7a: {  	_ =	shalt  }
0x7b: {  	_ =	shalt  }
0x7c: {  	_ =	shalt  }
0x7d: {  	_ =	shalt  }
0x7e: {  	_ =	shalt  }
0x7f: {  	_ =	shalt  }
0x80: {  	_ =	shalt  }
0x81: {  	_ =	shalt  }
0x82: {  	_ =	shalt  }
0x83: {  	_ =	shalt  }
0x84: {  	_ =	shalt  }
0x85: {  	_ =	shalt  }
0x86: {  	_ =	shalt  }
0x87: {  	_ =	shalt  }
.Lfunc_end0:
.L_simem_size_0:
called_computation.1_lowered:
.L_overlay_start_0:
0x88: {  	s2 =	sld [smem:$0x3FD9]  }
0x89: {  	s3 =	sld [smem:$0x3FFE];
	_ =	sdelay $0x1  }
0x8a: {  	s1 =	srdreg.scid  }
0x8b: {  	s0 =	sand.u32 $0x1, s1  }
0x8c: {  	s14 =	sshll.u32 s0, $0xA;
	s2 =	sadd.s32 s3, s2  }
0x8d: {  	s2 =	sadd.s32 s2, s14  }
0x8e: {  	[smem:$0x3FBD] =	sst s2  }
0x8f: {  	_ = 	snop  }
0x90: {  	s2 =	sld [smem:$0x3FD0];
	_ =	sdelay $0x2  }
0x91: {  	s15 =	simm.s32 $0xA;
	s4 =	simm.s32 $0x10  }
0x92: {  	[smem:s4], [sflag:s15] =	dma.local [hbm:s2], $0x1  }
0x93: {  	_ =	swait.eq [sflag:s15], $0x1  }
0x94: {  	[sflag:s15] =	ssyncset.done $0x0  }
0x95: {  	[sflag:s15] =	ssyncadd.s32 $0xFFFFFFFF  }
0x96: {  	s16 =	sld [smem:$0x11];
	(tm) =	ssettm $0x1  }
0x97: {  	s17 =	sld [smem:$0x3FFB];
	_ =	sdelay $0x3  }
0x98: {  	_ =	strace s17  }
0x99: {  	s3 =	sld [smem:$0x3FFC];
	_ =	sdelay $0x3  }
0x9a: {  	_ =	strace s3  }
0x9b: {  	s3 =	sld [smem:$0x3FFD];
	_ =	sdelay $0x3  }
0x9c: {  	_ =	strace s3  }
0x9d: {  	_ =	strace $0x8FFFFFFF  }
0x9e: {  	s18 =	sld [smem:$0x3FDB];
	_ =	sdelay $0x1  }
0x9f: {  	s19 =	simm.s32 $_scs_section_size  }
0xa0: {  	s5 =	simm.s32 $_size__tile_overlayer_lowered;
	s6 =	simm.s32 $_tile_overlayer_lowered  }
0xa1: {  	s22 =	simm.s32 $0x1BFF;
	s21 =	sshll.u32 s6, $0x1;
	s3 =	sadd.s32 s19, s18  }
0xa2: {  	s7 =	simm.s32 $0x0;
	s20 =	sshll.u32 s5, $0x1;
	s5 =	sadd.s32 s21, s3  }
0xa3: {  	[timem:s7], [sflag:s22] =	dma.local [hbm:s5], s20  }
0xa4: {  	_ =	swait.ge [sflag:s22], s20  }
0xa5: {  	s4 =	ssub.s32 $0x0, s20;
	[sflag:s22] =	ssyncset.done $0x0  }
0xa6: {  	[sflag:s22] =	ssyncadd.s32 s4;
	_ =	sdelay $0x1  }
0xa7: {  	s23 =	simm.s32 $0x1B8B  }
0xa8: {  	_ =	swait.ge [sflag:s23], $0x1  }
0xa9: {  	[sflag:s23] =	ssyncset.done $0x0  }
0xaa: {  	s25 =	simm.s32 $0x1B8E;
	s24 =	sld [smem:$0x3FFE];
	[sflag:s23] =	ssyncadd.s32 $0xFFFFFFFF  }
0xab: {  	s26 =	simm.s32 $execute0_lowered;
	[smem:$0x3FD2] =	sst s25  }
0xac: {  	s5 =	sshll.u32 s26, $0x1;
	_ =	strace $0x80000049;
	[dreg:$0x1] =	wrdreg $0xFFFFFFFF  }
0xad: {  	s28 =	simm.s32 $_size_execute0_lowered;
	s3 =	sadd.s32 s3, s5;
	[dreg:$0x0] =	wrdreg $0x0  }
0xae: {  	s5 =	sshll.u32 s28, $0x1;
	[dreg:$0x2] =	wrdreg s3  }
0xaf: {  	[dreg:$0x3] =	wrdreg s5  }
0xb0: {  	[dreg:$0x4] =	wrdreg $0xC0  }
0xb1: {  	_ =	task [dreg:s7], $0x5FFFF  }
0xb2: {  	[dreg:$0x1] =	wrdreg $0xFFFFFFFF  }
0xb3: {  	[dreg:$0x0] =	wrdreg $0x60  }
0xb4: {  	[dreg:$0x2] =	wrdreg s24  }
0xb5: {  	[dreg:$0x3] =	wrdreg s16  }
0xb6: {  	[dreg:$0x4] =	wrdreg $0x90000  }
0xb7: {  	[dreg:$0x5] =	wrdreg $0x9  }
0xb8: {  	_ =	task.clear_ibuf [dreg:s7], $0x6FFFF;
	_ =	strace $0x90000049  }
0xb9: {  	s29 =	simm.s32 $0x9;
	_ =	strace $0x8000004B  }
0xba: {  	_ =	swait.ge [sflag:s29], $0x1  }
0xbb: {  	[sflag:s29] =	ssyncadd.s32 $0xFFFFFFFF  }
0xbc: {  	_ =	strace $0x9000004B  }
0xbd: {  	_ =	sfence  }
0xbe: {  	s30 =	sld [smem:$0x0];
	_ =	sdelay $0x2  }
0xbf: {  	s31 =	sshll.u32 s1, $0xD;
	s1 =	sshrl.u32 s1, $0x2  }
0xc0: {  	s3 =	sand.u32 $0x4000, s31;
	s1 =	sadd.s32 s1, s30  }
0xc1: {  	s0 =	sor.u32 s3, s0;
	s1 =	sshll.u32 s1, $0x11  }
0xc2: {  	s0 =	sor.u32 s1, s0  }
0xc3: {  	s0 =	sadd.s32 $0x8F2B, s0  }
0xc4: {  	[sflag:s0] =	ssyncadd.remote.s32 $0x1  }
0xc5: {  	_ =	sfence.sel $0xFFFF  }
0xc6: {  	[dreg:$0x0] =	wrdreg $0xFFFFFFFF;
	(pc) =	sbr.abs _section_cstart, $3  }
0xc7: {  	[dreg:$0x1] =	wrdreg $0xFFFFFFFF  }
0xc8: {  	_ =	task.clear_ibuf [dreg:s7], $0x2FFFF;
	_ =	strace $0x9FFFFFFF  }
0xc9: {  	(tm) =	ssettm $0x7FFFFFFF  }
tec
execute0_lowered:
.L_overlay_start_1:
0x0: {  	(tag) =	ssettag $0x1  }
0x1: {  	s5 =	rddreg [dreg:$0x0]  }
0x2: {  	s0 =	srdreg.scid;
	s6 =	rddreg [dreg:$0x1]  }
0x3: {  	s2 =	rddreg [dreg:$0x2];
	s1 =	stileid.u32  }
0x4: {  	s3 =	simm.s32 $0x0;
	s20 =	simm.s32 $0x5000;
	s21 =	simm.s32 $0x80  }
0x5: {  	s22 =	simm.s32 $0x1;
	s8 =	sand.u32 $0x1, s0;
	s0 =	rddreg [dreg:$0x3]  }
0x6: {  	s23 =	simm.s32 $0x0;
	[smem:$0x7FF] =	sst s3;
	s11 =	smul.u32 $0x50000, s1  }
0x7: {  	s16 =	sadd.s32 $0x37200, s5;
	s12 =	smul.u32 $0x14000, s1;
	s4 =	sshll.u32 s8, $0x4  }
0x8: {  	_ =	strace $0x8000004A;
	s10 =	ssub.s32 $0x2, s8;
	s18 =	smul.u32 $0x140000, s8  }
0x9: {  	s4 =	sor.u32 s1, s4;
	s29 =	sshrl.u32 s10, $0x1;
	s30 =	sshrl.u32 s11, $0x2  }
0xa: {  	s31 =	sadd.s32 $0x4000, s12;
	s14 =	sadd.s32 $0x8000, s12;
	s15 =	sadd.s32 $0xC000, s12  }
0xb: {  	s19 =	sadd.s32 $0x10000, s12;
	s7 =	smul.u32 $0x500, s4;
	s4 =	sadd.s32 $0x5200, s5  }
0xc: {  	s17 =	ssub.s32 s10, s29;
	s8 =	sadd.s32 s31, s2;
	s10 =	sadd.s32 s15, s2  }
0xd: {  	s12 =	sadd.s32 s12, s18;
	s13 =	sadd.s32 s18, s31;
	s11 =	sadd.s32 s19, s2  }
0xe: {  	s15 =	sadd.s32 s18, s15;
	s12 =	sshrl.u32 s12, $0x3;
	s13 =	sshrl.u32 s13, $0x3  }
0xf: {  	s15 =	sshrl.u32 s15, $0x3;
	s17 =	smax.u32 s17, $0x1;
	s9 =	sadd.s32 s7, s5  }
0x10: {  	s5 =	sadd.s32 s6, s7;
	s7 =	sadd.s32 s30, s2;
	s12 =	sadd.s32 s16, s12  }
0x11: {  	s13 =	sadd.s32 s16, s13;
	s15 =	sadd.s32 s16, s15;
	s6 =	sadd.s32 $0x2D200, s9  }
0x12: {  	s9 =	sadd.s32 s14, s2;
	s14 =	sadd.s32 s18, s14;
	s18 =	sadd.s32 s18, s19  }
0x13: {  	s19 =	simm.s32 $0x2800;
	s14 =	sshrl.u32 s14, $0x3;
	s18 =	sshrl.u32 s18, $0x3  }
0x14: {  	v0 =	vimm.f32 $0.0e+00;
	s14 =	sadd.s32 s16, s14;
	s16 =	sadd.s32 s16, s18;
	s18 =	simm.s32 $0x2  }
.LBB2_1:
0x15: {  	[tilespmem:s3], [sflag:$0x2] =	stream.linear.gather [hbm4b:s5+s3], $0x2780, $0x38;
	[tilespmem:$0x1D000] =	vst v63  }
0x16: {  	_ =	swait.ge [sflag:s18], $0x2780  }
0x17: {  	[sflag:s18] =	ssyncset.done $0x0  }
0x18: {  	[sflag:s18] =	ssyncadd.s32 $0xFFFFD880  }
0x19: {  	[tilespmem:s19], [sflag:$0x2] =	stream.linear.gather [hbm4b:s6+s3], $0x2780, $0x38;
	[tilespmem:$0x1D000] =	vst v63  }
0x1a: {  	_ =	swait.ge [sflag:s18], $0x2780  }
0x1b: {  	[sflag:s18] =	ssyncset.done $0x0  }
0x1c: {  	s24 =	simm.s32 $0x0;
	s25 =	simm.s32 $0x200;
	[sflag:s18] =	ssyncadd.s32 $0xFFFFD880  }
.LBB2_2:
0x1d: {  	p0 =	sne.s32 s25, $0xFE00;
	[tilespmem:s24+$0x5070] =	vst v0  }
0x1e: {  	[tilespmem:s24+$0x5000] =	vst v0  }
0x1f: {  	[tilespmem:s24+$0x5010] =	vst v0  }
.Ltmp0:
0x20: {  	[tilespmem:s24+$0x5020] =	vst v0;
	(pc) =	sbr.rel @p0 .LBB2_2-.Ltmp0, $4  }
0x21: {  	[tilespmem:s24+$0x5030] =	vst v0  }
0x22: {  	[tilespmem:s24+$0x5040] =	vst v0  }
0x23: {  	[tilespmem:s24+$0x5050] =	vst v0  }
0x24: {  	[tilespmem:s24+$0x5060] =	vst v0;
	s24 =	sshra.s32 s25, $0x2;
	s25 =	sadd.s32 $0x200, s25  }
0x25: {  	[tilespmem:s24+$0x5070] =	vst v0  }
0x26: {  	[tilespmem:s24+$0x5000] =	vst v0  }
0x27: {  	[tilespmem:s24+$0x5010] =	vst v0  }
0x28: {  	[tilespmem:s24+$0x5020] =	vst v0  }
0x29: {  	[tilespmem:s24+$0x5030] =	vst v0  }
0x2a: {  	[tilespmem:s24+$0x5040] =	vst v0  }
0x2b: {  	[tilespmem:s24+$0x5050] =	vst v0  }
0x2c: {  	[tilespmem:s24+$0x5060] =	vst v0  }
0x2d: {  	[spmem:s7] =	stream.linear.scatter [tilespmem:s20], [sflag:$0x2], $0x4000, $0x38;
	[tilespmem:$0x1D000] =	vst v63  }
0x2e: {  	_ =	swait.ge [sflag:s18], $0x4000  }
0x2f: {  	[sflag:s18] =	ssyncset.done $0x0  }
0x30: {  	[sflag:s18] =	ssyncadd.s32 $0xFFFFC000  }
0x31: {  	[spmem:s8] =	stream.linear.scatter [tilespmem:s20], [sflag:$0x2], $0x4000, $0x38;
	[tilespmem:$0x1D000] =	vst v63  }
0x32: {  	_ =	swait.ge [sflag:s18], $0x4000  }
0x33: {  	[sflag:s18] =	ssyncset.done $0x0  }
0x34: {  	[sflag:s18] =	ssyncadd.s32 $0xFFFFC000  }
0x35: {  	[spmem:s9] =	stream.linear.scatter [tilespmem:s20], [sflag:$0x2], $0x4000, $0x38;
	[tilespmem:$0x1D000] =	vst v63  }
0x36: {  	_ =	swait.ge [sflag:s18], $0x4000  }
0x37: {  	[sflag:s18] =	ssyncset.done $0x0  }
0x38: {  	[sflag:s18] =	ssyncadd.s32 $0xFFFFC000  }
0x39: {  	[spmem:s10] =	stream.linear.scatter [tilespmem:s20], [sflag:$0x2], $0x4000, $0x38;
	[tilespmem:$0x1D000] =	vst v63  }
0x3a: {  	_ =	swait.ge [sflag:s18], $0x4000  }
0x3b: {  	[sflag:s18] =	ssyncset.done $0x0  }
0x3c: {  	[sflag:s18] =	ssyncadd.s32 $0xFFFFC000  }
0x3d: {  	[spmem:s11] =	stream.linear.scatter [tilespmem:s20], [sflag:$0x2], $0x4000, $0x38;
	[tilespmem:$0x1D000] =	vst v63  }
0x3e: {  	_ =	swait.ge [sflag:s18], $0x4000  }
0x3f: {  	[sflag:s18] =	ssyncset.done $0x0  }
0x40: {  	[sflag:s18] =	ssyncadd.s32 $0xFFFFC000  }
0x41: {  	s30 =	simm.s32 $0x0;
	[bflag:$0x0] =	sbarrier.arrive $0xFFFF  }
0x42: {  	[tilespmem:s20], [sflag:$0x1] =	stream.indirect.gather [hbm4b:s4+s21], $0x80, s30, s21, $0xb8;
	[tilespmem:$0x1D000] =	vst v63  }
0x43: {  	_ =	swait.ge [sflag:s22], $0x4000  }
0x44: {  	[sflag:s22] =	ssyncset.done $0x0  }
0x45: {  	s31 =	simm.s32 $0x2800;
	[sflag:s22] =	ssyncadd.s32 $0xFFFFC000  }
0x46: {  	[spmem:s2] =	stream.indirect.scatter.add.f32 [tilespmem:s20], [sflag:$0x2], $0x80, s31, s21, $0xb8;
	[tilespmem:$0x1D000] =	vst v63  }
0x47: {  	_ =	swait.ge [sflag:s18], $0x4000  }
0x48: {  	s24 =	simm.s32 $0x200;
	s25 =	simm.s32 $0x400;
	[sflag:s18] =	ssyncset.done $0x0  }
.LBB2_4:
0x49: {  	s26 =	sshra.s32 s24, $0x2  }
0x4a: {  	[sflag:s18] =	ssyncadd.s32 $0xFFFFC000;
	s24 =	smov.u32 s25;
	s28 =	sadd.s32 $0x200, s25  }
0x4b: {  	[tilespmem:s20], [sflag:$0x1] =	stream.indirect.gather [hbm4b:s4+s21], $0x80, s26, s21, $0xb8;
	[tilespmem:$0x1D000] =	vst v63  }
0x4c: {  	p0 =	sne.s32 s25, $0x9C00;
	_ =	swait.ge [sflag:s22], $0x4000  }
.Ltmp1:
0x4d: {  	[sflag:s22] =	ssyncset.done $0x0;
	(pc) =	sbr.rel @p0 .LBB2_4-.Ltmp1, $4  }
0x4e: {  	s25 =	sadd.s32 $0x2800, s26;
	[sflag:s22] =	ssyncadd.s32 $0xFFFFC000  }
0x4f: {  	[spmem:s2] =	stream.indirect.scatter.add.f32 [tilespmem:s20], [sflag:$0x2], $0x80, s25, s21, $0xb8;
	[tilespmem:$0x1D000] =	vst v63  }
0x50: {  	_ =	swait.ge [sflag:s18], $0x4000  }
0x51: {  	s25 =	smov.u32 s28;
	[sflag:s18] =	ssyncset.done $0x0  }
0x52: {  	s24 =	sshra.s32 s24, $0x2;
	[sflag:s18] =	ssyncadd.s32 $0xFFFFC000  }
0x53: {  	[tilespmem:s20], [sflag:$0x1] =	stream.indirect.gather [hbm4b:s4+s21], $0x80, s24, s21, $0xb8;
	[tilespmem:$0x1D000] =	vst v63  }
0x54: {  	_ =	swait.ge [sflag:s22], $0x4000  }
0x55: {  	[sflag:s22] =	ssyncset.done $0x0  }
0x56: {  	s24 =	sadd.s32 $0x2800, s24;
	[sflag:s22] =	ssyncadd.s32 $0xFFFFC000  }
0x57: {  	[spmem:s2] =	stream.indirect.scatter.add.f32 [tilespmem:s20], [sflag:$0x2], $0x80, s24, s21, $0xb8;
	[tilespmem:$0x1D000] =	vst v63  }
0x58: {  	_ =	swait.ge [sflag:s18], $0x4000  }
0x59: {  	[sflag:s18] =	ssyncset.done $0x0  }
0x5a: {  	s26 =	sshll.u32 s1, $0x6;
	[sflag:s18] =	ssyncadd.s32 $0xFFFFC000  }
0x5b: {  	s25 =	sshrl.u32 s7, $0x3;
	s24 =	sor.u32 $0x1C02, s26;
	[bflag:$0x0] =	sbarrier.arrive $0xFFFF  }
0x5c: {  	[hbm:s12], [sflag:s24] =	dma.local [spmem:s25], $0x800  }
0x5d: {  	_ =	swait.ge [sflag:s18], $0x800  }
0x5e: {  	[sflag:s18] =	ssyncset.done $0x0  }
0x5f: {  	s28 =	sshrl.u32 s8, $0x3;
	[sflag:s18] =	ssyncadd.s32 $0xFFFFF800  }
0x60: {  	[hbm:s13], [sflag:s24] =	dma.local [spmem:s28], $0x800  }
0x61: {  	_ =	swait.ge [sflag:s18], $0x800  }
0x62: {  	[sflag:s18] =	ssyncset.done $0x0  }
0x63: {  	s29 =	sshrl.u32 s9, $0x3;
	[sflag:s18] =	ssyncadd.s32 $0xFFFFF800  }
0x64: {  	[hbm:s14], [sflag:s24] =	dma.local [spmem:s29], $0x800  }
0x65: {  	_ =	swait.ge [sflag:s18], $0x800  }
0x66: {  	[sflag:s18] =	ssyncset.done $0x0  }
0x67: {  	s30 =	sshrl.u32 s10, $0x3;
	[sflag:s18] =	ssyncadd.s32 $0xFFFFF800  }
0x68: {  	[hbm:s15], [sflag:s24] =	dma.local [spmem:s30], $0x800  }
0x69: {  	s23 =	sadd.s32 $0x1, s23;
	_ =	swait.ge [sflag:s18], $0x800  }
0x6a: {  	p0 =	sne.s32 s23, s17;
	[sflag:s18] =	ssyncset.done $0x0  }
.Ltmp2:
0x6b: {  	s31 =	sshrl.u32 s11, $0x3;
	[sflag:s18] =	ssyncadd.s32 $0xFFFFF800;
	(pc) =	sbr.rel @p0 .LBB2_1-.Ltmp2, $4  }
0x6c: {  	[hbm:s16], [sflag:s24] =	dma.local [spmem:s31], $0x800  }
0x6d: {  	_ =	swait.ge [sflag:s18], $0x800  }
0x6e: {  	[sflag:s18] =	ssyncset.done $0x0  }
0x6f: {  	[sflag:s18] =	ssyncadd.s32 $0xFFFFF800  }
0x70: {  	_ =	sfence.sel $0x180000  }
0x71: {  	[bflag:$0x0] =	sbarrier.arrive $0xFFFF  }
0x72: {  	p0 =	sne.s32 s1, $0x0;
	_ =	strace $0x9000004A  }
0x73: {  	s0 =	sadd.s32 @!p0 $0x100000, s0;
	[bflag:$0x2] =	sbarrier.arrive $0xFFFF  }
0x74: {  	[sflag:s0] =	ssyncadd.tile.s32 @!p0 $0x1;
	_ =	shalt  }
.Lfunc_end2:
_tile_overlayer_lowered:
.L_overlay_start_2:
0x75: {  	(tag) =	ssettag $0x2  }
0x76: {  	s0 =	rddreg [dreg:$0x0];
	s2 =	stileid.u32  }
0x77: {  	s1 =	rddreg [dreg:$0x1];
	p0 =	sne.s32 s2, $0x0  }
0x78: {  	s3 =	rddreg [dreg:$0x2];
	[bflag:$0x3] =	sbarrier.arrive $0xFFFF;
	s2 =	simm.s32 @!p0 $0x1C02  }
0x79: {  	[timem:s3], [sflag:s2] =	dma.local @!p0 [hbm:s0], s1  }
0x7a: {  	s0 =	simm.s32 @!p0 $0x2  }
0x7b: {  	_ =	swait.ge @!p0 [sflag:s0], s1  }
0x7c: {  	s1 =	ssub.s32 @!p0 $0x0, s1;
	[sflag:s0] =	ssyncset.done @!p0 $0x0  }
0x7d: {  	[sflag:s0] =	ssyncadd.s32 @!p0 s1  }
0x7e: {  	[bflag:$0x3] =	sbarrier.arrive $0xFFFF  }
0x7f: {  	_ =	shalt  }

// kernel: kernel.15.cloned.1.call-start
scs
__scs_entry_jumppad:
0x0: {  	(pc) =	sbr.rel $0x88, $3  }
0x1: {  	(tag) =	ssettag $0x0;
	lr =	simm.s32 $0x1  }
0x2: {  	[smem:$0x3F96] =	sst lr;
	_ =	strace $0xD0000000  }
0x3: {  	_ = 	snop  }
0x4: {  	_ = 	snop  }
0x5: {  	_ = 	snop  }
0x6: {  	_ = 	snop  }
0x7: {  	_ = 	snop  }
__scs_overlays_trampoline_lowered:
0x8: {  	[smem:$0x3FA5] =	sst s0  }
0x9: {  	[smem:$0x3FA6] =	sst s1  }
0xa: {  	[smem:$0x3FA7] =	sst s2  }
0xb: {  	[smem:$0x3FA8] =	sst s3  }
0xc: {  	[smem:$0x3FA9] =	sst s4  }
0xd: {  	[smem:$0x3FAA] =	sst s5  }
0xe: {  	[smem:$0x3FAB] =	sst s6  }
0xf: {  	[smem:$0x3FAC] =	sst s7  }
0x10: {  	[smem:$0x3FAD] =	sst s8  }
0x11: {  	[smem:$0x3FAE] =	sst s9;
	s0 =	simm.s32 @!p0 $0x0  }
0x12: {  	s1 =	sld [smem:$0x3F94];
	s0 =	simm.s32 @p0 $0x1  }
0x13: {  	[smem:$0x3FAF] =	sst s0;
	s0 =	simm.s32 @!p1 $0x0  }
0x14: {  	s2 =	sld [smem:$0x3F93];
	s0 =	simm.s32 @p1 $0x1  }
0x15: {  	[smem:$0x3FB0] =	sst s0;
	s0 =	simm.s32 @!p2 $0x0  }
0x16: {  	s3 =	sld [smem:$0x3FDB];
	s0 =	simm.s32 @p2 $0x1  }
0x17: {  	s4 =	simm.s32 $0x1BF5;
	[smem:$0x3FB2] =	sst s0  }
0x18: {  	s0 =	sld [smem:$0x3F95];
	_ =	swait.ge [sflag:s4], $0x0  }
0x19: {  	s7 =	sld [smem:$0x3F96]  }
0x1a: {  	s8 =	sadd.s32 $0xFFFFE003, lr  }
0x1b: {  	s9 =	sadd.s32 $0xFFFFFEF7, lr;
	s5 =	simm.s32 $0xFFFFFFFF;
	p2 =	slt.u32 s8, $0xFFFFF086  }
0x1c: {  	p1 =	slt.u32 s9, $0xF7A;
	s5 =	simm.s32 @!p2 $0x0  }
0x1d: {  	s5 =	simm.s32 @p1 $0x1;
	p0 =	seq.s32 s7, s2  }
0x1e: {  	s7 =	smul.u32 @!p0 $0xF7A, s2;
	p2 =	seq.s32 @!p0 s5, $0x0  }
0x1f: {  	s9 =	smul.u32 $0xF7A, s1;
	s8 =	simm.s32 @!p0 $0x1BF5;
	p2 =	por !p2, p0  }
0x20: {  	[sflag:s8] =	ssyncset.s32 @!p0 $0xFFFFF086;
	s6 =	sadd.s32 @!p0 s3, s7;
	s7 =	simm.s32 @!p0 $0x108  }
0x21: {  	s3 =	sadd.s32 s3, s9;
	s6 =	sadd.s32 @!p0 $0x88, s6;
	s7 =	simm.s32 @p2 $0x1082  }
0x22: {  	[simem:s7], [sflag:s8] =	dma.local @!p0 [hbm:s6], $0xF7A  }
0x23: {  	s9 =	sor.u32 $0xD0000000, s2;
	s6 =	simm.s32 $0x108;
	_ =	swait.ge @!p0 [sflag:s8], $0x0  }
0x24: {  	s3 =	sadd.s32 $0x88, s3;
	s6 =	simm.s32 @!p1 $0x1082;
	[sflag:s4] =	ssyncset.s32 $0xFFFFF086  }
0x25: {  	[simem:s6], [sflag:s4] =	dma.local [hbm:s3], $0xF7A  }
0x26: {  	[smem:$0x3F96] =	sst s1;
	(tag) =	ssettag s2;
	_ =	strace s9  }
0x27: {  	s1 =	sld [smem:$0x3FA6]  }
0x28: {  	s2 =	sld [smem:$0x3FA7]  }
0x29: {  	s4 =	sld [smem:$0x3FA9]  }
0x2a: {  	p0 =	seq.s32 s5, $0x0;
	s5 =	sld [smem:$0x3FAA]  }
0x2b: {  	s6 =	sld [smem:$0x3FAB]  }
0x2c: {  	s7 =	sld [smem:$0x3FAC]  }
0x2d: {  	s3 =	simm.s32 $0x108;
	s8 =	sld [smem:$0x3FAD]  }
0x2e: {  	s3 =	simm.s32 @!p0 $0x1082;
	s9 =	sld [smem:$0x3FAE]  }
0x2f: {  	lr =	sadd.s32 s0, s3;
	s0 =	sld [smem:$0x3FA5]  }
0x30: {  	s3 =	sld [smem:$0x3FA8]  }
0x31: {  	[smem:$0x3FB1] =	sst s10  }
0x32: {  	s10 =	sld [smem:$0x3FAF];
	_ =	sdelay $0x3  }
0x33: {  	p0 =	seq.s32 s10, $0x1;
	s10 =	sld [smem:$0x3FB1];
	_ =	sdelay $0x3  }
0x34: {  	[smem:$0x3FB1] =	sst s10  }
0x35: {  	s10 =	sld [smem:$0x3FB0];
	_ =	sdelay $0x3  }
0x36: {  	p1 =	seq.s32 s10, $0x1;
	s10 =	sld [smem:$0x3FB1];
	_ =	sdelay $0x3  }
0x37: {  	[smem:$0x3FB1] =	sst s10  }
0x38: {  	s10 =	sld [smem:$0x3FB2]  }
0x39: {  	_ = 	snop;
	(pc) =	sbr.ind lr, $3  }
0x3a: {  	_ = 	snop  }
0x3b: {  	_ = 	snop  }
0x3c: {  	p2 =	seq.s32 s10, $0x1;
	s10 =	sld [smem:$0x3FB1]  }
0x3d: {  	_ =	shalt  }
0x3e: {  	_ =	shalt  }
0x3f: {  	_ =	shalt  }
0x40: {  	_ =	shalt  }
0x41: {  	_ =	shalt  }
0x42: {  	_ =	shalt  }
0x43: {  	_ =	shalt  }
0x44: {  	_ =	shalt  }
0x45: {  	_ =	shalt  }
0x46: {  	_ =	shalt  }
0x47: {  	_ =	shalt  }
0x48: {  	_ =	shalt  }
0x49: {  	_ =	shalt  }
0x4a: {  	_ =	shalt  }
0x4b: {  	_ =	shalt  }
0x4c: {  	_ =	shalt  }
0x4d: {  	_ =	shalt  }
0x4e: {  	_ =	shalt  }
0x4f: {  	_ =	shalt  }
0x50: {  	_ =	shalt  }
0x51: {  	_ =	shalt  }
0x52: {  	_ =	shalt  }
0x53: {  	_ =	shalt  }
0x54: {  	_ =	shalt  }
0x55: {  	_ =	shalt  }
0x56: {  	_ =	shalt  }
0x57: {  	_ =	shalt  }
0x58: {  	_ =	shalt  }
0x59: {  	_ =	shalt  }
0x5a: {  	_ =	shalt  }
0x5b: {  	_ =	shalt  }
0x5c: {  	_ =	shalt  }
0x5d: {  	_ =	shalt  }
0x5e: {  	_ =	shalt  }
0x5f: {  	_ =	shalt  }
0x60: {  	_ =	shalt  }
0x61: {  	_ =	shalt  }
0x62: {  	_ =	shalt  }
0x63: {  	_ =	shalt  }
0x64: {  	_ =	shalt  }
0x65: {  	_ =	shalt  }
0x66: {  	_ =	shalt  }
0x67: {  	_ =	shalt  }
0x68: {  	_ =	shalt  }
0x69: {  	_ =	shalt  }
0x6a: {  	_ =	shalt  }
0x6b: {  	_ =	shalt  }
0x6c: {  	_ =	shalt  }
0x6d: {  	_ =	shalt  }
0x6e: {  	_ =	shalt  }
0x6f: {  	_ =	shalt  }
0x70: {  	_ =	shalt  }
0x71: {  	_ =	shalt  }
0x72: {  	_ =	shalt  }
0x73: {  	_ =	shalt  }
0x74: {  	_ =	shalt  }
0x75: {  	_ =	shalt  }
0x76: {  	_ =	shalt  }
0x77: {  	_ =	shalt  }
0x78: {  	_ =	shalt  }
0x79: {  	_ =	shalt  }
0x7a: {  	_ =	shalt  }
0x7b: {  	_ =	shalt  }
0x7c: {  	_ =	shalt  }
0x7d: {  	_ =	shalt  }
0x7e: {  	_ =	shalt  }
0x7f: {  	_ =	shalt  }
0x80: {  	_ =	shalt  }
0x81: {  	_ =	shalt  }
0x82: {  	_ =	shalt  }
0x83: {  	_ =	shalt  }
0x84: {  	_ =	shalt  }
0x85: {  	_ =	shalt  }
0x86: {  	_ =	shalt  }
0x87: {  	_ =	shalt  }
.Lfunc_end0:
.L_simem_size_0:
called_computation.2_lowered:
.L_overlay_start_0:
0x88: {  	s2 =	sld [smem:$0x3FD9]  }
0x89: {  	s3 =	sld [smem:$0x3FFE];
	_ =	sdelay $0x1  }
0x8a: {  	s1 =	srdreg.scid  }
0x8b: {  	s0 =	sand.u32 $0x1, s1  }
0x8c: {  	s14 =	sshll.u32 s0, $0xA;
	s2 =	sadd.s32 s3, s2  }
0x8d: {  	s2 =	sadd.s32 s2, s14  }
0x8e: {  	[smem:$0x3FBD] =	sst s2  }
0x8f: {  	_ = 	snop  }
0x90: {  	s2 =	sld [smem:$0x3FD0];
	_ =	sdelay $0x2  }
0x91: {  	s15 =	simm.s32 $0xA;
	s4 =	simm.s32 $0x10  }
0x92: {  	[smem:s4], [sflag:s15] =	dma.local [hbm:s2], $0x1  }
0x93: {  	_ =	swait.eq [sflag:s15], $0x1  }
0x94: {  	[sflag:s15] =	ssyncset.done $0x0  }
0x95: {  	[sflag:s15] =	ssyncadd.s32 $0xFFFFFFFF  }
0x96: {  	s16 =	sld [smem:$0x11];
	(tm) =	ssettm $0x1  }
0x97: {  	s17 =	sld [smem:$0x3FFB];
	_ =	sdelay $0x3  }
0x98: {  	_ =	strace s17  }
0x99: {  	s3 =	sld [smem:$0x3FFC];
	_ =	sdelay $0x3  }
0x9a: {  	_ =	strace s3  }
0x9b: {  	s3 =	sld [smem:$0x3FFD];
	_ =	sdelay $0x3  }
0x9c: {  	_ =	strace s3  }
0x9d: {  	_ =	strace $0x8FFFFFFF  }
0x9e: {  	s18 =	sld [smem:$0x3FDB];
	_ =	sdelay $0x1  }
0x9f: {  	s19 =	simm.s32 $_scs_section_size  }
0xa0: {  	s5 =	simm.s32 $_size__tile_overlayer_lowered;
	s6 =	simm.s32 $_tile_overlayer_lowered  }
0xa1: {  	s22 =	simm.s32 $0x1BFF;
	s21 =	sshll.u32 s6, $0x1;
	s3 =	sadd.s32 s19, s18  }
0xa2: {  	s7 =	simm.s32 $0x0;
	s20 =	sshll.u32 s5, $0x1;
	s5 =	sadd.s32 s21, s3  }
0xa3: {  	[timem:s7], [sflag:s22] =	dma.local [hbm:s5], s20  }
0xa4: {  	_ =	swait.ge [sflag:s22], s20  }
0xa5: {  	s4 =	ssub.s32 $0x0, s20;
	[sflag:s22] =	ssyncset.done $0x0  }
0xa6: {  	[sflag:s22] =	ssyncadd.s32 s4;
	_ =	sdelay $0x1  }
0xa7: {  	s23 =	simm.s32 $0x1B8B  }
0xa8: {  	_ =	swait.ge [sflag:s23], $0x1  }
0xa9: {  	[sflag:s23] =	ssyncset.done $0x0  }
0xaa: {  	s25 =	simm.s32 $0x1B8E;
	s24 =	sld [smem:$0x3FFE];
	[sflag:s23] =	ssyncadd.s32 $0xFFFFFFFF  }
0xab: {  	s26 =	simm.s32 $execute0_lowered;
	[smem:$0x3FD2] =	sst s25  }
0xac: {  	s5 =	sshll.u32 s26, $0x1;
	_ =	strace $0x8000004C;
	[dreg:$0x1] =	wrdreg $0xFFFFFFFF  }
0xad: {  	s28 =	simm.s32 $_size_execute0_lowered;
	s3 =	sadd.s32 s3, s5;
	[dreg:$0x0] =	wrdreg $0x0  }
0xae: {  	s5 =	sshll.u32 s28, $0x1;
	[dreg:$0x2] =	wrdreg s3  }
0xaf: {  	[dreg:$0x3] =	wrdreg s5  }
0xb0: {  	[dreg:$0x4] =	wrdreg $0xC0  }
0xb1: {  	_ =	task [dreg:s7], $0x5FFFF  }
0xb2: {  	[dreg:$0x1] =	wrdreg $0xFFFFFFFF  }
0xb3: {  	[dreg:$0x0] =	wrdreg $0x60  }
0xb4: {  	[dreg:$0x2] =	wrdreg s24  }
0xb5: {  	[dreg:$0x3] =	wrdreg s16  }
0xb6: {  	[dreg:$0x4] =	wrdreg $0x90000  }
0xb7: {  	[dreg:$0x5] =	wrdreg $0x9  }
0xb8: {  	_ =	task.clear_ibuf [dreg:s7], $0x6FFFF;
	_ =	strace $0x9000004C  }
0xb9: {  	s29 =	simm.s32 $0x9;
	_ =	strace $0x8000004E  }
0xba: {  	_ =	swait.ge [sflag:s29], $0x1  }
0xbb: {  	[sflag:s29] =	ssyncadd.s32 $0xFFFFFFFF  }
0xbc: {  	_ =	strace $0x9000004E  }
0xbd: {  	_ =	sfence  }
0xbe: {  	s30 =	sld [smem:$0x0];
	_ =	sdelay $0x2  }
0xbf: {  	s31 =	sshll.u32 s1, $0xD;
	s1 =	sshrl.u32 s1, $0x2  }
0xc0: {  	s3 =	sand.u32 $0x4000, s31;
	s1 =	sadd.s32 s1, s30  }
0xc1: {  	s0 =	sor.u32 s3, s0;
	s1 =	sshll.u32 s1, $0x11  }
0xc2: {  	s0 =	sor.u32 s1, s0  }
0xc3: {  	s0 =	sadd.s32 $0x8F2B, s0  }
0xc4: {  	[sflag:s0] =	ssyncadd.remote.s32 $0x1  }
0xc5: {  	_ =	sfence.sel $0xFFFF  }
0xc6: {  	[dreg:$0x0] =	wrdreg $0xFFFFFFFF;
	(pc) =	sbr.abs _section_cstart, $3  }
0xc7: {  	[dreg:$0x1] =	wrdreg $0xFFFFFFFF  }
0xc8: {  	_ =	task.clear_ibuf [dreg:s7], $0x2FFFF;
	_ =	strace $0x9FFFFFFF  }
0xc9: {  	(tm) =	ssettm $0x7FFFFFFF  }
tec
execute0_lowered:
.L_overlay_start_1:
0x0: {  	(tag) =	ssettag $0x1  }
0x1: {  	s5 =	rddreg [dreg:$0x0]  }
0x2: {  	s0 =	srdreg.scid;
	s6 =	rddreg [dreg:$0x1]  }
0x3: {  	s2 =	rddreg [dreg:$0x2];
	s1 =	stileid.u32  }
0x4: {  	s3 =	simm.s32 $0x0;
	s20 =	simm.s32 $0x5000;
	s21 =	simm.s32 $0x80  }
0x5: {  	s22 =	simm.s32 $0x1;
	s8 =	sand.u32 $0x1, s0;
	s0 =	rddreg [dreg:$0x3]  }
0x6: {  	s23 =	simm.s32 $0x0;
	[smem:$0x7FF] =	sst s3;
	s11 =	smul.u32 $0x50000, s1  }
0x7: {  	s16 =	sadd.s32 $0x37200, s5;
	s12 =	smul.u32 $0x14000, s1;
	s4 =	sshll.u32 s8, $0x4  }
0x8: {  	_ =	strace $0x8000004D;
	s10 =	ssub.s32 $0x2, s8;
	s18 =	smul.u32 $0x140000, s8  }
0x9: {  	s4 =	sor.u32 s1, s4;
	s29 =	sshrl.u32 s10, $0x1;
	s30 =	sshrl.u32 s11, $0x2  }
0xa: {  	s31 =	sadd.s32 $0x4000, s12;
	s14 =	sadd.s32 $0x8000, s12;
	s15 =	sadd.s32 $0xC000, s12  }
0xb: {  	s19 =	sadd.s32 $0x10000, s12;
	s7 =	smul.u32 $0x500, s4;
	s4 =	sadd.s32 $0x4000, s5  }
0xc: {  	s17 =	ssub.s32 s10, s29;
	s8 =	sadd.s32 s31, s2;
	s10 =	sadd.s32 s15, s2  }
0xd: {  	s12 =	sadd.s32 s12, s18;
	s13 =	sadd.s32 s18, s31;
	s11 =	sadd.s32 s19, s2  }
0xe: {  	s15 =	sadd.s32 s18, s15;
	s12 =	sshrl.u32 s12, $0x3;
	s13 =	sshrl.u32 s13, $0x3  }
0xf: {  	s15 =	sshrl.u32 s15, $0x3;
	s17 =	smax.u32 s17, $0x1;
	s9 =	sadd.s32 s7, s5  }
0x10: {  	s5 =	sadd.s32 s6, s7;
	s7 =	sadd.s32 s30, s2;
	s12 =	sadd.s32 s16, s12  }
0x11: {  	s13 =	sadd.s32 s16, s13;
	s15 =	sadd.s32 s16, s15;
	s6 =	sadd.s32 $0x2D200, s9  }
0x12: {  	s9 =	sadd.s32 s14, s2;
	s14 =	sadd.s32 s18, s14;
	s18 =	sadd.s32 s18, s19  }
0x13: {  	s19 =	simm.s32 $0x2800;
	s14 =	sshrl.u32 s14, $0x3;
	s18 =	sshrl.u32 s18, $0x3  }
0x14: {  	v0 =	vimm.f32 $0.0e+00;
	s14 =	sadd.s32 s16, s14;
	s16 =	sadd.s32 s16, s18;
	s18 =	simm.s32 $0x2  }
.LBB2_1:
0x15: {  	[tilespmem:s3], [sflag:$0x2] =	stream.linear.gather [hbm4b:s5+s3], $0x2780, $0x38;
	[tilespmem:$0x1D000] =	vst v63  }
0x16: {  	_ =	swait.ge [sflag:s18], $0x2780  }
0x17: {  	[sflag:s18] =	ssyncset.done $0x0  }
0x18: {  	[sflag:s18] =	ssyncadd.s32 $0xFFFFD880  }
0x19: {  	[tilespmem:s19], [sflag:$0x2] =	stream.linear.gather [hbm4b:s6+s3], $0x2780, $0x38;
	[tilespmem:$0x1D000] =	vst v63  }
0x1a: {  	_ =	swait.ge [sflag:s18], $0x2780  }
0x1b: {  	[sflag:s18] =	ssyncset.done $0x0  }
0x1c: {  	s24 =	simm.s32 $0x0;
	s25 =	simm.s32 $0x200;
	[sflag:s18] =	ssyncadd.s32 $0xFFFFD880  }
.LBB2_2:
0x1d: {  	p0 =	sne.s32 s25, $0xFE00;
	[tilespmem:s24+$0x5070] =	vst v0  }
0x1e: {  	[tilespmem:s24+$0x5000] =	vst v0  }
0x1f: {  	[tilespmem:s24+$0x5010] =	vst v0  }
.Ltmp0:
0x20: {  	[tilespmem:s24+$0x5020] =	vst v0;
	(pc) =	sbr.rel @p0 .LBB2_2-.Ltmp0, $4  }
0x21: {  	[tilespmem:s24+$0x5030] =	vst v0  }
0x22: {  	[tilespmem:s24+$0x5040] =	vst v0  }
0x23: {  	[tilespmem:s24+$0x5050] =	vst v0  }
0x24: {  	[tilespmem:s24+$0x5060] =	vst v0;
	s24 =	sshra.s32 s25, $0x2;
	s25 =	sadd.s32 $0x200, s25  }
0x25: {  	[tilespmem:s24+$0x5070] =	vst v0  }
0x26: {  	[tilespmem:s24+$0x5000] =	vst v0  }
0x27: {  	[tilespmem:s24+$0x5010] =	vst v0  }
0x28: {  	[tilespmem:s24+$0x5020] =	vst v0  }
0x29: {  	[tilespmem:s24+$0x5030] =	vst v0  }
0x2a: {  	[tilespmem:s24+$0x5040] =	vst v0  }
0x2b: {  	[tilespmem:s24+$0x5050] =	vst v0  }
0x2c: {  	[tilespmem:s24+$0x5060] =	vst v0  }
0x2d: {  	[spmem:s7] =	stream.linear.scatter [tilespmem:s20], [sflag:$0x2], $0x4000, $0x38;
	[tilespmem:$0x1D000] =	vst v63  }
0x2e: {  	_ =	swait.ge [sflag:s18], $0x4000  }
0x2f: {  	[sflag:s18] =	ssyncset.done $0x0  }
0x30: {  	[sflag:s18] =	ssyncadd.s32 $0xFFFFC000  }
0x31: {  	[spmem:s8] =	stream.linear.scatter [tilespmem:s20], [sflag:$0x2], $0x4000, $0x38;
	[tilespmem:$0x1D000] =	vst v63  }
0x32: {  	_ =	swait.ge [sflag:s18], $0x4000  }
0x33: {  	[sflag:s18] =	ssyncset.done $0x0  }
0x34: {  	[sflag:s18] =	ssyncadd.s32 $0xFFFFC000  }
0x35: {  	[spmem:s9] =	stream.linear.scatter [tilespmem:s20], [sflag:$0x2], $0x4000, $0x38;
	[tilespmem:$0x1D000] =	vst v63  }
0x36: {  	_ =	swait.ge [sflag:s18], $0x4000  }
0x37: {  	[sflag:s18] =	ssyncset.done $0x0  }
0x38: {  	[sflag:s18] =	ssyncadd.s32 $0xFFFFC000  }
0x39: {  	[spmem:s10] =	stream.linear.scatter [tilespmem:s20], [sflag:$0x2], $0x4000, $0x38;
	[tilespmem:$0x1D000] =	vst v63  }
0x3a: {  	_ =	swait.ge [sflag:s18], $0x4000  }
0x3b: {  	[sflag:s18] =	ssyncset.done $0x0  }
0x3c: {  	[sflag:s18] =	ssyncadd.s32 $0xFFFFC000  }
0x3d: {  	[spmem:s11] =	stream.linear.scatter [tilespmem:s20], [sflag:$0x2], $0x4000, $0x38;
	[tilespmem:$0x1D000] =	vst v63  }
0x3e: {  	_ =	swait.ge [sflag:s18], $0x4000  }
0x3f: {  	[sflag:s18] =	ssyncset.done $0x0  }
0x40: {  	[sflag:s18] =	ssyncadd.s32 $0xFFFFC000  }
0x41: {  	s30 =	simm.s32 $0x0;
	[bflag:$0x0] =	sbarrier.arrive $0xFFFF  }
0x42: {  	[tilespmem:s20], [sflag:$0x1] =	stream.indirect.gather [hbm4b:s4+s21], $0x80, s30, s21, $0xb8;
	[tilespmem:$0x1D000] =	vst v63  }
0x43: {  	_ =	swait.ge [sflag:s22], $0x4000  }
0x44: {  	[sflag:s22] =	ssyncset.done $0x0  }
0x45: {  	s31 =	simm.s32 $0x2800;
	[sflag:s22] =	ssyncadd.s32 $0xFFFFC000  }
0x46: {  	[spmem:s2] =	stream.indirect.scatter.add.f32 [tilespmem:s20], [sflag:$0x2], $0x80, s31, s21, $0xb8;
	[tilespmem:$0x1D000] =	vst v63  }
0x47: {  	_ =	swait.ge [sflag:s18], $0x4000  }
0x48: {  	s24 =	simm.s32 $0x200;
	s25 =	simm.s32 $0x400;
	[sflag:s18] =	ssyncset.done $0x0  }
.LBB2_4:
0x49: {  	s26 =	sshra.s32 s24, $0x2  }
0x4a: {  	[sflag:s18] =	ssyncadd.s32 $0xFFFFC000;
	s24 =	smov.u32 s25;
	s28 =	sadd.s32 $0x200, s25  }
0x4b: {  	[tilespmem:s20], [sflag:$0x1] =	stream.indirect.gather [hbm4b:s4+s21], $0x80, s26, s21, $0xb8;
	[tilespmem:$0x1D000] =	vst v63  }
0x4c: {  	p0 =	sne.s32 s25, $0x9C00;
	_ =	swait.ge [sflag:s22], $0x4000  }
.Ltmp1:
0x4d: {  	[sflag:s22] =	ssyncset.done $0x0;
	(pc) =	sbr.rel @p0 .LBB2_4-.Ltmp1, $4  }
0x4e: {  	s25 =	sadd.s32 $0x2800, s26;
	[sflag:s22] =	ssyncadd.s32 $0xFFFFC000  }
0x4f: {  	[spmem:s2] =	stream.indirect.scatter.add.f32 [tilespmem:s20], [sflag:$0x2], $0x80, s25, s21, $0xb8;
	[tilespmem:$0x1D000] =	vst v63  }
0x50: {  	_ =	swait.ge [sflag:s18], $0x4000  }
0x51: {  	s25 =	smov.u32 s28;
	[sflag:s18] =	ssyncset.done $0x0  }
0x52: {  	s24 =	sshra.s32 s24, $0x2;
	[sflag:s18] =	ssyncadd.s32 $0xFFFFC000  }
0x53: {  	[tilespmem:s20], [sflag:$0x1] =	stream.indirect.gather [hbm4b:s4+s21], $0x80, s24, s21, $0xb8;
	[tilespmem:$0x1D000] =	vst v63  }
0x54: {  	_ =	swait.ge [sflag:s22], $0x4000  }
0x55: {  	[sflag:s22] =	ssyncset.done $0x0  }
0x56: {  	s24 =	sadd.s32 $0x2800, s24;
	[sflag:s22] =	ssyncadd.s32 $0xFFFFC000  }
0x57: {  	[spmem:s2] =	stream.indirect.scatter.add.f32 [tilespmem:s20], [sflag:$0x2], $0x80, s24, s21, $0xb8;
	[tilespmem:$0x1D000] =	vst v63  }
0x58: {  	_ =	swait.ge [sflag:s18], $0x4000  }
0x59: {  	[sflag:s18] =	ssyncset.done $0x0  }
0x5a: {  	s26 =	sshll.u32 s1, $0x6;
	[sflag:s18] =	ssyncadd.s32 $0xFFFFC000  }
0x5b: {  	s25 =	sshrl.u32 s7, $0x3;
	s24 =	sor.u32 $0x1C02, s26;
	[bflag:$0x0] =	sbarrier.arrive $0xFFFF  }
0x5c: {  	[hbm:s12], [sflag:s24] =	dma.local [spmem:s25], $0x800  }
0x5d: {  	_ =	swait.ge [sflag:s18], $0x800  }
0x5e: {  	[sflag:s18] =	ssyncset.done $0x0  }
0x5f: {  	s28 =	sshrl.u32 s8, $0x3;
	[sflag:s18] =	ssyncadd.s32 $0xFFFFF800  }
0x60: {  	[hbm:s13], [sflag:s24] =	dma.local [spmem:s28], $0x800  }
0x61: {  	_ =	swait.ge [sflag:s18], $0x800  }
0x62: {  	[sflag:s18] =	ssyncset.done $0x0  }
0x63: {  	s29 =	sshrl.u32 s9, $0x3;
	[sflag:s18] =	ssyncadd.s32 $0xFFFFF800  }
0x64: {  	[hbm:s14], [sflag:s24] =	dma.local [spmem:s29], $0x800  }
0x65: {  	_ =	swait.ge [sflag:s18], $0x800  }
0x66: {  	[sflag:s18] =	ssyncset.done $0x0  }
0x67: {  	s30 =	sshrl.u32 s10, $0x3;
	[sflag:s18] =	ssyncadd.s32 $0xFFFFF800  }
0x68: {  	[hbm:s15], [sflag:s24] =	dma.local [spmem:s30], $0x800  }
0x69: {  	s23 =	sadd.s32 $0x1, s23;
	_ =	swait.ge [sflag:s18], $0x800  }
0x6a: {  	p0 =	sne.s32 s23, s17;
	[sflag:s18] =	ssyncset.done $0x0  }
.Ltmp2:
0x6b: {  	s31 =	sshrl.u32 s11, $0x3;
	[sflag:s18] =	ssyncadd.s32 $0xFFFFF800;
	(pc) =	sbr.rel @p0 .LBB2_1-.Ltmp2, $4  }
0x6c: {  	[hbm:s16], [sflag:s24] =	dma.local [spmem:s31], $0x800  }
0x6d: {  	_ =	swait.ge [sflag:s18], $0x800  }
0x6e: {  	[sflag:s18] =	ssyncset.done $0x0  }
0x6f: {  	[sflag:s18] =	ssyncadd.s32 $0xFFFFF800  }
0x70: {  	_ =	sfence.sel $0x180000  }
0x71: {  	[bflag:$0x0] =	sbarrier.arrive $0xFFFF  }
0x72: {  	p0 =	sne.s32 s1, $0x0;
	_ =	strace $0x9000004D  }
0x73: {  	s0 =	sadd.s32 @!p0 $0x100000, s0;
	[bflag:$0x2] =	sbarrier.arrive $0xFFFF  }
0x74: {  	[sflag:s0] =	ssyncadd.tile.s32 @!p0 $0x1;
	_ =	shalt  }
.Lfunc_end2:
_tile_overlayer_lowered:
.L_overlay_start_2:
0x75: {  	(tag) =	ssettag $0x2  }
0x76: {  	s0 =	rddreg [dreg:$0x0];
	s2 =	stileid.u32  }
0x77: {  	s1 =	rddreg [dreg:$0x1];
	p0 =	sne.s32 s2, $0x0  }
0x78: {  	s3 =	rddreg [dreg:$0x2];
	[bflag:$0x3] =	sbarrier.arrive $0xFFFF;
	s2 =	simm.s32 @!p0 $0x1C02  }
0x79: {  	[timem:s3], [sflag:s2] =	dma.local @!p0 [hbm:s0], s1  }
0x7a: {  	s0 =	simm.s32 @!p0 $0x2  }
0x7b: {  	_ =	swait.ge @!p0 [sflag:s0], s1  }
0x7c: {  	s1 =	ssub.s32 @!p0 $0x0, s1;
	[sflag:s0] =	ssyncset.done @!p0 $0x0  }
0x7d: {  	[sflag:s0] =	ssyncadd.s32 @!p0 s1  }
0x7e: {  	[bflag:$0x3] =	sbarrier.arrive $0xFFFF  }
0x7f: {  	_ =	shalt  }

// kernel: kernel.18.cloned.1.call-start
scs
__scs_entry_jumppad:
0x0: {  	(pc) =	sbr.rel $0x88, $3  }
0x1: {  	(tag) =	ssettag $0x0;
	lr =	simm.s32 $0x1  }
0x2: {  	[smem:$0x3F96] =	sst lr;
	_ =	strace $0xD0000000  }
0x3: {  	_ = 	snop  }
0x4: {  	_ = 	snop  }
0x5: {  	_ = 	snop  }
0x6: {  	_ = 	snop  }
0x7: {  	_ = 	snop  }
__scs_overlays_trampoline_lowered:
0x8: {  	[smem:$0x3FA5] =	sst s0  }
0x9: {  	[smem:$0x3FA6] =	sst s1  }
0xa: {  	[smem:$0x3FA7] =	sst s2  }
0xb: {  	[smem:$0x3FA8] =	sst s3  }
0xc: {  	[smem:$0x3FA9] =	sst s4  }
0xd: {  	[smem:$0x3FAA] =	sst s5  }
0xe: {  	[smem:$0x3FAB] =	sst s6  }
0xf: {  	[smem:$0x3FAC] =	sst s7  }
0x10: {  	[smem:$0x3FAD] =	sst s8  }
0x11: {  	[smem:$0x3FAE] =	sst s9;
	s0 =	simm.s32 @!p0 $0x0  }
0x12: {  	s1 =	sld [smem:$0x3F94];
	s0 =	simm.s32 @p0 $0x1  }
0x13: {  	[smem:$0x3FAF] =	sst s0;
	s0 =	simm.s32 @!p1 $0x0  }
0x14: {  	s2 =	sld [smem:$0x3F93];
	s0 =	simm.s32 @p1 $0x1  }
0x15: {  	[smem:$0x3FB0] =	sst s0;
	s0 =	simm.s32 @!p2 $0x0  }
0x16: {  	s3 =	sld [smem:$0x3FDB];
	s0 =	simm.s32 @p2 $0x1  }
0x17: {  	s4 =	simm.s32 $0x1BF5;
	[smem:$0x3FB2] =	sst s0  }
0x18: {  	s0 =	sld [smem:$0x3F95];
	_ =	swait.ge [sflag:s4], $0x0  }
0x19: {  	s7 =	sld [smem:$0x3F96]  }
0x1a: {  	s8 =	sadd.s32 $0xFFFFE003, lr  }
0x1b: {  	s9 =	sadd.s32 $0xFFFFFEF7, lr;
	s5 =	simm.s32 $0xFFFFFFFF;
	p2 =	slt.u32 s8, $0xFFFFF086  }
0x1c: {  	p1 =	slt.u32 s9, $0xF7A;
	s5 =	simm.s32 @!p2 $0x0  }
0x1d: {  	s5 =	simm.s32 @p1 $0x1;
	p0 =	seq.s32 s7, s2  }
0x1e: {  	s7 =	smul.u32 @!p0 $0xF7A, s2;
	p2 =	seq.s32 @!p0 s5, $0x0  }
0x1f: {  	s9 =	smul.u32 $0xF7A, s1;
	s8 =	simm.s32 @!p0 $0x1BF5;
	p2 =	por !p2, p0  }
0x20: {  	[sflag:s8] =	ssyncset.s32 @!p0 $0xFFFFF086;
	s6 =	sadd.s32 @!p0 s3, s7;
	s7 =	simm.s32 @!p0 $0x108  }
0x21: {  	s3 =	sadd.s32 s3, s9;
	s6 =	sadd.s32 @!p0 $0x88, s6;
	s7 =	simm.s32 @p2 $0x1082  }
0x22: {  	[simem:s7], [sflag:s8] =	dma.local @!p0 [hbm:s6], $0xF7A  }
0x23: {  	s9 =	sor.u32 $0xD0000000, s2;
	s6 =	simm.s32 $0x108;
	_ =	swait.ge @!p0 [sflag:s8], $0x0  }
0x24: {  	s3 =	sadd.s32 $0x88, s3;
	s6 =	simm.s32 @!p1 $0x1082;
	[sflag:s4] =	ssyncset.s32 $0xFFFFF086  }
0x25: {  	[simem:s6], [sflag:s4] =	dma.local [hbm:s3], $0xF7A  }
0x26: {  	[smem:$0x3F96] =	sst s1;
	(tag) =	ssettag s2;
	_ =	strace s9  }
0x27: {  	s1 =	sld [smem:$0x3FA6]  }
0x28: {  	s2 =	sld [smem:$0x3FA7]  }
0x29: {  	s4 =	sld [smem:$0x3FA9]  }
0x2a: {  	p0 =	seq.s32 s5, $0x0;
	s5 =	sld [smem:$0x3FAA]  }
0x2b: {  	s6 =	sld [smem:$0x3FAB]  }
0x2c: {  	s7 =	sld [smem:$0x3FAC]  }
0x2d: {  	s3 =	simm.s32 $0x108;
	s8 =	sld [smem:$0x3FAD]  }
0x2e: {  	s3 =	simm.s32 @!p0 $0x1082;
	s9 =	sld [smem:$0x3FAE]  }
0x2f: {  	lr =	sadd.s32 s0, s3;
	s0 =	sld [smem:$0x3FA5]  }
0x30: {  	s3 =	sld [smem:$0x3FA8]  }
0x31: {  	[smem:$0x3FB1] =	sst s10  }
0x32: {  	s10 =	sld [smem:$0x3FAF];
	_ =	sdelay $0x3  }
0x33: {  	p0 =	seq.s32 s10, $0x1;
	s10 =	sld [smem:$0x3FB1];
	_ =	sdelay $0x3  }
0x34: {  	[smem:$0x3FB1] =	sst s10  }
0x35: {  	s10 =	sld [smem:$0x3FB0];
	_ =	sdelay $0x3  }
0x36: {  	p1 =	seq.s32 s10, $0x1;
	s10 =	sld [smem:$0x3FB1];
	_ =	sdelay $0x3  }
0x37: {  	[smem:$0x3FB1] =	sst s10  }
0x38: {  	s10 =	sld [smem:$0x3FB2]  }
0x39: {  	_ = 	snop;
	(pc) =	sbr.ind lr, $3  }
0x3a: {  	_ = 	snop  }
0x3b: {  	_ = 	snop  }
0x3c: {  	p2 =	seq.s32 s10, $0x1;
	s10 =	sld [smem:$0x3FB1]  }
0x3d: {  	_ =	shalt  }
0x3e: {  	_ =	shalt  }
0x3f: {  	_ =	shalt  }
0x40: {  	_ =	shalt  }
0x41: {  	_ =	shalt  }
0x42: {  	_ =	shalt  }
0x43: {  	_ =	shalt  }
0x44: {  	_ =	shalt  }
0x45: {  	_ =	shalt  }
0x46: {  	_ =	shalt  }
0x47: {  	_ =	shalt  }
0x48: {  	_ =	shalt  }
0x49: {  	_ =	shalt  }
0x4a: {  	_ =	shalt  }
0x4b: {  	_ =	shalt  }
0x4c: {  	_ =	shalt  }
0x4d: {  	_ =	shalt  }
0x4e: {  	_ =	shalt  }
0x4f: {  	_ =	shalt  }
0x50: {  	_ =	shalt  }
0x51: {  	_ =	shalt  }
0x52: {  	_ =	shalt  }
0x53: {  	_ =	shalt  }
0x54: {  	_ =	shalt  }
0x55: {  	_ =	shalt  }
0x56: {  	_ =	shalt  }
0x57: {  	_ =	shalt  }
0x58: {  	_ =	shalt  }
0x59: {  	_ =	shalt  }
0x5a: {  	_ =	shalt  }
0x5b: {  	_ =	shalt  }
0x5c: {  	_ =	shalt  }
0x5d: {  	_ =	shalt  }
0x5e: {  	_ =	shalt  }
0x5f: {  	_ =	shalt  }
0x60: {  	_ =	shalt  }
0x61: {  	_ =	shalt  }
0x62: {  	_ =	shalt  }
0x63: {  	_ =	shalt  }
0x64: {  	_ =	shalt  }
0x65: {  	_ =	shalt  }
0x66: {  	_ =	shalt  }
0x67: {  	_ =	shalt  }
0x68: {  	_ =	shalt  }
0x69: {  	_ =	shalt  }
0x6a: {  	_ =	shalt  }
0x6b: {  	_ =	shalt  }
0x6c: {  	_ =	shalt  }
0x6d: {  	_ =	shalt  }
0x6e: {  	_ =	shalt  }
0x6f: {  	_ =	shalt  }
0x70: {  	_ =	shalt  }
0x71: {  	_ =	shalt  }
0x72: {  	_ =	shalt  }
0x73: {  	_ =	shalt  }
0x74: {  	_ =	shalt  }
0x75: {  	_ =	shalt  }
0x76: {  	_ =	shalt  }
0x77: {  	_ =	shalt  }
0x78: {  	_ =	shalt  }
0x79: {  	_ =	shalt  }
0x7a: {  	_ =	shalt  }
0x7b: {  	_ =	shalt  }
0x7c: {  	_ =	shalt  }
0x7d: {  	_ =	shalt  }
0x7e: {  	_ =	shalt  }
0x7f: {  	_ =	shalt  }
0x80: {  	_ =	shalt  }
0x81: {  	_ =	shalt  }
0x82: {  	_ =	shalt  }
0x83: {  	_ =	shalt  }
0x84: {  	_ =	shalt  }
0x85: {  	_ =	shalt  }
0x86: {  	_ =	shalt  }
0x87: {  	_ =	shalt  }
.Lfunc_end0:
.L_simem_size_0:
called_computation.3_lowered:
.L_overlay_start_0:
0x88: {  	s2 =	sld [smem:$0x3FD9]  }
0x89: {  	s3 =	sld [smem:$0x3FFE];
	_ =	sdelay $0x1  }
0x8a: {  	s1 =	srdreg.scid  }
0x8b: {  	s0 =	sand.u32 $0x1, s1  }
0x8c: {  	s14 =	sshll.u32 s0, $0xA;
	s2 =	sadd.s32 s3, s2  }
0x8d: {  	s2 =	sadd.s32 s2, s14  }
0x8e: {  	[smem:$0x3FBD] =	sst s2  }
0x8f: {  	_ = 	snop  }
0x90: {  	s2 =	sld [smem:$0x3FD0];
	_ =	sdelay $0x2  }
0x91: {  	s15 =	simm.s32 $0xA;
	s4 =	simm.s32 $0x10  }
0x92: {  	[smem:s4], [sflag:s15] =	dma.local [hbm:s2], $0x1  }
0x93: {  	_ =	swait.eq [sflag:s15], $0x1  }
0x94: {  	[sflag:s15] =	ssyncset.done $0x0  }
0x95: {  	[sflag:s15] =	ssyncadd.s32 $0xFFFFFFFF  }
0x96: {  	s16 =	sld [smem:$0x11];
	(tm) =	ssettm $0x1  }
0x97: {  	s17 =	sld [smem:$0x3FFB];
	_ =	sdelay $0x3  }
0x98: {  	_ =	strace s17  }
0x99: {  	s3 =	sld [smem:$0x3FFC];
	_ =	sdelay $0x3  }
0x9a: {  	_ =	strace s3  }
0x9b: {  	s3 =	sld [smem:$0x3FFD];
	_ =	sdelay $0x3  }
0x9c: {  	_ =	strace s3  }
0x9d: {  	_ =	strace $0x8FFFFFFF  }
0x9e: {  	s18 =	sld [smem:$0x3FDB];
	_ =	sdelay $0x1  }
0x9f: {  	s19 =	simm.s32 $_scs_section_size  }
0xa0: {  	s5 =	simm.s32 $_size__tile_overlayer_lowered;
	s6 =	simm.s32 $_tile_overlayer_lowered  }
0xa1: {  	s22 =	simm.s32 $0x1BFF;
	s21 =	sshll.u32 s6, $0x1;
	s3 =	sadd.s32 s19, s18  }
0xa2: {  	s7 =	simm.s32 $0x0;
	s20 =	sshll.u32 s5, $0x1;
	s5 =	sadd.s32 s21, s3  }
0xa3: {  	[timem:s7], [sflag:s22] =	dma.local [hbm:s5], s20  }
0xa4: {  	_ =	swait.ge [sflag:s22], s20  }
0xa5: {  	s4 =	ssub.s32 $0x0, s20;
	[sflag:s22] =	ssyncset.done $0x0  }
0xa6: {  	[sflag:s22] =	ssyncadd.s32 s4;
	_ =	sdelay $0x1  }
0xa7: {  	s23 =	simm.s32 $0x1B8B  }
0xa8: {  	_ =	swait.ge [sflag:s23], $0x1  }
0xa9: {  	[sflag:s23] =	ssyncset.done $0x0  }
0xaa: {  	s25 =	simm.s32 $0x1B8E;
	s24 =	sld [smem:$0x3FFE];
	[sflag:s23] =	ssyncadd.s32 $0xFFFFFFFF  }
0xab: {  	s26 =	simm.s32 $execute0_lowered;
	[smem:$0x3FD2] =	sst s25  }
0xac: {  	s5 =	sshll.u32 s26, $0x1;
	_ =	strace $0x8000004F;
	[dreg:$0x1] =	wrdreg $0xFFFFFFFF  }
0xad: {  	s28 =	simm.s32 $_size_execute0_lowered;
	s3 =	sadd.s32 s3, s5;
	[dreg:$0x0] =	wrdreg $0x0  }
0xae: {  	s5 =	sshll.u32 s28, $0x1;
	[dreg:$0x2] =	wrdreg s3  }
0xaf: {  	[dreg:$0x3] =	wrdreg s5  }
0xb0: {  	[dreg:$0x4] =	wrdreg $0xC0  }
0xb1: {  	_ =	task [dreg:s7], $0x5FFFF  }
0xb2: {  	[dreg:$0x1] =	wrdreg $0xFFFFFFFF  }
0xb3: {  	[dreg:$0x0] =	wrdreg $0x60  }
0xb4: {  	[dreg:$0x2] =	wrdreg s24  }
0xb5: {  	[dreg:$0x3] =	wrdreg s16  }
0xb6: {  	[dreg:$0x4] =	wrdreg $0x90000  }
0xb7: {  	[dreg:$0x5] =	wrdreg $0x9  }
0xb8: {  	_ =	task.clear_ibuf [dreg:s7], $0x6FFFF;
	_ =	strace $0x9000004F  }
0xb9: {  	s29 =	simm.s32 $0x9;
	_ =	strace $0x80000051  }
0xba: {  	_ =	swait.ge [sflag:s29], $0x1  }
0xbb: {  	[sflag:s29] =	ssyncadd.s32 $0xFFFFFFFF  }
0xbc: {  	_ =	strace $0x90000051  }
0xbd: {  	_ =	sfence  }
0xbe: {  	s30 =	sld [smem:$0x0];
	_ =	sdelay $0x2  }
0xbf: {  	s31 =	sshll.u32 s1, $0xD;
	s1 =	sshrl.u32 s1, $0x2  }
0xc0: {  	s3 =	sand.u32 $0x4000, s31;
	s1 =	sadd.s32 s1, s30  }
0xc1: {  	s0 =	sor.u32 s3, s0;
	s1 =	sshll.u32 s1, $0x11  }
0xc2: {  	s0 =	sor.u32 s1, s0  }
0xc3: {  	s0 =	sadd.s32 $0x8F2B, s0  }
0xc4: {  	[sflag:s0] =	ssyncadd.remote.s32 $0x1  }
0xc5: {  	_ =	sfence.sel $0xFFFF  }
0xc6: {  	[dreg:$0x0] =	wrdreg $0xFFFFFFFF;
	(pc) =	sbr.abs _section_cstart, $3  }
0xc7: {  	[dreg:$0x1] =	wrdreg $0xFFFFFFFF  }
0xc8: {  	_ =	task.clear_ibuf [dreg:s7], $0x2FFFF;
	_ =	strace $0x9FFFFFFF  }
0xc9: {  	(tm) =	ssettm $0x7FFFFFFF  }
tec
execute0_lowered:
.L_overlay_start_1:
0x0: {  	(tag) =	ssettag $0x1  }
0x1: {  	s5 =	rddreg [dreg:$0x0]  }
0x2: {  	s0 =	srdreg.scid;
	s6 =	rddreg [dreg:$0x1]  }
0x3: {  	s2 =	rddreg [dreg:$0x2];
	s1 =	stileid.u32  }
0x4: {  	s3 =	simm.s32 $0x0;
	s20 =	simm.s32 $0x5000;
	s21 =	simm.s32 $0x80  }
0x5: {  	s22 =	simm.s32 $0x1;
	s8 =	sand.u32 $0x1, s0;
	s0 =	rddreg [dreg:$0x3]  }
0x6: {  	s23 =	simm.s32 $0x0;
	[smem:$0x7FF] =	sst s3;
	s11 =	smul.u32 $0x50000, s1  }
0x7: {  	s16 =	sadd.s32 $0x37200, s5;
	s12 =	smul.u32 $0x14000, s1;
	s4 =	sshll.u32 s8, $0x4  }
0x8: {  	_ =	strace $0x80000050;
	s10 =	ssub.s32 $0x2, s8;
	s18 =	smul.u32 $0x140000, s8  }
0x9: {  	s4 =	sor.u32 s1, s4;
	s29 =	sshrl.u32 s10, $0x1;
	s30 =	sshrl.u32 s11, $0x2  }
0xa: {  	s31 =	sadd.s32 $0x4000, s12;
	s14 =	sadd.s32 $0x8000, s12;
	s15 =	sadd.s32 $0xC000, s12  }
0xb: {  	s19 =	sadd.s32 $0x10000, s12;
	s7 =	smul.u32 $0x500, s4;
	s4 =	sadd.s32 $0x4000, s5  }
0xc: {  	s17 =	ssub.s32 s10, s29;
	s8 =	sadd.s32 s31, s2;
	s10 =	sadd.s32 s15, s2  }
0xd: {  	s12 =	sadd.s32 s12, s18;
	s13 =	sadd.s32 s18, s31;
	s11 =	sadd.s32 s19, s2  }
0xe: {  	s15 =	sadd.s32 s18, s15;
	s12 =	sshrl.u32 s12, $0x3;
	s13 =	sshrl.u32 s13, $0x3  }
0xf: {  	s15 =	sshrl.u32 s15, $0x3;
	s17 =	smax.u32 s17, $0x1;
	s9 =	sadd.s32 s7, s5  }
0x10: {  	s5 =	sadd.s32 s6, s7;
	s7 =	sadd.s32 s30, s2;
	s12 =	sadd.s32 s16, s12  }
0x11: {  	s13 =	sadd.s32 s16, s13;
	s15 =	sadd.s32 s16, s15;
	s6 =	sadd.s32 $0x2D200, s9  }
0x12: {  	s9 =	sadd.s32 s14, s2;
	s14 =	sadd.s32 s18, s14;
	s18 =	sadd.s32 s18, s19  }
0x13: {  	s19 =	simm.s32 $0x2800;
	s14 =	sshrl.u32 s14, $0x3;
	s18 =	sshrl.u32 s18, $0x3  }
0x14: {  	v0 =	vimm.f32 $0.0e+00;
	s14 =	sadd.s32 s16, s14;
	s16 =	sadd.s32 s16, s18;
	s18 =	simm.s32 $0x2  }
.LBB2_1:
0x15: {  	[tilespmem:s3], [sflag:$0x2] =	stream.linear.gather [hbm4b:s5+s3], $0x2780, $0x38;
	[tilespmem:$0x1D000] =	vst v63  }
0x16: {  	_ =	swait.ge [sflag:s18], $0x2780  }
0x17: {  	[sflag:s18] =	ssyncset.done $0x0  }
0x18: {  	[sflag:s18] =	ssyncadd.s32 $0xFFFFD880  }
0x19: {  	[tilespmem:s19], [sflag:$0x2] =	stream.linear.gather [hbm4b:s6+s3], $0x2780, $0x38;
	[tilespmem:$0x1D000] =	vst v63  }
0x1a: {  	_ =	swait.ge [sflag:s18], $0x2780  }
0x1b: {  	[sflag:s18] =	ssyncset.done $0x0  }
0x1c: {  	s24 =	simm.s32 $0x0;
	s25 =	simm.s32 $0x200;
	[sflag:s18] =	ssyncadd.s32 $0xFFFFD880  }
.LBB2_2:
0x1d: {  	p0 =	sne.s32 s25, $0xFE00;
	[tilespmem:s24+$0x5070] =	vst v0  }
0x1e: {  	[tilespmem:s24+$0x5000] =	vst v0  }
0x1f: {  	[tilespmem:s24+$0x5010] =	vst v0  }
.Ltmp0:
0x20: {  	[tilespmem:s24+$0x5020] =	vst v0;
	(pc) =	sbr.rel @p0 .LBB2_2-.Ltmp0, $4  }
0x21: {  	[tilespmem:s24+$0x5030] =	vst v0  }
0x22: {  	[tilespmem:s24+$0x5040] =	vst v0  }
0x23: {  	[tilespmem:s24+$0x5050] =	vst v0  }
0x24: {  	[tilespmem:s24+$0x5060] =	vst v0;
	s24 =	sshra.s32 s25, $0x2;
	s25 =	sadd.s32 $0x200, s25  }
0x25: {  	[tilespmem:s24+$0x5070] =	vst v0  }
0x26: {  	[tilespmem:s24+$0x5000] =	vst v0  }
0x27: {  	[tilespmem:s24+$0x5010] =	vst v0  }
0x28: {  	[tilespmem:s24+$0x5020] =	vst v0  }
0x29: {  	[tilespmem:s24+$0x5030] =	vst v0  }
0x2a: {  	[tilespmem:s24+$0x5040] =	vst v0  }
0x2b: {  	[tilespmem:s24+$0x5050] =	vst v0  }
0x2c: {  	[tilespmem:s24+$0x5060] =	vst v0  }
0x2d: {  	[spmem:s7] =	stream.linear.scatter [tilespmem:s20], [sflag:$0x2], $0x4000, $0x38;
	[tilespmem:$0x1D000] =	vst v63  }
0x2e: {  	_ =	swait.ge [sflag:s18], $0x4000  }
0x2f: {  	[sflag:s18] =	ssyncset.done $0x0  }
0x30: {  	[sflag:s18] =	ssyncadd.s32 $0xFFFFC000  }
0x31: {  	[spmem:s8] =	stream.linear.scatter [tilespmem:s20], [sflag:$0x2], $0x4000, $0x38;
	[tilespmem:$0x1D000] =	vst v63  }
0x32: {  	_ =	swait.ge [sflag:s18], $0x4000  }
0x33: {  	[sflag:s18] =	ssyncset.done $0x0  }
0x34: {  	[sflag:s18] =	ssyncadd.s32 $0xFFFFC000  }
0x35: {  	[spmem:s9] =	stream.linear.scatter [tilespmem:s20], [sflag:$0x2], $0x4000, $0x38;
	[tilespmem:$0x1D000] =	vst v63  }
0x36: {  	_ =	swait.ge [sflag:s18], $0x4000  }
0x37: {  	[sflag:s18] =	ssyncset.done $0x0  }
0x38: {  	[sflag:s18] =	ssyncadd.s32 $0xFFFFC000  }
0x39: {  	[spmem:s10] =	stream.linear.scatter [tilespmem:s20], [sflag:$0x2], $0x4000, $0x38;
	[tilespmem:$0x1D000] =	vst v63  }
0x3a: {  	_ =	swait.ge [sflag:s18], $0x4000  }
0x3b: {  	[sflag:s18] =	ssyncset.done $0x0  }
0x3c: {  	[sflag:s18] =	ssyncadd.s32 $0xFFFFC000  }
0x3d: {  	[spmem:s11] =	stream.linear.scatter [tilespmem:s20], [sflag:$0x2], $0x4000, $0x38;
	[tilespmem:$0x1D000] =	vst v63  }
0x3e: {  	_ =	swait.ge [sflag:s18], $0x4000  }
0x3f: {  	[sflag:s18] =	ssyncset.done $0x0  }
0x40: {  	[sflag:s18] =	ssyncadd.s32 $0xFFFFC000  }
0x41: {  	s30 =	simm.s32 $0x0;
	[bflag:$0x0] =	sbarrier.arrive $0xFFFF  }
0x42: {  	[tilespmem:s20], [sflag:$0x1] =	stream.indirect.gather [hbm4b:s4+s21], $0x80, s30, s21, $0xb8;
	[tilespmem:$0x1D000] =	vst v63  }
0x43: {  	_ =	swait.ge [sflag:s22], $0x4000  }
0x44: {  	[sflag:s22] =	ssyncset.done $0x0  }
0x45: {  	s31 =	simm.s32 $0x2800;
	[sflag:s22] =	ssyncadd.s32 $0xFFFFC000  }
0x46: {  	[spmem:s2] =	stream.indirect.scatter.add.f32 [tilespmem:s20], [sflag:$0x2], $0x80, s31, s21, $0xb8;
	[tilespmem:$0x1D000] =	vst v63  }
0x47: {  	_ =	swait.ge [sflag:s18], $0x4000  }
0x48: {  	s24 =	simm.s32 $0x200;
	s25 =	simm.s32 $0x400;
	[sflag:s18] =	ssyncset.done $0x0  }
.LBB2_4:
0x49: {  	s26 =	sshra.s32 s24, $0x2  }
0x4a: {  	[sflag:s18] =	ssyncadd.s32 $0xFFFFC000;
	s24 =	smov.u32 s25;
	s28 =	sadd.s32 $0x200, s25  }
0x4b: {  	[tilespmem:s20], [sflag:$0x1] =	stream.indirect.gather [hbm4b:s4+s21], $0x80, s26, s21, $0xb8;
	[tilespmem:$0x1D000] =	vst v63  }
0x4c: {  	p0 =	sne.s32 s25, $0x9C00;
	_ =	swait.ge [sflag:s22], $0x4000  }
.Ltmp1:
0x4d: {  	[sflag:s22] =	ssyncset.done $0x0;
	(pc) =	sbr.rel @p0 .LBB2_4-.Ltmp1, $4  }
0x4e: {  	s25 =	sadd.s32 $0x2800, s26;
	[sflag:s22] =	ssyncadd.s32 $0xFFFFC000  }
0x4f: {  	[spmem:s2] =	stream.indirect.scatter.add.f32 [tilespmem:s20], [sflag:$0x2], $0x80, s25, s21, $0xb8;
	[tilespmem:$0x1D000] =	vst v63  }
0x50: {  	_ =	swait.ge [sflag:s18], $0x4000  }
0x51: {  	s25 =	smov.u32 s28;
	[sflag:s18] =	ssyncset.done $0x0  }
0x52: {  	s24 =	sshra.s32 s24, $0x2;
	[sflag:s18] =	ssyncadd.s32 $0xFFFFC000  }
0x53: {  	[tilespmem:s20], [sflag:$0x1] =	stream.indirect.gather [hbm4b:s4+s21], $0x80, s24, s21, $0xb8;
	[tilespmem:$0x1D000] =	vst v63  }
0x54: {  	_ =	swait.ge [sflag:s22], $0x4000  }
0x55: {  	[sflag:s22] =	ssyncset.done $0x0  }
0x56: {  	s24 =	sadd.s32 $0x2800, s24;
	[sflag:s22] =	ssyncadd.s32 $0xFFFFC000  }
0x57: {  	[spmem:s2] =	stream.indirect.scatter.add.f32 [tilespmem:s20], [sflag:$0x2], $0x80, s24, s21, $0xb8;
	[tilespmem:$0x1D000] =	vst v63  }
0x58: {  	_ =	swait.ge [sflag:s18], $0x4000  }
0x59: {  	[sflag:s18] =	ssyncset.done $0x0  }
0x5a: {  	s26 =	sshll.u32 s1, $0x6;
	[sflag:s18] =	ssyncadd.s32 $0xFFFFC000  }
0x5b: {  	s25 =	sshrl.u32 s7, $0x3;
	s24 =	sor.u32 $0x1C02, s26;
	[bflag:$0x0] =	sbarrier.arrive $0xFFFF  }
0x5c: {  	[hbm:s12], [sflag:s24] =	dma.local [spmem:s25], $0x800  }
0x5d: {  	_ =	swait.ge [sflag:s18], $0x800  }
0x5e: {  	[sflag:s18] =	ssyncset.done $0x0  }
0x5f: {  	s28 =	sshrl.u32 s8, $0x3;
	[sflag:s18] =	ssyncadd.s32 $0xFFFFF800  }
0x60: {  	[hbm:s13], [sflag:s24] =	dma.local [spmem:s28], $0x800  }
0x61: {  	_ =	swait.ge [sflag:s18], $0x800  }
0x62: {  	[sflag:s18] =	ssyncset.done $0x0  }
0x63: {  	s29 =	sshrl.u32 s9, $0x3;
	[sflag:s18] =	ssyncadd.s32 $0xFFFFF800  }
0x64: {  	[hbm:s14], [sflag:s24] =	dma.local [spmem:s29], $0x800  }
0x65: {  	_ =	swait.ge [sflag:s18], $0x800  }
0x66: {  	[sflag:s18] =	ssyncset.done $0x0  }
0x67: {  	s30 =	sshrl.u32 s10, $0x3;
	[sflag:s18] =	ssyncadd.s32 $0xFFFFF800  }
0x68: {  	[hbm:s15], [sflag:s24] =	dma.local [spmem:s30], $0x800  }
0x69: {  	s23 =	sadd.s32 $0x1, s23;
	_ =	swait.ge [sflag:s18], $0x800  }
0x6a: {  	p0 =	sne.s32 s23, s17;
	[sflag:s18] =	ssyncset.done $0x0  }
.Ltmp2:
0x6b: {  	s31 =	sshrl.u32 s11, $0x3;
	[sflag:s18] =	ssyncadd.s32 $0xFFFFF800;
	(pc) =	sbr.rel @p0 .LBB2_1-.Ltmp2, $4  }
0x6c: {  	[hbm:s16], [sflag:s24] =	dma.local [spmem:s31], $0x800  }
0x6d: {  	_ =	swait.ge [sflag:s18], $0x800  }
0x6e: {  	[sflag:s18] =	ssyncset.done $0x0  }
0x6f: {  	[sflag:s18] =	ssyncadd.s32 $0xFFFFF800  }
0x70: {  	_ =	sfence.sel $0x180000  }
0x71: {  	[bflag:$0x0] =	sbarrier.arrive $0xFFFF  }
0x72: {  	p0 =	sne.s32 s1, $0x0;
	_ =	strace $0x90000050  }
0x73: {  	s0 =	sadd.s32 @!p0 $0x100000, s0;
	[bflag:$0x2] =	sbarrier.arrive $0xFFFF  }
0x74: {  	[sflag:s0] =	ssyncadd.tile.s32 @!p0 $0x1;
	_ =	shalt  }
.Lfunc_end2:
_tile_overlayer_lowered:
.L_overlay_start_2:
0x75: {  	(tag) =	ssettag $0x2  }
0x76: {  	s0 =	rddreg [dreg:$0x0];
	s2 =	stileid.u32  }
0x77: {  	s1 =	rddreg [dreg:$0x1];
	p0 =	sne.s32 s2, $0x0  }
0x78: {  	s3 =	rddreg [dreg:$0x2];
	[bflag:$0x3] =	sbarrier.arrive $0xFFFF;
	s2 =	simm.s32 @!p0 $0x1C02  }
0x79: {  	[timem:s3], [sflag:s2] =	dma.local @!p0 [hbm:s0], s1  }
0x7a: {  	s0 =	simm.s32 @!p0 $0x2  }
0x7b: {  	_ =	swait.ge @!p0 [sflag:s0], s1  }
0x7c: {  	s1 =	ssub.s32 @!p0 $0x0, s1;
	[sflag:s0] =	ssyncset.done @!p0 $0x0  }
0x7d: {  	[sflag:s0] =	ssyncadd.s32 @!p0 s1  }
0x7e: {  	[bflag:$0x3] =	sbarrier.arrive $0xFFFF  }
0x7f: {  	_ =	shalt  }

// kernel: kernel.9.cloned.1.call-start
scs
__scs_entry_jumppad:
0x0: {  	(pc) =	sbr.rel $0x88, $3  }
0x1: {  	(tag) =	ssettag $0x0;
	lr =	simm.s32 $0x1  }
0x2: {  	[smem:$0x3F96] =	sst lr;
	_ =	strace $0xD0000000  }
0x3: {  	_ = 	snop  }
0x4: {  	_ = 	snop  }
0x5: {  	_ = 	snop  }
0x6: {  	_ = 	snop  }
0x7: {  	_ = 	snop  }
__scs_overlays_trampoline_lowered:
0x8: {  	[smem:$0x3FA5] =	sst s0  }
0x9: {  	[smem:$0x3FA6] =	sst s1  }
0xa: {  	[smem:$0x3FA7] =	sst s2  }
0xb: {  	[smem:$0x3FA8] =	sst s3  }
0xc: {  	[smem:$0x3FA9] =	sst s4  }
0xd: {  	[smem:$0x3FAA] =	sst s5  }
0xe: {  	[smem:$0x3FAB] =	sst s6  }
0xf: {  	[smem:$0x3FAC] =	sst s7  }
0x10: {  	[smem:$0x3FAD] =	sst s8  }
0x11: {  	[smem:$0x3FAE] =	sst s9;
	s0 =	simm.s32 @!p0 $0x0  }
0x12: {  	s1 =	sld [smem:$0x3F94];
	s0 =	simm.s32 @p0 $0x1  }
0x13: {  	[smem:$0x3FAF] =	sst s0;
	s0 =	simm.s32 @!p1 $0x0  }
0x14: {  	s2 =	sld [smem:$0x3F93];
	s0 =	simm.s32 @p1 $0x1  }
0x15: {  	[smem:$0x3FB0] =	sst s0;
	s0 =	simm.s32 @!p2 $0x0  }
0x16: {  	s3 =	sld [smem:$0x3FDB];
	s0 =	simm.s32 @p2 $0x1  }
0x17: {  	s4 =	simm.s32 $0x1BF5;
	[smem:$0x3FB2] =	sst s0  }
0x18: {  	s0 =	sld [smem:$0x3F95];
	_ =	swait.ge [sflag:s4], $0x0  }
0x19: {  	s7 =	sld [smem:$0x3F96]  }
0x1a: {  	s8 =	sadd.s32 $0xFFFFE003, lr  }
0x1b: {  	s9 =	sadd.s32 $0xFFFFFEF7, lr;
	s5 =	simm.s32 $0xFFFFFFFF;
	p2 =	slt.u32 s8, $0xFFFFF086  }
0x1c: {  	p1 =	slt.u32 s9, $0xF7A;
	s5 =	simm.s32 @!p2 $0x0  }
0x1d: {  	s5 =	simm.s32 @p1 $0x1;
	p0 =	seq.s32 s7, s2  }
0x1e: {  	s7 =	smul.u32 @!p0 $0xF7A, s2;
	p2 =	seq.s32 @!p0 s5, $0x0  }
0x1f: {  	s9 =	smul.u32 $0xF7A, s1;
	s8 =	simm.s32 @!p0 $0x1BF5;
	p2 =	por !p2, p0  }
0x20: {  	[sflag:s8] =	ssyncset.s32 @!p0 $0xFFFFF086;
	s6 =	sadd.s32 @!p0 s3, s7;
	s7 =	simm.s32 @!p0 $0x108  }
0x21: {  	s3 =	sadd.s32 s3, s9;
	s6 =	sadd.s32 @!p0 $0x88, s6;
	s7 =	simm.s32 @p2 $0x1082  }
0x22: {  	[simem:s7], [sflag:s8] =	dma.local @!p0 [hbm:s6], $0xF7A  }
0x23: {  	s9 =	sor.u32 $0xD0000000, s2;
	s6 =	simm.s32 $0x108;
	_ =	swait.ge @!p0 [sflag:s8], $0x0  }
0x24: {  	s3 =	sadd.s32 $0x88, s3;
	s6 =	simm.s32 @!p1 $0x1082;
	[sflag:s4] =	ssyncset.s32 $0xFFFFF086  }
0x25: {  	[simem:s6], [sflag:s4] =	dma.local [hbm:s3], $0xF7A  }
0x26: {  	[smem:$0x3F96] =	sst s1;
	(tag) =	ssettag s2;
	_ =	strace s9  }
0x27: {  	s1 =	sld [smem:$0x3FA6]  }
0x28: {  	s2 =	sld [smem:$0x3FA7]  }
0x29: {  	s4 =	sld [smem:$0x3FA9]  }
0x2a: {  	p0 =	seq.s32 s5, $0x0;
	s5 =	sld [smem:$0x3FAA]  }
0x2b: {  	s6 =	sld [smem:$0x3FAB]  }
0x2c: {  	s7 =	sld [smem:$0x3FAC]  }
0x2d: {  	s3 =	simm.s32 $0x108;
	s8 =	sld [smem:$0x3FAD]  }
0x2e: {  	s3 =	simm.s32 @!p0 $0x1082;
	s9 =	sld [smem:$0x3FAE]  }
0x2f: {  	lr =	sadd.s32 s0, s3;
	s0 =	sld [smem:$0x3FA5]  }
0x30: {  	s3 =	sld [smem:$0x3FA8]  }
0x31: {  	[smem:$0x3FB1] =	sst s10  }
0x32: {  	s10 =	sld [smem:$0x3FAF];
	_ =	sdelay $0x3  }
0x33: {  	p0 =	seq.s32 s10, $0x1;
	s10 =	sld [smem:$0x3FB1];
	_ =	sdelay $0x3  }
0x34: {  	[smem:$0x3FB1] =	sst s10  }
0x35: {  	s10 =	sld [smem:$0x3FB0];
	_ =	sdelay $0x3  }
0x36: {  	p1 =	seq.s32 s10, $0x1;
	s10 =	sld [smem:$0x3FB1];
	_ =	sdelay $0x3  }
0x37: {  	[smem:$0x3FB1] =	sst s10  }
0x38: {  	s10 =	sld [smem:$0x3FB2]  }
0x39: {  	_ = 	snop;
	(pc) =	sbr.ind lr, $3  }
0x3a: {  	_ = 	snop  }
0x3b: {  	_ = 	snop  }
0x3c: {  	p2 =	seq.s32 s10, $0x1;
	s10 =	sld [smem:$0x3FB1]  }
0x3d: {  	_ =	shalt  }
0x3e: {  	_ =	shalt  }
0x3f: {  	_ =	shalt  }
0x40: {  	_ =	shalt  }
0x41: {  	_ =	shalt  }
0x42: {  	_ =	shalt  }
0x43: {  	_ =	shalt  }
0x44: {  	_ =	shalt  }
0x45: {  	_ =	shalt  }
0x46: {  	_ =	shalt  }
0x47: {  	_ =	shalt  }
0x48: {  	_ =	shalt  }
0x49: {  	_ =	shalt  }
0x4a: {  	_ =	shalt  }
0x4b: {  	_ =	shalt  }
0x4c: {  	_ =	shalt  }
0x4d: {  	_ =	shalt  }
0x4e: {  	_ =	shalt  }
0x4f: {  	_ =	shalt  }
0x50: {  	_ =	shalt  }
0x51: {  	_ =	shalt  }
0x52: {  	_ =	shalt  }
0x53: {  	_ =	shalt  }
0x54: {  	_ =	shalt  }
0x55: {  	_ =	shalt  }
0x56: {  	_ =	shalt  }
0x57: {  	_ =	shalt  }
0x58: {  	_ =	shalt  }
0x59: {  	_ =	shalt  }
0x5a: {  	_ =	shalt  }
0x5b: {  	_ =	shalt  }
0x5c: {  	_ =	shalt  }
0x5d: {  	_ =	shalt  }
0x5e: {  	_ =	shalt  }
0x5f: {  	_ =	shalt  }
0x60: {  	_ =	shalt  }
0x61: {  	_ =	shalt  }
0x62: {  	_ =	shalt  }
0x63: {  	_ =	shalt  }
0x64: {  	_ =	shalt  }
0x65: {  	_ =	shalt  }
0x66: {  	_ =	shalt  }
0x67: {  	_ =	shalt  }
0x68: {  	_ =	shalt  }
0x69: {  	_ =	shalt  }
0x6a: {  	_ =	shalt  }
0x6b: {  	_ =	shalt  }
0x6c: {  	_ =	shalt  }
0x6d: {  	_ =	shalt  }
0x6e: {  	_ =	shalt  }
0x6f: {  	_ =	shalt  }
0x70: {  	_ =	shalt  }
0x71: {  	_ =	shalt  }
0x72: {  	_ =	shalt  }
0x73: {  	_ =	shalt  }
0x74: {  	_ =	shalt  }
0x75: {  	_ =	shalt  }
0x76: {  	_ =	shalt  }
0x77: {  	_ =	shalt  }
0x78: {  	_ =	shalt  }
0x79: {  	_ =	shalt  }
0x7a: {  	_ =	shalt  }
0x7b: {  	_ =	shalt  }
0x7c: {  	_ =	shalt  }
0x7d: {  	_ =	shalt  }
0x7e: {  	_ =	shalt  }
0x7f: {  	_ =	shalt  }
0x80: {  	_ =	shalt  }
0x81: {  	_ =	shalt  }
0x82: {  	_ =	shalt  }
0x83: {  	_ =	shalt  }
0x84: {  	_ =	shalt  }
0x85: {  	_ =	shalt  }
0x86: {  	_ =	shalt  }
0x87: {  	_ =	shalt  }
.Lfunc_end0:
.L_simem_size_0:
called_computation_lowered:
.L_overlay_start_0:
0x88: {  	s2 =	sld [smem:$0x3FD9]  }
0x89: {  	s3 =	sld [smem:$0x3FFE];
	_ =	sdelay $0x1  }
0x8a: {  	s1 =	srdreg.scid  }
0x8b: {  	s0 =	sand.u32 $0x1, s1  }
0x8c: {  	s14 =	sshll.u32 s0, $0xA;
	s2 =	sadd.s32 s3, s2  }
0x8d: {  	s2 =	sadd.s32 s2, s14  }
0x8e: {  	[smem:$0x3FBD] =	sst s2  }
0x8f: {  	_ = 	snop  }
0x90: {  	s2 =	sld [smem:$0x3FD0];
	_ =	sdelay $0x2  }
0x91: {  	s4 =	simm.s32 $0xA;
	s5 =	simm.s32 $0x10;
	s15 =	sld [smem:$0x3FC7]  }
0x92: {  	[smem:s5], [sflag:s4] =	dma.local [hbm:s2], $0x1  }
0x93: {  	_ =	swait.eq [sflag:s4], $0x1  }
0x94: {  	[sflag:s4] =	ssyncset.done $0x0  }
0x95: {  	s16 =	sld [smem:$0x10];
	[sflag:s4] =	ssyncadd.s32 $0xFFFFFFFF  }
0x96: {  	s17 =	sld [smem:$0x11];
	(tm) =	ssettm $0x1  }
0x97: {  	s18 =	sld [smem:$0x3FFB];
	_ =	sdelay $0x3  }
0x98: {  	_ =	strace s18  }
0x99: {  	s5 =	sld [smem:$0x3FFC];
	_ =	sdelay $0x3  }
0x9a: {  	_ =	strace s5  }
0x9b: {  	s5 =	sld [smem:$0x3FFD];
	_ =	sdelay $0x3  }
0x9c: {  	_ =	strace s5  }
0x9d: {  	_ =	strace $0x8FFFFFFF  }
0x9e: {  	s19 =	sld [smem:$0x3FDB];
	_ =	sdelay $0x1  }
0x9f: {  	s6 =	simm.s32 $_scs_section_size  }
0xa0: {  	s7 =	simm.s32 $_size__tile_overlayer_lowered;
	s8 =	simm.s32 $_tile_overlayer_lowered  }
0xa1: {  	s22 =	simm.s32 $0x1BFF;
	s21 =	sshll.u32 s8, $0x1;
	s5 =	sadd.s32 s6, s19  }
0xa2: {  	s9 =	simm.s32 $0x0;
	s20 =	sshll.u32 s7, $0x1;
	s7 =	sadd.s32 s21, s5  }
0xa3: {  	[timem:s9], [sflag:s22] =	dma.local [hbm:s7], s20  }
0xa4: {  	_ =	swait.ge [sflag:s22], s20  }
0xa5: {  	s6 =	ssub.s32 $0x0, s20;
	[sflag:s22] =	ssyncset.done $0x0  }
0xa6: {  	[sflag:s22] =	ssyncadd.s32 s6;
	_ =	sdelay $0x1  }
0xa7: {  	s23 =	simm.s32 $0x1B8B  }
0xa8: {  	_ =	swait.ge [sflag:s23], $0x1  }
0xa9: {  	[sflag:s23] =	ssyncset.done $0x0  }
0xaa: {  	s25 =	simm.s32 $0x1B8E;
	s24 =	sld [smem:$0x3FFE];
	[sflag:s23] =	ssyncadd.s32 $0xFFFFFFFF  }
0xab: {  	s26 =	simm.s32 $execute0_lowered;
	[smem:$0x3FD2] =	sst s25  }
0xac: {  	s7 =	sshll.u32 s26, $0x1;
	_ =	strace $0x80000046;
	[dreg:$0x1] =	wrdreg $0xFFFFFFFF  }
0xad: {  	s28 =	simm.s32 $_size_execute0_lowered;
	s5 =	sadd.s32 s5, s7;
	[dreg:$0x0] =	wrdreg $0x0  }
0xae: {  	s7 =	sshll.u32 s28, $0x1;
	[dreg:$0x2] =	wrdreg s5  }
0xaf: {  	[dreg:$0x3] =	wrdreg s7  }
0xb0: {  	[dreg:$0x4] =	wrdreg $0xC0  }
0xb1: {  	_ =	task [dreg:s9], $0x5FFFF  }
0xb2: {  	[dreg:$0x1] =	wrdreg $0xFFFFFFFF  }
0xb3: {  	[dreg:$0x0] =	wrdreg $0x60  }
0xb4: {  	[dreg:$0x2] =	wrdreg s24  }
0xb5: {  	[dreg:$0x3] =	wrdreg s15  }
0xb6: {  	[dreg:$0x4] =	wrdreg s17  }
0xb7: {  	[dreg:$0x5] =	wrdreg s16  }
0xb8: {  	[dreg:$0x6] =	wrdreg $0x11D000  }
0xb9: {  	[dreg:$0x7] =	wrdreg $0x9  }
0xba: {  	_ =	task.clear_ibuf [dreg:s9], $0x8FFFF;
	_ =	strace $0x90000046  }
0xbb: {  	s29 =	simm.s32 $0x9;
	_ =	strace $0x80000048  }
0xbc: {  	_ =	swait.ge [sflag:s29], $0x1  }
0xbd: {  	[sflag:s29] =	ssyncadd.s32 $0xFFFFFFFF  }
0xbe: {  	_ =	strace $0x90000048  }
0xbf: {  	_ =	sfence  }
0xc0: {  	s30 =	sld [smem:$0x0];
	_ =	sdelay $0x2  }
0xc1: {  	s31 =	sshll.u32 s1, $0xD;
	s1 =	sshrl.u32 s1, $0x2  }
0xc2: {  	s3 =	sand.u32 $0x4000, s31;
	s1 =	sadd.s32 s1, s30  }
0xc3: {  	s0 =	sor.u32 s3, s0;
	s1 =	sshll.u32 s1, $0x11  }
0xc4: {  	s0 =	sor.u32 s1, s0  }
0xc5: {  	s0 =	sadd.s32 $0x8F2B, s0  }
0xc6: {  	[sflag:s0] =	ssyncadd.remote.s32 $0x1  }
0xc7: {  	_ =	sfence.sel $0xFFFF  }
0xc8: {  	[dreg:$0x0] =	wrdreg $0xFFFFFFFF;
	(pc) =	sbr.abs _section_cstart, $3  }
0xc9: {  	[dreg:$0x1] =	wrdreg $0xFFFFFFFF  }
0xca: {  	_ =	task.clear_ibuf [dreg:s9], $0x2FFFF;
	_ =	strace $0x9FFFFFFF  }
0xcb: {  	(tm) =	ssettm $0x7FFFFFFF  }
tec
execute0_lowered:
.L_overlay_start_1:
0x0: {  	(tag) =	ssettag $0x1  }
0x1: {  	s1 =	rddreg [dreg:$0x0]  }
0x2: {  	s0 =	rddreg [dreg:$0x1]  }
0x3: {  	s2 =	rddreg [dreg:$0x2];
	s3 =	srdreg.scid  }
0x4: {  	s8 =	rddreg [dreg:$0x3];
	s13 =	stileid.u32  }
0x5: {  	s4 =	simm.s32 $0x0;
	s14 =	simm.s32 $0x50;
	s15 =	simm.s32 $0x200  }
0x6: {  	s16 =	simm.s32 $0x1;
	s17 =	simm.s32 $0x80;
	s19 =	simm.s32 $0x100  }
0x7: {  	s20 =	simm.s32 $0x5200;
	s21 =	simm.s32 $0x180;
	s22 =	simm.s32 $0x7A00  }
0x8: {  	s23 =	simm.s32 $0xA200;
	s28 =	simm.s32 $0x11A00;
	s29 =	simm.s32 $0x20  }
0x9: {  	s30 =	simm.s32 $0x10;
	s5 =	sand.u32 $0x1, s3;
	s3 =	rddreg [dreg:$0x4]  }
0xa: {  	s31 =	simm.s32 $0x0;
	[smem:$0x7FF] =	sst s4;
	s10 =	smul.u32 $0x500, s13  }
0xb: {  	s6 =	sshll.u32 s5, $0x4;
	_ =	strace $0x80000047;
	s24 =	sshll.u32 s5, $0x7  }
0xc: {  	s5 =	ssub.s32 $0x2, s5;
	s6 =	sor.u32 s13, s6;
	s13 =	smul.u32 $0xA00, s13  }
0xd: {  	s12 =	sshrl.u32 s5, $0x1;
	s7 =	smul.u32 $0x1400, s6;
	s9 =	sshll.u32 s6, $0x6  }
0xe: {  	s11 =	smul.u32 $0x500, s6;
	s6 =	sor.u32 s24, s10;
	s12 =	ssub.s32 s5, s12  }
0xf: {  	s24 =	simm.s32 $0xCA00;
	s9 =	sadd.s32 s9, s1;
	s6 =	sshrl.u32 s6, $0x3  }
0x10: {  	s26 =	sshrl.u32 s13, $0x2;
	s12 =	smax.u32 s12, $0x1;
	s13 =	simm.s32 $0x2  }
0x11: {  	s7 =	sadd.s32 s7, s1;
	s25 =	sadd.s32 s11, s1;
	s1 =	sadd.s32 s6, s1  }
0x12: {  	s5 =	sadd.s32 $0x4000, s9;
	s8 =	sadd.s32 s8, s11;
	s10 =	sadd.s32 s26, s3  }
0x13: {  	s26 =	simm.s32 $0x11A80;
	s6 =	sadd.s32 $0x5200, s7;
	s7 =	sadd.s32 s2, s11  }
0x14: {  	v0 =	vimm.f32 $0.0e+00;
	v1 =	vimm.f32 $1.000000000e+00;
	s9 =	sadd.s32 $0x2D200, s25;
	s11 =	sadd.s32 $0x4800, s1;
	s25 =	simm.s32 $0xF200  }
.LBB2_1:
0x15: {  	[tilespmem:s4], [sflag:$0x2] =	stream.linear.gather [hbm4b:s5+s4], $0x200, $0x38;
	[tilespmem:$0x11F80] =	vst v63  }
0x16: {  	_ =	swait.ge [sflag:s13], $0x200  }
0x17: {  	[sflag:s13] =	ssyncset.done $0x0  }
0x18: {  	[sflag:s13] =	ssyncadd.s32 $0xFFFFFE00  }
0x19: {  	[tilespmem:s15], [sflag:$0x1] =	stream.indirect.gather [hbm4b:s0+s14], $0x80, s4, s14, $0xb8;
	[tilespmem:$0x11F80] =	vst v63  }
0x1a: {  	_ =	swait.ge [sflag:s16], $0x2800  }
0x1b: {  	[sflag:s16] =	ssyncset.done $0x0  }
0x1c: {  	s1 =	simm.s32 $0x2A00;
	[sflag:s16] =	ssyncadd.s32 $0xFFFFD800  }
0x1d: {  	[tilespmem:s1], [sflag:$0x1] =	stream.indirect.gather [hbm4b:s0+s14], $0x80, s17, s14, $0xb8;
	[tilespmem:$0x11F80] =	vst v63  }
0x1e: {  	_ =	swait.ge [sflag:s16], $0x2800  }
0x1f: {  	[sflag:s16] =	ssyncset.done $0x0  }
0x20: {  	[sflag:s16] =	ssyncadd.s32 $0xFFFFD800  }
0x21: {  	[tilespmem:s20], [sflag:$0x1] =	stream.indirect.gather [hbm4b:s0+s14], $0x80, s19, s14, $0xb8;
	[tilespmem:$0x11F80] =	vst v63  }
0x22: {  	_ =	swait.ge [sflag:s16], $0x2800  }
0x23: {  	[sflag:s16] =	ssyncset.done $0x0  }
0x24: {  	[sflag:s16] =	ssyncadd.s32 $0xFFFFD800  }
0x25: {  	[tilespmem:s22], [sflag:$0x1] =	stream.indirect.gather [hbm4b:s0+s14], $0x80, s21, s14, $0xb8;
	[tilespmem:$0x11F80] =	vst v63  }
0x26: {  	_ =	swait.ge [sflag:s16], $0x2800  }
0x27: {  	[sflag:s16] =	ssyncset.done $0x0  }
0x28: {  	[sflag:s16] =	ssyncadd.s32 $0xFFFFD800  }
0x29: {  	[hbm4b:s6+s4] =	stream.linear.scatter [tilespmem:s15], [sflag:$0x2], $0xA000, $0x38;
	[tilespmem:$0x11F80] =	vst v63  }
0x2a: {  	_ =	swait.ge [sflag:s13], $0xA000  }
0x2b: {  	[sflag:s13] =	ssyncset.done $0x0  }
0x2c: {  	[sflag:s13] =	ssyncadd.s32 $0xFFFF6000  }
0x2d: {  	[tilespmem:s23], [sflag:$0x2] =	stream.linear.gather [hbm4b:s7+s4], $0x2780, $0x38;
	[tilespmem:$0x11F80] =	vst v63  }
0x2e: {  	_ =	swait.ge [sflag:s13], $0x2780  }
0x2f: {  	[sflag:s13] =	ssyncset.done $0x0  }
0x30: {  	[sflag:s13] =	ssyncadd.s32 $0xFFFFD880  }
0x31: {  	[tilespmem:s24], [sflag:$0x2] =	stream.linear.gather [hbm4b:s8+s4], $0x2780, $0x38;
	[tilespmem:$0x11F80] =	vst v63  }
0x32: {  	_ =	swait.ge [sflag:s13], $0x2780  }
0x33: {  	[sflag:s13] =	ssyncset.done $0x0  }
0x34: {  	s1 =	simm.s32 $0x0;
	[sflag:s13] =	ssyncadd.s32 $0xFFFFD880  }
0x35: {  	v2 =	vld [tilespmem:s1+$0xA270]  }
0x36: {  	v3 =	vld [tilespmem:s1+$0xCA70]  }
0x37: {  	v4 =	vld [tilespmem:s1+$0xA200]  }
0x38: {  	v5 =	vld [tilespmem:s1+$0xCA00]  }
0x39: {  	v6 =	vld [tilespmem:s1+$0xA210]  }
0x3a: {  	v7 =	vld [tilespmem:s1+$0xCA10]  }
0x3b: {  	v8 =	vld [tilespmem:s1+$0xA220]  }
0x3c: {  	v9 =	vld [tilespmem:s1+$0xA230]  }
0x3d: {  	vm0 =	veq.s32 v2, v3;
	v2 =	vld [tilespmem:s1+$0xCA20]  }
0x3e: {  	v10 =	vld [tilespmem:s1+$0xCA30]  }
0x3f: {  	v11 =	vld [tilespmem:s1+$0xA240]  }
0x40: {  	v3 =	vsel vm0, $0x2710, v3;
	vm0 =	veq.s32 v4, v5;
	v4 =	vld [tilespmem:s1+$0xCA40]  }
0x41: {  	[tilespmem:s1+$0xF270] =	vst v3;
	v3 =	vsel vm0, $0x2710, v5;
	vm0 =	veq.s32 v6, v7;
	v5 =	vld [tilespmem:s1+$0xA250]  }
0x42: {  	v6 =	vld [tilespmem:s1+$0xCA50];
	[tilespmem:s1+$0xF200] =	vst v3;
	v3 =	vsel vm0, $0x2710, v7;
	vm0 =	veq.s32 v8, v2  }
0x43: {  	v7 =	vld [tilespmem:s1+$0xCA60];
	[tilespmem:s1+$0xF210] =	vst v3;
	v2 =	vsel vm0, $0x2710, v2;
	vm0 =	veq.s32 v9, v10  }
0x44: {  	s2 =	simm.s32 $0x80;
	[tilespmem:s1+$0xF220] =	vst v2;
	v2 =	vld [tilespmem:s1+$0xA260];
	v8 =	vsel vm0, $0x2710, v10  }
0x45: {  	s18 =	simm.s32 $0x400;
	vm0 =	veq.s32 v11, v4;
	v3 =	vld [tilespmem:s2+$0xA270];
	[tilespmem:s1+$0xF230] =	vst v8  }
.LBB2_2:
0x46: {  	p0 =	sne.s32 s18, $0x9C00;
	v8 =	vld [tilespmem:s2+$0xCA70];
	v4 =	vsel vm0, $0x2710, v4  }
0x47: {  	v9 =	vld [tilespmem:s2+$0xA200];
	[tilespmem:s1+$0xF240] =	vst v4;
	vm0 =	veq.s32 v5, v6  }
0x48: {  	v4 =	vld [tilespmem:s2+$0xCA00];
	v5 =	vsel vm0, $0x2710, v6  }
0x49: {  	v6 =	vld [tilespmem:s2+$0xA210];
	[tilespmem:s1+$0xF250] =	vst v5;
	vm0 =	veq.s32 v2, v7  }
0x4a: {  	v2 =	vld [tilespmem:s2+$0xCA10];
	v5 =	vsel vm0, $0x2710, v7  }
0x4b: {  	v7 =	vld [tilespmem:s2+$0xA220];
	vm0 =	veq.s32 v3, v8;
	[tilespmem:s1+$0xF260] =	vst v5;
	s1 =	smov.u32 s2  }
0x4c: {  	v3 =	vld [tilespmem:s1+$0xCA20];
	v5 =	vsel vm0, $0x2710, v8  }
0x4d: {  	vm0 =	veq.s32 v9, v4;
	v8 =	vld [tilespmem:s1+$0xA230];
	[tilespmem:s1+$0xF270] =	vst v5  }
0x4e: {  	v4 =	vsel vm0, $0x2710, v4;
	v9 =	vld [tilespmem:s1+$0xCA30]  }
0x4f: {  	[tilespmem:s1+$0xF200] =	vst v4;
	vm0 =	veq.s32 v6, v2;
	v10 =	vld [tilespmem:s1+$0xA240]  }
0x50: {  	v2 =	vsel vm0, $0x2710, v2;
	v4 =	vld [tilespmem:s1+$0xCA40]  }
.Ltmp0:
0x51: {  	[tilespmem:s1+$0xF210] =	vst v2;
	vm0 =	veq.s32 v7, v3;
	v5 =	vld [tilespmem:s1+$0xA250];
	(pc) =	sbr.rel @p0 .LBB2_2-.Ltmp0, $4  }
0x52: {  	v2 =	vsel vm0, $0x2710, v3;
	v6 =	vld [tilespmem:s1+$0xCA50]  }
0x53: {  	[tilespmem:s1+$0xF220] =	vst v2;
	vm0 =	veq.s32 v8, v9;
	v2 =	vld [tilespmem:s1+$0xA260]  }
0x54: {  	s2 =	sshra.s32 s18, $0x2;
	v8 =	vsel vm0, $0x2710, v9;
	v7 =	vld [tilespmem:s1+$0xCA60]  }
0x55: {  	s18 =	sadd.s32 $0x200, s18;
	v3 =	vld [tilespmem:s2+$0xA270];
	[tilespmem:s1+$0xF230] =	vst v8;
	vm0 =	veq.s32 v10, v4  }
0x56: {  	v8 =	vld [tilespmem:s2+$0xCA70];
	v4 =	vsel vm0, $0x2710, v4  }
0x57: {  	v9 =	vld [tilespmem:s2+$0xA200];
	[tilespmem:s1+$0xF240] =	vst v4;
	vm6 =	veq.s32 v5, v6  }
0x58: {  	v4 =	vld [tilespmem:s2+$0xCA00];
	v5 =	vsel vm6, $0x2710, v6  }
0x59: {  	v54 =	vld [tilespmem:s2+$0xA210];
	[tilespmem:s1+$0xF250] =	vst v5;
	vm7 =	veq.s32 v2, v7  }
0x5a: {  	v2 =	vld [tilespmem:s2+$0xCA10];
	v55 =	vsel vm7, $0x2710, v7  }
0x5b: {  	v56 =	vld [tilespmem:s2+$0xA220];
	[tilespmem:s1+$0xF260] =	vst v55  }
0x5c: {  	vm8 =	veq.s32 v3, v8;
	v3 =	vld [tilespmem:s2+$0xCA20]  }
0x5d: {  	v58 =	vld [tilespmem:s2+$0xA230]  }
0x5e: {  	v59 =	vld [tilespmem:s2+$0xCA30]  }
0x5f: {  	v60 =	vld [tilespmem:s2+$0xA240]  }
0x60: {  	v61 =	vld [tilespmem:s2+$0xCA40]  }
0x61: {  	v62 =	vld [tilespmem:s2+$0xCA50];
	vm10 =	veq.s32 v54, v2  }
0x62: {  	v63 =	vld [tilespmem:s2+$0xCA60];
	v2 =	vsel vm10, $0x2710, v2;
	vm11 =	veq.s32 v56, v3  }
0x63: {  	[tilespmem:s2+$0xF210] =	vst v2;
	v2 =	vld [tilespmem:s2+$0xA250];
	v3 =	vsel vm11, $0x2710, v3  }
0x64: {  	[tilespmem:s2+$0xF220] =	vst v3;
	v3 =	vld [tilespmem:s2+$0xA260]  }
0x65: {  	v57 =	vsel vm8, $0x2710, v8;
	vm9 =	veq.s32 v9, v4  }
0x66: {  	[tilespmem:s2+$0xF270] =	vst v57;
	v4 =	vsel vm9, $0x2710, v4;
	vm12 =	veq.s32 v58, v59  }
0x67: {  	[tilespmem:s2+$0xF200] =	vst v4;
	vm13 =	veq.s32 v60, v61;
	v5 =	vsel vm12, $0x2710, v59  }
0x68: {  	v4 =	vsel vm13, $0x2710, v61;
	[tilespmem:s2+$0xF230] =	vst v5;
	vm14 =	veq.s32 v2, v62  }
0x69: {  	[tilespmem:s2+$0xF240] =	vst v4;
	v2 =	vsel vm14, $0x2710, v62;
	vm15 =	veq.s32 v3, v63  }
0x6a: {  	[tilespmem:s2+$0xF250] =	vst v2;
	v2 =	vsel vm15, $0x2710, v63  }
0x6b: {  	[tilespmem:s2+$0xF260] =	vst v2;
	s2 =	simm.s32 $0x0  }
0x6c: {  	[hbm4b:s9+s2] =	stream.linear.scatter [tilespmem:s25], [sflag:$0x2], $0x2780, $0x38;
	[tilespmem:$0x11F80] =	vst v63  }
0x6d: {  	_ =	swait.ge [sflag:s13], $0x2780  }
0x6e: {  	[sflag:s13] =	ssyncset.done $0x0  }
0x6f: {  	[sflag:s13] =	ssyncadd.s32 $0xFFFFD880  }
0x70: {  	[tilespmem:$0x11A80] =	vst v0  }
0x71: {  	[tilespmem:$0x11A90] =	vst v0  }
0x72: {  	[tilespmem:$0x11AA0] =	vst v0  }
0x73: {  	[tilespmem:$0x11AB0] =	vst v0  }
0x74: {  	[tilespmem:$0x11AC0] =	vst v0  }
0x75: {  	[tilespmem:$0x11AD0] =	vst v0  }
0x76: {  	[tilespmem:$0x11AE0] =	vst v0  }
0x77: {  	[tilespmem:$0x11AF0] =	vst v0  }
0x78: {  	[tilespmem:$0x11B00] =	vst v0  }
0x79: {  	[tilespmem:$0x11B10] =	vst v0  }
0x7a: {  	[tilespmem:$0x11B20] =	vst v0  }
0x7b: {  	[tilespmem:$0x11B30] =	vst v0  }
0x7c: {  	[tilespmem:$0x11B40] =	vst v0  }
0x7d: {  	[tilespmem:$0x11B50] =	vst v0  }
0x7e: {  	[tilespmem:$0x11B60] =	vst v0  }
0x7f: {  	[tilespmem:$0x11B70] =	vst v0  }
0x80: {  	[tilespmem:$0x11B80] =	vst v0  }
0x81: {  	[tilespmem:$0x11B90] =	vst v0  }
0x82: {  	[tilespmem:$0x11BA0] =	vst v0  }
0x83: {  	[tilespmem:$0x11BB0] =	vst v0  }
0x84: {  	[tilespmem:$0x11BC0] =	vst v0  }
0x85: {  	[tilespmem:$0x11BD0] =	vst v0  }
0x86: {  	[tilespmem:$0x11BE0] =	vst v0  }
0x87: {  	[tilespmem:$0x11BF0] =	vst v0  }
0x88: {  	[tilespmem:$0x11C00] =	vst v0  }
0x89: {  	[tilespmem:$0x11C10] =	vst v0  }
0x8a: {  	[tilespmem:$0x11C20] =	vst v0  }
0x8b: {  	[tilespmem:$0x11C30] =	vst v0  }
0x8c: {  	[tilespmem:$0x11C40] =	vst v0  }
0x8d: {  	[tilespmem:$0x11C50] =	vst v0  }
0x8e: {  	[tilespmem:$0x11C60] =	vst v0  }
0x8f: {  	[tilespmem:$0x11C70] =	vst v0  }
0x90: {  	[tilespmem:$0x11C80] =	vst v0  }
0x91: {  	[tilespmem:$0x11C90] =	vst v0  }
0x92: {  	[tilespmem:$0x11CA0] =	vst v0  }
0x93: {  	[tilespmem:$0x11CB0] =	vst v0  }
0x94: {  	[tilespmem:$0x11CC0] =	vst v0  }
0x95: {  	[tilespmem:$0x11CD0] =	vst v0  }
0x96: {  	[tilespmem:$0x11CE0] =	vst v0  }
0x97: {  	[tilespmem:$0x11CF0] =	vst v0  }
0x98: {  	[tilespmem:$0x11A00] =	vst v1  }
0x99: {  	[tilespmem:$0x11A10] =	vst v1  }
0x9a: {  	[tilespmem:$0x11A20] =	vst v1  }
0x9b: {  	[tilespmem:$0x11A30] =	vst v1  }
0x9c: {  	[tilespmem:$0x11A40] =	vst v1  }
0x9d: {  	[tilespmem:$0x11A50] =	vst v1  }
0x9e: {  	[tilespmem:$0x11A60] =	vst v1  }
0x9f: {  	[tilespmem:$0x11A70] =	vst v1  }
0xa0: {  	[spmem:s10] =	stream.linear.scatter [tilespmem:s26], [sflag:$0x2], $0x280, $0x38;
	[tilespmem:$0x11F80] =	vst v63  }
0xa1: {  	_ =	swait.ge [sflag:s13], $0x280  }
0xa2: {  	[sflag:s13] =	ssyncset.done $0x0  }
0xa3: {  	[sflag:s13] =	ssyncadd.s32 $0xFFFFFD80  }
0xa4: {  	s18 =	simm.s32 $0xF200;
	[bflag:$0x0] =	sbarrier.arrive $0xFFFF  }
0xa5: {  	[spmem:s3] =	stream.indirect.scatter.add.f32 [tilespmem:s28], [sflag:$0x2], $0x1, s18, s17, $0xb8;
	[tilespmem:$0x11F80] =	vst v63  }
0xa6: {  	s1 =	simm.s32 $0x200;
	_ =	swait.ge [sflag:s13], $0x80  }
.LBB2_4:
0xa7: {  	s2 =	sshra.s32 s1, $0x2;
	[sflag:s13] =	ssyncset.done $0x0;
	p0 =	sne.s32 s1, $0x9C00  }
.Ltmp1:
0xa8: {  	s2 =	sadd.s32 $0xF200, s2;
	[sflag:s13] =	ssyncadd.s32 $0xFFFFFF80;
	(pc) =	sbr.rel @p0 .LBB2_4-.Ltmp1, $3  }
0xa9: {  	[spmem:s3] =	stream.indirect.scatter.add.f32 [tilespmem:s28], [sflag:$0x2], $0x1, s2, s17, $0xb8;
	[tilespmem:$0x11F80] =	vst v63  }
0xaa: {  	s1 =	sadd.s32 $0x200, s1;
	_ =	sdelay $0x1  }
0xab: {  	_ =	swait.ge [sflag:s13], $0x80  }
0xac: {  	[sflag:s13] =	ssyncset.done $0x0  }
0xad: {  	s1 =	stileid.u32;
	s2 =	sshrl.u32 s10, $0x3;
	s31 =	sadd.s32 $0x1, s31  }
0xae: {  	[sflag:s13] =	ssyncadd.s32 $0xFFFFFF80;
	s1 =	sshll.u32 s1, $0x6;
	p0 =	sne.s32 s31, s12  }
.Ltmp2:
0xaf: {  	[bflag:$0x0] =	sbarrier.arrive $0xFFFF;
	s1 =	sor.u32 $0x1C02, s1;
	(pc) =	sbr.rel @p0 .LBB2_1-.Ltmp2, $4  }
0xb0: {  	[hbm:s11@s29], [sflag:s1] =	dma.strided [spmem:s2@s30], $0x50, s16, $0x10   }
0xb1: {  	_ =	swait.ge [sflag:s13], $0x50  }
0xb2: {  	[sflag:s13] =	ssyncset.done $0x0  }
0xb3: {  	[sflag:s13] =	ssyncadd.s32 $0xFFFFFFB0  }
0xb4: {  	_ =	sfence.sel $0x180000  }
0xb5: {  	[bflag:$0x0] =	sbarrier.arrive $0xFFFF  }
0xb6: {  	_ =	strace $0x90000047  }
0xb7: {  	s0 =	stileid.u32;
	[bflag:$0x2] =	sbarrier.arrive $0xFFFF  }
0xb8: {  	p0 =	sne.s32 s0, $0x0;
	s0 =	rddreg [dreg:$0x5]  }
0xb9: {  	s0 =	sadd.s32 @!p0 $0x100000, s0  }
0xba: {  	[sflag:s0] =	ssyncadd.tile.s32 @!p0 $0x1;
	_ =	shalt  }
.Lfunc_end2:
_tile_overlayer_lowered:
.L_overlay_start_2:
0xbb: {  	(tag) =	ssettag $0x2  }
0xbc: {  	s0 =	rddreg [dreg:$0x0];
	s2 =	stileid.u32  }
0xbd: {  	s1 =	rddreg [dreg:$0x1];
	p0 =	sne.s32 s2, $0x0  }
0xbe: {  	s3 =	rddreg [dreg:$0x2];
	[bflag:$0x3] =	sbarrier.arrive $0xFFFF;
	s2 =	simm.s32 @!p0 $0x1C02  }
0xbf: {  	[timem:s3], [sflag:s2] =	dma.local @!p0 [hbm:s0], s1  }
0xc0: {  	s0 =	simm.s32 @!p0 $0x2  }
0xc1: {  	_ =	swait.ge @!p0 [sflag:s0], s1  }
0xc2: {  	s1 =	ssub.s32 @!p0 $0x0, s1;
	[sflag:s0] =	ssyncset.done @!p0 $0x0  }
0xc3: {  	[sflag:s0] =	ssyncadd.s32 @!p0 s1  }
0xc4: {  	[bflag:$0x3] =	sbarrier.arrive $0xFFFF  }
0xc5: {  	_ =	shalt  }

</sc_bundles>
